<compile_context>
chip_gen: v7x
topology: tpu7x:2x2x1
jax: 0.10.2.dev20260603
libtpu: 0.0.44.dev20260713+nightly
codegen_flags: <defaults>
</compile_context>

<pallas_src>
import functools

import jax
import jax.numpy as jnp
from jax import lax
from jax.experimental import pallas as pl
from jax.experimental.pallas import tpu as pltpu
from jax.experimental.pallas import tpu_sc as plsc

B = 8
N = 2048
M = 2048
L = 16
CHUNK = 512
NBLK = CHUNK // L
R = 4
NGRP = NBLK // R
MBLK = M // L
BIG = 3.0e38

_mesh = plsc.VectorSubcoreMesh(core_axis_name="c", subcore_axis_name="s")


@functools.partial(
    pl.kernel,
    out_type=[
        jax.ShapeDtypeStruct((B * N,), jnp.float32),
        jax.ShapeDtypeStruct((B * M,), jnp.float32),
    ],
    mesh=_mesh,
    compiler_params=pltpu.CompilerParams(needs_layout_passes=False),
    scratch_types=[
        pltpu.VMEM((M,), jnp.float32),
        pltpu.VMEM((M,), jnp.float32),
        pltpu.VMEM((M,), jnp.float32),
        pltpu.VMEM((CHUNK,), jnp.float32),
        pltpu.VMEM((CHUNK,), jnp.float32),
        pltpu.VMEM((CHUNK,), jnp.float32),
        pltpu.VMEM((M * L,), jnp.float32),
        pltpu.VMEM((CHUNK,), jnp.float32),
        pltpu.VMEM((M,), jnp.float32),
        pltpu.VMEM((CHUNK,), jnp.float32),
        pltpu.VMEM((CHUNK,), jnp.float32),
        pltpu.VMEM((M,), jnp.float32),
        pltpu.VMEM((CHUNK,), jnp.float32),
        pltpu.VMEM_SHARED((16, M), jnp.float32),
    ],
)
def _phase1(x1x_h, x1y_h, x1z_h, x2x_h, x2y_h, x2z_h,
            d1_h, d2_h,
            x2x, x2y, x2z, x1x, x1y, x1z, colacc, d1v, cpv,
            mbuf, mout, sq2v, sq1v, shared):
    c = lax.axis_index("c")
    s = lax.axis_index("s")
    b = c * 4 + s // 4
    q = s % 4
    n0 = q * CHUNK

    pltpu.sync_copy(x2x_h.at[pl.ds(b * M, M)], x2x)
    pltpu.sync_copy(x2y_h.at[pl.ds(b * M, M)], x2y)
    pltpu.sync_copy(x2z_h.at[pl.ds(b * M, M)], x2z)
    pltpu.sync_copy(x1x_h.at[pl.ds(b * N + n0, CHUNK)], x1x)
    pltpu.sync_copy(x1y_h.at[pl.ds(b * N + n0, CHUNK)], x1y)
    pltpu.sync_copy(x1z_h.at[pl.ds(b * N + n0, CHUNK)], x1z)

    inf_v = jnp.full((L,), BIG, jnp.float32)

    def bf16_round(v):
        u = plsc.bitcast(v, jnp.uint32)
        r = (u + jnp.uint32(0x7FFF) + ((u >> jnp.uint32(16)) & jnp.uint32(1)))
        r = r & jnp.uint32(0xFFFF0000)
        return plsc.bitcast(r, jnp.float32)

    def prep2_body(i, _):
        sl = pl.ds(i * L, L)
        vx = x2x[sl]; vy = x2y[sl]; vz = x2z[sl]
        sq2v[sl] = vx * vx + vy * vy + vz * vz
        x2x[sl] = bf16_round(vx)
        x2y[sl] = bf16_round(vy)
        x2z[sl] = bf16_round(vz)
        return 0
    lax.fori_loop(0, MBLK, prep2_body, 0)

    def prep1_body(i, _):
        sl = pl.ds(i * L, L)
        vx = x1x[sl]; vy = x1y[sl]; vz = x1z[sl]
        sq1v[sl] = vx * vx + vy * vy + vz * vz
        x1x[sl] = -2.0 * bf16_round(vx)
        x1y[sl] = -2.0 * bf16_round(vy)
        x1z[sl] = -2.0 * bf16_round(vz)
        return 0
    lax.fori_loop(0, NBLK, prep1_body, 0)

    def init_body(i, _):
        colacc[pl.ds(i * L, L)] = inf_v
        return 0
    lax.fori_loop(0, M, init_body, 0)

    def group_body(g, _):
        xs = []
        for r in range(R):
            off = (g * R + r) * L
            xs.append((x1x[pl.ds(off, L)],
                       x1y[pl.ds(off, L)],
                       x1z[pl.ds(off, L)],
                       sq1v[pl.ds(off, L)]))

        def mb_body(mb, rowmins):
            new = list(rowmins)
            v2x = x2x[pl.ds(mb * L, L)]
            v2y = x2y[pl.ds(mb * L, L)]
            v2z = x2z[pl.ds(mb * L, L)]
            vs2 = sq2v[pl.ds(mb * L, L)]
            for j in range(L):
                m = mb * L + j
                sx = v2x[j]
                sy = v2y[j]
                sz = v2z[j]
                s2 = vs2[j]
                ds_ = []
                for r in range(R):
                    t = xs[r][0] * sx + xs[r][1] * sy + xs[r][2] * sz
                    d = (xs[r][3] + s2) + t
                    new[r] = jnp.minimum(new[r], d)
                    ds_.append(d)
                cmin = jnp.minimum(jnp.minimum(ds_[0], ds_[1]),
                                   jnp.minimum(ds_[2], ds_[3]))
                sl_m = pl.ds(m * L, L)
                colacc[sl_m] = jnp.minimum(colacc[sl_m], cmin)
            return tuple(new)

        rowmins = lax.fori_loop(0, MBLK, mb_body, (inf_v,) * R)
        for r in range(R):
            d1v[pl.ds((g * R + r) * L, L)] = jnp.maximum(rowmins[r], 0.0)
        return 0
    lax.fori_loop(0, NGRP, group_body, 0)

    lane_iota = lax.iota(jnp.int32, L)

    def reduce_body(i, _):
        m_base = i * L
        acc = inf_v
        for j in range(L):
            row = colacc[pl.ds((m_base + j) * L, L)]
            acc = jnp.where(lane_iota == j, jnp.min(row), acc)
        cpv[pl.ds(m_base, L)] = jnp.maximum(acc, 0.0)
        return 0
    lax.fori_loop(0, MBLK, reduce_body, 0)

    pltpu.sync_copy(d1v, d1_h.at[pl.ds(b * N + n0, CHUNK)])

    pltpu.sync_copy(cpv, shared.at[s])
    plsc.subcore_barrier()
    m0 = q * CHUNK
    base_row = (s // 4) * 4
    pltpu.sync_copy(shared.at[base_row, pl.ds(m0, CHUNK)], mout)
    for k in range(1, 4):
        pltpu.sync_copy(shared.at[base_row + k, pl.ds(m0, CHUNK)], mbuf)

        def merge_body(i, _, _k=k):
            sl = pl.ds(i * L, L)
            mout[sl] = jnp.minimum(mout[sl], mbuf[sl])
            return 0
        lax.fori_loop(0, CHUNK // L, merge_body, 0)
    pltpu.sync_copy(mout, d2_h.at[pl.ds(b * M + m0, CHUNK)])


def _split_body(x_ref, ox_ref, oy_ref, oz_ref):
    v = x_ref[...]
    ox_ref[...] = v[:, 0]
    oy_ref[...] = v[:, 1]
    oz_ref[...] = v[:, 2]


SPLIT_BLK = 2048
_split = pl.pallas_call(
    _split_body,
    grid=(B * N // SPLIT_BLK,),
    in_specs=[pl.BlockSpec((SPLIT_BLK, 3), lambda i: (i, 0))],
    out_specs=[pl.BlockSpec((SPLIT_BLK,), lambda i: (i,))] * 3,
    out_shape=[jax.ShapeDtypeStruct((B * N,), jnp.float32)] * 3,
)


def _unflatten_body(x_ref, o_ref):
    o_ref[...] = x_ref[...].reshape(B, N)


_unflatten = pl.pallas_call(
    _unflatten_body,
    out_shape=jax.ShapeDtypeStruct((B, N), jnp.float32),
)


def kernel(input1, input2):
    x1x, x1y, x1z = _split(input1.reshape(B * N, 3))
    x2x, x2y, x2z = _split(input2.reshape(B * M, 3))
    d1, d2 = _phase1(x1x, x1y, x1z, x2x, x2y, x2z)
    return _unflatten(d1), _unflatten(d2)

# --- scband reference (transcript-rebuilt; emitter-appended) ---
"""Pipeline reference for scband-nndmodule-33844342293198 (READ-ONLY COPY).

The authoritative reference and input builder live on the scoring server;
editing this copy changes nothing except your own understanding.
"""

import jax, jax.numpy as jnp
import numpy as np


def setup_inputs(seed: int = 0) -> dict:
    key = jax.random.key(seed)
    k1, k2 = jax.random.split(key)
    input1 = jax.random.normal(k1, (8, 2048, 3), dtype=jnp.float32)
    input2 = jax.random.normal(k2, (8, 2048, 3), dtype=jnp.float32)
    return {"input1": input1, "input2": input2}


def reference(input1, input2):
    # nndistance (Chamfer-style nearest-neighbor squared distances)
    # input1: [B, N, 3], input2: [B, M, 3]
    # dist1[b, n] = min_m ||input1[b,n] - input2[b,m]||^2
    # dist2[b, m] = min_n ||input1[b,n] - input2[b,m]||^2
    sq1 = jnp.sum(input1 * input1, axis=-1)  # [B, N]
    sq2 = jnp.sum(input2 * input2, axis=-1)  # [B, M]
    inner = jnp.einsum('bnd,bmd->bnm', input1, input2)  # [B, N, M]
    d = sq1[:, :, None] + sq2[:, None, :] - 2.0 * inner  # [B, N, M]
    d = jnp.maximum(d, 0.0)
    dist1 = jnp.min(d, axis=2)  # [B, N]
    dist2 = jnp.min(d, axis=1)  # [B, M]
    return dist1, dist2

if __name__ == "__main__":
    import jax
    _d = setup_inputs()
    print(jax.jit(kernel)(*tuple(_d.values())))

</pallas_src>

<mosaic_0001>
#map = affine_map<(d0, d1) -> (0)>
module attributes {stable_mosaic.version = 14 : i64} {
  func.func @_phase1(%arg0: i32, %arg1: i32, %arg2: memref<16384xf32, #tpu.memory_space<hbm>>, %arg3: memref<16384xf32, #tpu.memory_space<hbm>>, %arg4: memref<16384xf32, #tpu.memory_space<hbm>>, %arg5: memref<16384xf32, #tpu.memory_space<hbm>>, %arg6: memref<16384xf32, #tpu.memory_space<hbm>>, %arg7: memref<16384xf32, #tpu.memory_space<hbm>>, %arg8: memref<16384xf32, #tpu.memory_space<hbm>>, %arg9: memref<16384xf32, #tpu.memory_space<hbm>>, %arg10: memref<2048xf32, #tpu.memory_space<vmem>>, %arg11: memref<2048xf32, #tpu.memory_space<vmem>>, %arg12: memref<2048xf32, #tpu.memory_space<vmem>>, %arg13: memref<512xf32, #tpu.memory_space<vmem>>, %arg14: memref<512xf32, #tpu.memory_space<vmem>>, %arg15: memref<512xf32, #tpu.memory_space<vmem>>, %arg16: memref<32768xf32, #tpu.memory_space<vmem>>, %arg17: memref<512xf32, #tpu.memory_space<vmem>>, %arg18: memref<2048xf32, #tpu.memory_space<vmem>>, %arg19: memref<512xf32, #tpu.memory_space<vmem>>, %arg20: memref<512xf32, #tpu.memory_space<vmem>>, %arg21: memref<2048xf32, #tpu.memory_space<vmem>>, %arg22: memref<512xf32, #tpu.memory_space<vmem>>, %arg23: memref<16x2048xf32, #tpu.memory_space<vmem_shared>>) attributes {dimension_semantics = [#tpu.dimension_semantics<core_parallel>, #tpu.dimension_semantics<subcore_parallel>], iteration_bounds = array<i64: 2, 16>, scalar_prefetch = 0 : i64, scratch_operands = 14 : i64, tpu.core_type = #tpu.core_type<sc_vector_subcore>, window_params = [{transform_indices = #map}, {transform_indices = #map}, {transform_indices = #map}, {transform_indices = #map}, {transform_indices = #map}, {transform_indices = #map}, {transform_indices = #map}, {transform_indices = #map}]} {
    %mul3A = arith.constant 4 : i32
    %mul3A_0 = arith.muli %arg0, %mul3A : i32
    %jit3A = arith.constant 4 : i32
    %div3A = arith.divsi %arg1, %jit3A : i32
    %sign3A = arith.constant 0 : i32
    %sign3A_1 = arith.cmpi sgt, %arg1, %sign3A : i32
    %sign3A_2 = arith.extui %sign3A_1 : i1 to i32
    %sign3A_3 = arith.constant 0 : i32
    %sign3A_4 = arith.cmpi slt, %arg1, %sign3A_3 : i32
    %sign3A_5 = arith.extui %sign3A_4 : i1 to i32
    %sign3A_6 = arith.subi %sign3A_2, %sign3A_5 : i32
    %sign3A_7 = arith.constant 0 : i32
    %sign3A_8 = arith.cmpi sgt, %jit3A, %sign3A_7 : i32
    %sign3A_9 = arith.extui %sign3A_8 : i1 to i32
    %sign3A_10 = arith.constant 0 : i32
    %sign3A_11 = arith.cmpi slt, %jit3A, %sign3A_10 : i32
    %sign3A_12 = arith.extui %sign3A_11 : i1 to i32
    %sign3A_13 = arith.subi %sign3A_9, %sign3A_12 : i32
    %ne3A = arith.cmpi ne, %sign3A_6, %sign3A_13 : i32
    %rem3A = arith.remsi %arg1, %jit3A : i32
    %ne3A_14 = arith.constant 0 : i32
    %ne3A_15 = arith.cmpi ne, %rem3A, %ne3A_14 : i32
    %and3A = arith.andi %ne3A, %ne3A_15 : i1
    %sub3A = arith.constant 1 : i32
    %sub3A_16 = arith.subi %div3A, %sub3A : i32
    %select_n3A = arith.select %and3A, %sub3A_16, %div3A : i32
    %add3A = arith.addi %mul3A_0, %select_n3A : i32
    %jit3A_17 = arith.constant 4 : i32
    %eq3A = arith.constant 0 : i32
    %eq3A_18 = arith.cmpi eq, %jit3A_17, %eq3A : i32
    %jit3A_19 = arith.constant 1 : i32
    %select_n3A_20 = arith.select %eq3A_18, %jit3A_19, %jit3A_17 : i32
    %rem3A_21 = arith.remsi %arg1, %select_n3A_20 : i32
    %ne3A_22 = arith.constant 0 : i32
    %ne3A_23 = arith.cmpi ne, %rem3A_21, %ne3A_22 : i32
    %lt3A = arith.constant 0 : i32
    %lt3A_24 = arith.cmpi slt, %rem3A_21, %lt3A : i32
    %lt3A_25 = arith.constant 0 : i32
    %lt3A_26 = arith.cmpi slt, %select_n3A_20, %lt3A_25 : i32
    %ne3A_27 = arith.xori %lt3A_24, %lt3A_26 : i1
    %and3A_28 = arith.andi %ne3A_27, %ne3A_23 : i1
    %add3A_29 = arith.addi %rem3A_21, %select_n3A_20 : i32
    %select_n3A_30 = arith.select %and3A_28, %add3A_29, %rem3A_21 : i32
    %mul3A_31 = arith.constant 512 : i32
    %mul3A_32 = arith.muli %select_n3A_30, %mul3A_31 : i32
    %mul3A_33 = arith.constant 2048 : i32
    %mul3A_34 = arith.muli %add3A, %mul3A_33 : i32
    "tpu.region"() ({
      %run_scoped3A = tpu.sem_alloc : memref<!tpu.dma_semaphore, #tpu.memory_space<semaphore_mem>>
      %dma_start3A = tpu.memref_slice %arg5[%mul3A_34] : memref<16384xf32, #tpu.memory_space<hbm>> -> memref<2048xf32, #tpu.memory_space<hbm>>
      %dma_start3A_144 = tpu.memref_slice %arg5[%mul3A_34] : memref<16384xf32, #tpu.memory_space<hbm>> -> memref<2048xf32, #tpu.memory_space<hbm>>
      tpu.enqueue_dma source(%dma_start3A_144 : memref<2048xf32, #tpu.memory_space<hbm>>) target(%arg10 : memref<2048xf32, #tpu.memory_space<vmem>>) target_semaphore(%run_scoped3A : memref<!tpu.dma_semaphore, #tpu.memory_space<semaphore_mem>>)
      %dma_wait3A = tpu.memref_slice %arg5[%mul3A_34] : memref<16384xf32, #tpu.memory_space<hbm>> -> memref<2048xf32, #tpu.memory_space<hbm>>
      %dma_wait3A_145 = tpu.memref_slice %arg5[%mul3A_34] : memref<16384xf32, #tpu.memory_space<hbm>> -> memref<2048xf32, #tpu.memory_space<hbm>>
      tpu.wait_dma2 semaphore(%run_scoped3A : memref<!tpu.dma_semaphore, #tpu.memory_space<semaphore_mem>>) src(%dma_wait3A_145 : memref<2048xf32, #tpu.memory_space<hbm>>) dst(%arg10 : memref<2048xf32, #tpu.memory_space<vmem>>)
      tpu.yield
    }) : () -> ()
    %mul3A_35 = arith.constant 2048 : i32
    %mul3A_36 = arith.muli %add3A, %mul3A_35 : i32
    "tpu.region"() ({
      %run_scoped3A = tpu.sem_alloc : memref<!tpu.dma_semaphore, #tpu.memory_space<semaphore_mem>>
      %dma_start3A = tpu.memref_slice %arg6[%mul3A_36] : memref<16384xf32, #tpu.memory_space<hbm>> -> memref<2048xf32, #tpu.memory_space<hbm>>
      %dma_start3A_144 = tpu.memref_slice %arg6[%mul3A_36] : memref<16384xf32, #tpu.memory_space<hbm>> -> memref<2048xf32, #tpu.memory_space<hbm>>
      tpu.enqueue_dma source(%dma_start3A_144 : memref<2048xf32, #tpu.memory_space<hbm>>) target(%arg11 : memref<2048xf32, #tpu.memory_space<vmem>>) target_semaphore(%run_scoped3A : memref<!tpu.dma_semaphore, #tpu.memory_space<semaphore_mem>>)
      %dma_wait3A = tpu.memref_slice %arg6[%mul3A_36] : memref<16384xf32, #tpu.memory_space<hbm>> -> memref<2048xf32, #tpu.memory_space<hbm>>
      %dma_wait3A_145 = tpu.memref_slice %arg6[%mul3A_36] : memref<16384xf32, #tpu.memory_space<hbm>> -> memref<2048xf32, #tpu.memory_space<hbm>>
      tpu.wait_dma2 semaphore(%run_scoped3A : memref<!tpu.dma_semaphore, #tpu.memory_space<semaphore_mem>>) src(%dma_wait3A_145 : memref<2048xf32, #tpu.memory_space<hbm>>) dst(%arg11 : memref<2048xf32, #tpu.memory_space<vmem>>)
      tpu.yield
    }) : () -> ()
    %mul3A_37 = arith.constant 2048 : i32
    %mul3A_38 = arith.muli %add3A, %mul3A_37 : i32
    "tpu.region"() ({
      %run_scoped3A = tpu.sem_alloc : memref<!tpu.dma_semaphore, #tpu.memory_space<semaphore_mem>>
      %dma_start3A = tpu.memref_slice %arg7[%mul3A_38] : memref<16384xf32, #tpu.memory_space<hbm>> -> memref<2048xf32, #tpu.memory_space<hbm>>
      %dma_start3A_144 = tpu.memref_slice %arg7[%mul3A_38] : memref<16384xf32, #tpu.memory_space<hbm>> -> memref<2048xf32, #tpu.memory_space<hbm>>
      tpu.enqueue_dma source(%dma_start3A_144 : memref<2048xf32, #tpu.memory_space<hbm>>) target(%arg12 : memref<2048xf32, #tpu.memory_space<vmem>>) target_semaphore(%run_scoped3A : memref<!tpu.dma_semaphore, #tpu.memory_space<semaphore_mem>>)
      %dma_wait3A = tpu.memref_slice %arg7[%mul3A_38] : memref<16384xf32, #tpu.memory_space<hbm>> -> memref<2048xf32, #tpu.memory_space<hbm>>
      %dma_wait3A_145 = tpu.memref_slice %arg7[%mul3A_38] : memref<16384xf32, #tpu.memory_space<hbm>> -> memref<2048xf32, #tpu.memory_space<hbm>>
      tpu.wait_dma2 semaphore(%run_scoped3A : memref<!tpu.dma_semaphore, #tpu.memory_space<semaphore_mem>>) src(%dma_wait3A_145 : memref<2048xf32, #tpu.memory_space<hbm>>) dst(%arg12 : memref<2048xf32, #tpu.memory_space<vmem>>)
      tpu.yield
    }) : () -> ()
    %mul3A_39 = arith.constant 2048 : i32
    %mul3A_40 = arith.muli %add3A, %mul3A_39 : i32
    %add3A_41 = arith.addi %mul3A_40, %mul3A_32 : i32
    "tpu.region"() ({
      %run_scoped3A = tpu.sem_alloc : memref<!tpu.dma_semaphore, #tpu.memory_space<semaphore_mem>>
      %dma_start3A = tpu.memref_slice %arg2[%add3A_41] : memref<16384xf32, #tpu.memory_space<hbm>> -> memref<512xf32, #tpu.memory_space<hbm>>
      %dma_start3A_144 = tpu.memref_slice %arg2[%add3A_41] : memref<16384xf32, #tpu.memory_space<hbm>> -> memref<512xf32, #tpu.memory_space<hbm>>
      tpu.enqueue_dma source(%dma_start3A_144 : memref<512xf32, #tpu.memory_space<hbm>>) target(%arg13 : memref<512xf32, #tpu.memory_space<vmem>>) target_semaphore(%run_scoped3A : memref<!tpu.dma_semaphore, #tpu.memory_space<semaphore_mem>>)
      %dma_wait3A = tpu.memref_slice %arg2[%add3A_41] : memref<16384xf32, #tpu.memory_space<hbm>> -> memref<512xf32, #tpu.memory_space<hbm>>
      %dma_wait3A_145 = tpu.memref_slice %arg2[%add3A_41] : memref<16384xf32, #tpu.memory_space<hbm>> -> memref<512xf32, #tpu.memory_space<hbm>>
      tpu.wait_dma2 semaphore(%run_scoped3A : memref<!tpu.dma_semaphore, #tpu.memory_space<semaphore_mem>>) src(%dma_wait3A_145 : memref<512xf32, #tpu.memory_space<hbm>>) dst(%arg13 : memref<512xf32, #tpu.memory_space<vmem>>)
      tpu.yield
    }) : () -> ()
    %mul3A_42 = arith.constant 2048 : i32
    %mul3A_43 = arith.muli %add3A, %mul3A_42 : i32
    %add3A_44 = arith.addi %mul3A_43, %mul3A_32 : i32
    "tpu.region"() ({
      %run_scoped3A = tpu.sem_alloc : memref<!tpu.dma_semaphore, #tpu.memory_space<semaphore_mem>>
      %dma_start3A = tpu.memref_slice %arg3[%add3A_44] : memref<16384xf32, #tpu.memory_space<hbm>> -> memref<512xf32, #tpu.memory_space<hbm>>
      %dma_start3A_144 = tpu.memref_slice %arg3[%add3A_44] : memref<16384xf32, #tpu.memory_space<hbm>> -> memref<512xf32, #tpu.memory_space<hbm>>
      tpu.enqueue_dma source(%dma_start3A_144 : memref<512xf32, #tpu.memory_space<hbm>>) target(%arg14 : memref<512xf32, #tpu.memory_space<vmem>>) target_semaphore(%run_scoped3A : memref<!tpu.dma_semaphore, #tpu.memory_space<semaphore_mem>>)
      %dma_wait3A = tpu.memref_slice %arg3[%add3A_44] : memref<16384xf32, #tpu.memory_space<hbm>> -> memref<512xf32, #tpu.memory_space<hbm>>
      %dma_wait3A_145 = tpu.memref_slice %arg3[%add3A_44] : memref<16384xf32, #tpu.memory_space<hbm>> -> memref<512xf32, #tpu.memory_space<hbm>>
      tpu.wait_dma2 semaphore(%run_scoped3A : memref<!tpu.dma_semaphore, #tpu.memory_space<semaphore_mem>>) src(%dma_wait3A_145 : memref<512xf32, #tpu.memory_space<hbm>>) dst(%arg14 : memref<512xf32, #tpu.memory_space<vmem>>)
      tpu.yield
    }) : () -> ()
    %mul3A_45 = arith.constant 2048 : i32
    %mul3A_46 = arith.muli %add3A, %mul3A_45 : i32
    %add3A_47 = arith.addi %mul3A_46, %mul3A_32 : i32
    "tpu.region"() ({
      %run_scoped3A = tpu.sem_alloc : memref<!tpu.dma_semaphore, #tpu.memory_space<semaphore_mem>>
      %dma_start3A = tpu.memref_slice %arg4[%add3A_47] : memref<16384xf32, #tpu.memory_space<hbm>> -> memref<512xf32, #tpu.memory_space<hbm>>
      %dma_start3A_144 = tpu.memref_slice %arg4[%add3A_47] : memref<16384xf32, #tpu.memory_space<hbm>> -> memref<512xf32, #tpu.memory_space<hbm>>
      tpu.enqueue_dma source(%dma_start3A_144 : memref<512xf32, #tpu.memory_space<hbm>>) target(%arg15 : memref<512xf32, #tpu.memory_space<vmem>>) target_semaphore(%run_scoped3A : memref<!tpu.dma_semaphore, #tpu.memory_space<semaphore_mem>>)
      %dma_wait3A = tpu.memref_slice %arg4[%add3A_47] : memref<16384xf32, #tpu.memory_space<hbm>> -> memref<512xf32, #tpu.memory_space<hbm>>
      %dma_wait3A_145 = tpu.memref_slice %arg4[%add3A_47] : memref<16384xf32, #tpu.memory_space<hbm>> -> memref<512xf32, #tpu.memory_space<hbm>>
      tpu.wait_dma2 semaphore(%run_scoped3A : memref<!tpu.dma_semaphore, #tpu.memory_space<semaphore_mem>>) src(%dma_wait3A_145 : memref<512xf32, #tpu.memory_space<hbm>>) dst(%arg15 : memref<512xf32, #tpu.memory_space<vmem>>)
      tpu.yield
    }) : () -> ()
    %broadcast_in_dim3A = arith.constant 3.000000e+38 : f32
    %broadcast_in_dim3A_48 = vector.broadcast %broadcast_in_dim3A : f32 to vector<16xf32>
    %scan3A = arith.constant 0 : i32
    %scan3A_49 = arith.constant 0 : i32
    %scan3A_50 = arith.constant 128 : i32
    %scan3A_51 = arith.addi %scan3A_49, %scan3A_50 : i32
    %scan3A_52 = arith.constant 1 : i32
    %scan3A_53 = scf.for %scan3A_144 = %scan3A_49 to %scan3A_51 step %scan3A_52 iter_args(%scan3A_145 = %scan3A) -> (i32)  : i32 {
      %mul3A_146 = arith.constant 16 : i32
      %mul3A_147 = arith.muli %scan3A_144, %mul3A_146 : i32
      %get3A = arith.index_cast %mul3A_147 : i32 to index
      %get3A_148 = tpu.vector_load %arg10[%get3A] {strides = array<i32>} : memref<2048xf32, #tpu.memory_space<vmem>>, vector<16xf32>,
      %get3A_149 = arith.index_cast %mul3A_147 : i32 to index
      %get3A_150 = tpu.vector_load %arg11[%get3A_149] {strides = array<i32>} : memref<2048xf32, #tpu.memory_space<vmem>>, vector<16xf32>,
      %get3A_151 = arith.index_cast %mul3A_147 : i32 to index
      %get3A_152 = tpu.vector_load %arg12[%get3A_151] {strides = array<i32>} : memref<2048xf32, #tpu.memory_space<vmem>>, vector<16xf32>,
      %mul3A_153 = arith.mulf %get3A_148, %get3A_148 : vector<16xf32>
      %mul3A_154 = arith.mulf %get3A_150, %get3A_150 : vector<16xf32>
      %add3A_155 = arith.addf %mul3A_153, %mul3A_154 : vector<16xf32>
      %mul3A_156 = arith.mulf %get3A_152, %get3A_152 : vector<16xf32>
      %add3A_157 = arith.addf %add3A_155, %mul3A_156 : vector<16xf32>
      %swap3A = arith.index_cast %mul3A_147 : i32 to index
      %swap3A_158 = tpu.vector_load %arg21[%swap3A] {strides = array<i32>} : memref<2048xf32, #tpu.memory_space<vmem>>, vector<16xf32>,
      tpu.vector_store %arg21[%swap3A], %add3A_157 {strides = array<i32>} : memref<2048xf32, #tpu.memory_space<vmem>>, vector<16xf32>,
      %bitcast3A = vector.bitcast %get3A_148 : vector<16xf32> to vector<16xi32>
      %add3A_159 = arith.constant 32767 : i32
      %add3A_160 = vector.broadcast %add3A_159 : i32 to vector<16xi32>
      %add3A_161 = arith.addi %bitcast3A, %add3A_160 : vector<16xi32>
      %shift_right_logical3A = arith.constant 16 : i32
      %shift_right_logical3A_162 = vector.broadcast %shift_right_logical3A : i32 to vector<16xi32>
      %shift_right_logical3A_163 = arith.shrui %bitcast3A, %shift_right_logical3A_162 : vector<16xi32>
      %and3A_164 = arith.constant 1 : i32
      %and3A_165 = vector.broadcast %and3A_164 : i32 to vector<16xi32>
      %and3A_166 = arith.andi %shift_right_logical3A_163, %and3A_165 : vector<16xi32>
      %add3A_167 = arith.addi %add3A_161, %and3A_166 : vector<16xi32>
      %and3A_168 = arith.constant -65536 : i32
      %and3A_169 = vector.broadcast %and3A_168 : i32 to vector<16xi32>
      %and3A_170 = arith.andi %add3A_167, %and3A_169 : vector<16xi32>
      %bitcast3A_171 = vector.bitcast %and3A_170 : vector<16xi32> to vector<16xf32>
      %swap3A_172 = arith.index_cast %mul3A_147 : i32 to index
      %swap3A_173 = tpu.vector_load %arg10[%swap3A_172] {strides = array<i32>} : memref<2048xf32, #tpu.memory_space<vmem>>, vector<16xf32>,
      tpu.vector_store %arg10[%swap3A_172], %bitcast3A_171 {strides = array<i32>} : memref<2048xf32, #tpu.memory_space<vmem>>, vector<16xf32>,
      %bitcast3A_174 = vector.bitcast %get3A_150 : vector<16xf32> to vector<16xi32>
      %add3A_175 = arith.constant 32767 : i32
      %add3A_176 = vector.broadcast %add3A_175 : i32 to vector<16xi32>
      %add3A_177 = arith.addi %bitcast3A_174, %add3A_176 : vector<16xi32>
      %shift_right_logical3A_178 = arith.constant 16 : i32
      %shift_right_logical3A_179 = vector.broadcast %shift_right_logical3A_178 : i32 to vector<16xi32>
      %shift_right_logical3A_180 = arith.shrui %bitcast3A_174, %shift_right_logical3A_179 : vector<16xi32>
      %and3A_181 = arith.constant 1 : i32
      %and3A_182 = vector.broadcast %and3A_181 : i32 to vector<16xi32>
      %and3A_183 = arith.andi %shift_right_logical3A_180, %and3A_182 : vector<16xi32>
      %add3A_184 = arith.addi %add3A_177, %and3A_183 : vector<16xi32>
      %and3A_185 = arith.constant -65536 : i32
      %and3A_186 = vector.broadcast %and3A_185 : i32 to vector<16xi32>
      %and3A_187 = arith.andi %add3A_184, %and3A_186 : vector<16xi32>
      %bitcast3A_188 = vector.bitcast %and3A_187 : vector<16xi32> to vector<16xf32>
      %swap3A_189 = arith.index_cast %mul3A_147 : i32 to index
      %swap3A_190 = tpu.vector_load %arg11[%swap3A_189] {strides = array<i32>} : memref<2048xf32, #tpu.memory_space<vmem>>, vector<16xf32>,
      tpu.vector_store %arg11[%swap3A_189], %bitcast3A_188 {strides = array<i32>} : memref<2048xf32, #tpu.memory_space<vmem>>, vector<16xf32>,
      %bitcast3A_191 = vector.bitcast %get3A_152 : vector<16xf32> to vector<16xi32>
      %add3A_192 = arith.constant 32767 : i32
      %add3A_193 = vector.broadcast %add3A_192 : i32 to vector<16xi32>
      %add3A_194 = arith.addi %bitcast3A_191, %add3A_193 : vector<16xi32>
      %shift_right_logical3A_195 = arith.constant 16 : i32
      %shift_right_logical3A_196 = vector.broadcast %shift_right_logical3A_195 : i32 to vector<16xi32>
      %shift_right_logical3A_197 = arith.shrui %bitcast3A_191, %shift_right_logical3A_196 : vector<16xi32>
      %and3A_198 = arith.constant 1 : i32
      %and3A_199 = vector.broadcast %and3A_198 : i32 to vector<16xi32>
      %and3A_200 = arith.andi %shift_right_logical3A_197, %and3A_199 : vector<16xi32>
      %add3A_201 = arith.addi %add3A_194, %and3A_200 : vector<16xi32>
      %and3A_202 = arith.constant -65536 : i32
      %and3A_203 = vector.broadcast %and3A_202 : i32 to vector<16xi32>
      %and3A_204 = arith.andi %add3A_201, %and3A_203 : vector<16xi32>
      %bitcast3A_205 = vector.bitcast %and3A_204 : vector<16xi32> to vector<16xf32>
      %swap3A_206 = arith.index_cast %mul3A_147 : i32 to index
      %swap3A_207 = tpu.vector_load %arg12[%swap3A_206] {strides = array<i32>} : memref<2048xf32, #tpu.memory_space<vmem>>, vector<16xf32>,
      tpu.vector_store %arg12[%swap3A_206], %bitcast3A_205 {strides = array<i32>} : memref<2048xf32, #tpu.memory_space<vmem>>, vector<16xf32>,
      %scan3A_208 = arith.constant 0 : i32
      scf.yield %scan3A_208 : i32
    }
    %scan3A_54 = arith.constant 128 : i32
    %scan3A_55 = arith.constant 0 : i32
    %scan3A_56 = arith.constant 0 : i32
    %scan3A_57 = arith.constant 32 : i32
    %scan3A_58 = arith.addi %scan3A_56, %scan3A_57 : i32
    %scan3A_59 = arith.constant 1 : i32
    %scan3A_60 = scf.for %scan3A_144 = %scan3A_56 to %scan3A_58 step %scan3A_59 iter_args(%scan3A_145 = %scan3A_55) -> (i32)  : i32 {
      %mul3A_146 = arith.constant 16 : i32
      %mul3A_147 = arith.muli %scan3A_144, %mul3A_146 : i32
      %get3A = arith.index_cast %mul3A_147 : i32 to index
      %get3A_148 = tpu.vector_load %arg13[%get3A] {strides = array<i32>} : memref<512xf32, #tpu.memory_space<vmem>>, vector<16xf32>,
      %get3A_149 = arith.index_cast %mul3A_147 : i32 to index
      %get3A_150 = tpu.vector_load %arg14[%get3A_149] {strides = array<i32>} : memref<512xf32, #tpu.memory_space<vmem>>, vector<16xf32>,
      %get3A_151 = arith.index_cast %mul3A_147 : i32 to index
      %get3A_152 = tpu.vector_load %arg15[%get3A_151] {strides = array<i32>} : memref<512xf32, #tpu.memory_space<vmem>>, vector<16xf32>,
      %mul3A_153 = arith.mulf %get3A_148, %get3A_148 : vector<16xf32>
      %mul3A_154 = arith.mulf %get3A_150, %get3A_150 : vector<16xf32>
      %add3A_155 = arith.addf %mul3A_153, %mul3A_154 : vector<16xf32>
      %mul3A_156 = arith.mulf %get3A_152, %get3A_152 : vector<16xf32>
      %add3A_157 = arith.addf %add3A_155, %mul3A_156 : vector<16xf32>
      %swap3A = arith.index_cast %mul3A_147 : i32 to index
      %swap3A_158 = tpu.vector_load %arg22[%swap3A] {strides = array<i32>} : memref<512xf32, #tpu.memory_space<vmem>>, vector<16xf32>,
      tpu.vector_store %arg22[%swap3A], %add3A_157 {strides = array<i32>} : memref<512xf32, #tpu.memory_space<vmem>>, vector<16xf32>,
      %bitcast3A = vector.bitcast %get3A_148 : vector<16xf32> to vector<16xi32>
      %add3A_159 = arith.constant 32767 : i32
      %add3A_160 = vector.broadcast %add3A_159 : i32 to vector<16xi32>
      %add3A_161 = arith.addi %bitcast3A, %add3A_160 : vector<16xi32>
      %shift_right_logical3A = arith.constant 16 : i32
      %shift_right_logical3A_162 = vector.broadcast %shift_right_logical3A : i32 to vector<16xi32>
      %shift_right_logical3A_163 = arith.shrui %bitcast3A, %shift_right_logical3A_162 : vector<16xi32>
      %and3A_164 = arith.constant 1 : i32
      %and3A_165 = vector.broadcast %and3A_164 : i32 to vector<16xi32>
      %and3A_166 = arith.andi %shift_right_logical3A_163, %and3A_165 : vector<16xi32>
      %add3A_167 = arith.addi %add3A_161, %and3A_166 : vector<16xi32>
      %and3A_168 = arith.constant -65536 : i32
      %and3A_169 = vector.broadcast %and3A_168 : i32 to vector<16xi32>
      %and3A_170 = arith.andi %add3A_167, %and3A_169 : vector<16xi32>
      %bitcast3A_171 = vector.bitcast %and3A_170 : vector<16xi32> to vector<16xf32>
      %mul3A_172 = arith.constant -2.000000e+00 : f32
      %mul3A_173 = vector.broadcast %mul3A_172 : f32 to vector<16xf32>
      %mul3A_174 = arith.mulf %mul3A_173, %bitcast3A_171 : vector<16xf32>
      %swap3A_175 = arith.index_cast %mul3A_147 : i32 to index
      %swap3A_176 = tpu.vector_load %arg13[%swap3A_175] {strides = array<i32>} : memref<512xf32, #tpu.memory_space<vmem>>, vector<16xf32>,
      tpu.vector_store %arg13[%swap3A_175], %mul3A_174 {strides = array<i32>} : memref<512xf32, #tpu.memory_space<vmem>>, vector<16xf32>,
      %bitcast3A_177 = vector.bitcast %get3A_150 : vector<16xf32> to vector<16xi32>
      %add3A_178 = arith.constant 32767 : i32
      %add3A_179 = vector.broadcast %add3A_178 : i32 to vector<16xi32>
      %add3A_180 = arith.addi %bitcast3A_177, %add3A_179 : vector<16xi32>
      %shift_right_logical3A_181 = arith.constant 16 : i32
      %shift_right_logical3A_182 = vector.broadcast %shift_right_logical3A_181 : i32 to vector<16xi32>
      %shift_right_logical3A_183 = arith.shrui %bitcast3A_177, %shift_right_logical3A_182 : vector<16xi32>
      %and3A_184 = arith.constant 1 : i32
      %and3A_185 = vector.broadcast %and3A_184 : i32 to vector<16xi32>
      %and3A_186 = arith.andi %shift_right_logical3A_183, %and3A_185 : vector<16xi32>
      %add3A_187 = arith.addi %add3A_180, %and3A_186 : vector<16xi32>
      %and3A_188 = arith.constant -65536 : i32
      %and3A_189 = vector.broadcast %and3A_188 : i32 to vector<16xi32>
      %and3A_190 = arith.andi %add3A_187, %and3A_189 : vector<16xi32>
      %bitcast3A_191 = vector.bitcast %and3A_190 : vector<16xi32> to vector<16xf32>
      %mul3A_192 = arith.constant -2.000000e+00 : f32
      %mul3A_193 = vector.broadcast %mul3A_192 : f32 to vector<16xf32>
      %mul3A_194 = arith.mulf %mul3A_193, %bitcast3A_191 : vector<16xf32>
      %swap3A_195 = arith.index_cast %mul3A_147 : i32 to index
      %swap3A_196 = tpu.vector_load %arg14[%swap3A_195] {strides = array<i32>} : memref<512xf32, #tpu.memory_space<vmem>>, vector<16xf32>,
      tpu.vector_store %arg14[%swap3A_195], %mul3A_194 {strides = array<i32>} : memref<512xf32, #tpu.memory_space<vmem>>, vector<16xf32>,
      %bitcast3A_197 = vector.bitcast %get3A_152 : vector<16xf32> to vector<16xi32>
      %add3A_198 = arith.constant 32767 : i32
      %add3A_199 = vector.broadcast %add3A_198 : i32 to vector<16xi32>
      %add3A_200 = arith.addi %bitcast3A_197, %add3A_199 : vector<16xi32>
      %shift_right_logical3A_201 = arith.constant 16 : i32
      %shift_right_logical3A_202 = vector.broadcast %shift_right_logical3A_201 : i32 to vector<16xi32>
      %shift_right_logical3A_203 = arith.shrui %bitcast3A_197, %shift_right_logical3A_202 : vector<16xi32>
      %and3A_204 = arith.constant 1 : i32
      %and3A_205 = vector.broadcast %and3A_204 : i32 to vector<16xi32>
      %and3A_206 = arith.andi %shift_right_logical3A_203, %and3A_205 : vector<16xi32>
      %add3A_207 = arith.addi %add3A_200, %and3A_206 : vector<16xi32>
      %and3A_208 = arith.constant -65536 : i32
      %and3A_209 = vector.broadcast %and3A_208 : i32 to vector<16xi32>
      %and3A_210 = arith.andi %add3A_207, %and3A_209 : vector<16xi32>
      %bitcast3A_211 = vector.bitcast %and3A_210 : vector<16xi32> to vector<16xf32>
      %mul3A_212 = arith.constant -2.000000e+00 : f32
      %mul3A_213 = vector.broadcast %mul3A_212 : f32 to vector<16xf32>
      %mul3A_214 = arith.mulf %mul3A_213, %bitcast3A_211 : vector<16xf32>
      %swap3A_215 = arith.index_cast %mul3A_147 : i32 to index
      %swap3A_216 = tpu.vector_load %arg15[%swap3A_215] {strides = array<i32>} : memref<512xf32, #tpu.memory_space<vmem>>, vector<16xf32>,
      tpu.vector_store %arg15[%swap3A_215], %mul3A_214 {strides = array<i32>} : memref<512xf32, #tpu.memory_space<vmem>>, vector<16xf32>,
      %scan3A_217 = arith.constant 0 : i32
      scf.yield %scan3A_217 : i32
    }
    %scan3A_61 = arith.constant 32 : i32
    %scan3A_62 = arith.constant 0 : i32
    %scan3A_63 = arith.constant 0 : i32
    %scan3A_64 = arith.constant 2048 : i32
    %scan3A_65 = arith.addi %scan3A_63, %scan3A_64 : i32
    %scan3A_66 = arith.constant 1 : i32
    %scan3A_67 = scf.for %scan3A_144 = %scan3A_63 to %scan3A_65 step %scan3A_66 iter_args(%scan3A_145 = %scan3A_62) -> (i32)  : i32 {
      %mul3A_146 = arith.constant 16 : i32
      %mul3A_147 = arith.muli %scan3A_144, %mul3A_146 : i32
      %swap3A = arith.index_cast %mul3A_147 : i32 to index
      %swap3A_148 = tpu.vector_load %arg16[%swap3A] {strides = array<i32>} : memref<32768xf32, #tpu.memory_space<vmem>>, vector<16xf32>,
      tpu.vector_store %arg16[%swap3A], %broadcast_in_dim3A_48 {strides = array<i32>} : memref<32768xf32, #tpu.memory_space<vmem>>, vector<16xf32>,
      %scan3A_149 = arith.constant 0 : i32
      scf.yield %scan3A_149 : i32
    }
    %scan3A_68 = arith.constant 2048 : i32
    %scan3A_69 = arith.constant 0 : i32
    %scan3A_70 = arith.constant 0 : i32
    %scan3A_71 = arith.constant 8 : i32
    %scan3A_72 = arith.addi %scan3A_70, %scan3A_71 : i32
    %scan3A_73 = arith.constant 1 : i32
    %scan3A_74 = scf.for %scan3A_144 = %scan3A_70 to %scan3A_72 step %scan3A_73 iter_args(%scan3A_145 = %scan3A_69) -> (i32)  : i32 {
      %mul3A_146 = arith.constant 4 : i32
      %mul3A_147 = arith.muli %scan3A_144, %mul3A_146 : i32
      %add3A_148 = arith.constant 0 : i32
      %add3A_149 = arith.addi %mul3A_147, %add3A_148 : i32
      %mul3A_150 = arith.constant 16 : i32
      %mul3A_151 = arith.muli %add3A_149, %mul3A_150 : i32
      %get3A = arith.index_cast %mul3A_151 : i32 to index
      %get3A_152 = tpu.vector_load %arg13[%get3A] {strides = array<i32>} : memref<512xf32, #tpu.memory_space<vmem>>, vector<16xf32>,
      %get3A_153 = arith.index_cast %mul3A_151 : i32 to index
      %get3A_154 = tpu.vector_load %arg14[%get3A_153] {strides = array<i32>} : memref<512xf32, #tpu.memory_space<vmem>>, vector<16xf32>,
      %get3A_155 = arith.index_cast %mul3A_151 : i32 to index
      %get3A_156 = tpu.vector_load %arg15[%get3A_155] {strides = array<i32>} : memref<512xf32, #tpu.memory_space<vmem>>, vector<16xf32>,
      %get3A_157 = arith.index_cast %mul3A_151 : i32 to index
      %get3A_158 = tpu.vector_load %arg22[%get3A_157] {strides = array<i32>} : memref<512xf32, #tpu.memory_space<vmem>>, vector<16xf32>,
      %mul3A_159 = arith.constant 4 : i32
      %mul3A_160 = arith.muli %scan3A_144, %mul3A_159 : i32
      %add3A_161 = arith.constant 1 : i32
      %add3A_162 = arith.addi %mul3A_160, %add3A_161 : i32
      %mul3A_163 = arith.constant 16 : i32
      %mul3A_164 = arith.muli %add3A_162, %mul3A_163 : i32
      %get3A_165 = arith.index_cast %mul3A_164 : i32 to index
      %get3A_166 = tpu.vector_load %arg13[%get3A_165] {strides = array<i32>} : memref<512xf32, #tpu.memory_space<vmem>>, vector<16xf32>,
      %get3A_167 = arith.index_cast %mul3A_164 : i32 to index
      %get3A_168 = tpu.vector_load %arg14[%get3A_167] {strides = array<i32>} : memref<512xf32, #tpu.memory_space<vmem>>, vector<16xf32>,
      %get3A_169 = arith.index_cast %mul3A_164 : i32 to index
      %get3A_170 = tpu.vector_load %arg15[%get3A_169] {strides = array<i32>} : memref<512xf32, #tpu.memory_space<vmem>>, vector<16xf32>,
      %get3A_171 = arith.index_cast %mul3A_164 : i32 to index
      %get3A_172 = tpu.vector_load %arg22[%get3A_171] {strides = array<i32>} : memref<512xf32, #tpu.memory_space<vmem>>, vector<16xf32>,
      %mul3A_173 = arith.constant 4 : i32
      %mul3A_174 = arith.muli %scan3A_144, %mul3A_173 : i32
      %add3A_175 = arith.constant 2 : i32
      %add3A_176 = arith.addi %mul3A_174, %add3A_175 : i32
      %mul3A_177 = arith.constant 16 : i32
      %mul3A_178 = arith.muli %add3A_176, %mul3A_177 : i32
      %get3A_179 = arith.index_cast %mul3A_178 : i32 to index
      %get3A_180 = tpu.vector_load %arg13[%get3A_179] {strides = array<i32>} : memref<512xf32, #tpu.memory_space<vmem>>, vector<16xf32>,
      %get3A_181 = arith.index_cast %mul3A_178 : i32 to index
      %get3A_182 = tpu.vector_load %arg14[%get3A_181] {strides = array<i32>} : memref<512xf32, #tpu.memory_space<vmem>>, vector<16xf32>,
      %get3A_183 = arith.index_cast %mul3A_178 : i32 to index
      %get3A_184 = tpu.vector_load %arg15[%get3A_183] {strides = array<i32>} : memref<512xf32, #tpu.memory_space<vmem>>, vector<16xf32>,
      %get3A_185 = arith.index_cast %mul3A_178 : i32 to index
      %get3A_186 = tpu.vector_load %arg22[%get3A_185] {strides = array<i32>} : memref<512xf32, #tpu.memory_space<vmem>>, vector<16xf32>,
      %mul3A_187 = arith.constant 4 : i32
      %mul3A_188 = arith.muli %scan3A_144, %mul3A_187 : i32
      %add3A_189 = arith.constant 3 : i32
      %add3A_190 = arith.addi %mul3A_188, %add3A_189 : i32
      %mul3A_191 = arith.constant 16 : i32
      %mul3A_192 = arith.muli %add3A_190, %mul3A_191 : i32
      %get3A_193 = arith.index_cast %mul3A_192 : i32 to index
      %get3A_194 = tpu.vector_load %arg13[%get3A_193] {strides = array<i32>} : memref<512xf32, #tpu.memory_space<vmem>>, vector<16xf32>,
      %get3A_195 = arith.index_cast %mul3A_192 : i32 to index
      %get3A_196 = tpu.vector_load %arg14[%get3A_195] {strides = array<i32>} : memref<512xf32, #tpu.memory_space<vmem>>, vector<16xf32>,
      %get3A_197 = arith.index_cast %mul3A_192 : i32 to index
      %get3A_198 = tpu.vector_load %arg15[%get3A_197] {strides = array<i32>} : memref<512xf32, #tpu.memory_space<vmem>>, vector<16xf32>,
      %get3A_199 = arith.index_cast %mul3A_192 : i32 to index
      %get3A_200 = tpu.vector_load %arg22[%get3A_199] {strides = array<i32>} : memref<512xf32, #tpu.memory_space<vmem>>, vector<16xf32>,
      %scan3A_201 = arith.constant 0 : i32
      %scan3A_202 = arith.constant 128 : i32
      %scan3A_203 = arith.addi %scan3A_201, %scan3A_202 : i32
      %scan3A_204 = arith.constant 1 : i32
      %scan3A_205:4 = scf.for %scan3A_250 = %scan3A_201 to %scan3A_203 step %scan3A_204 iter_args(%scan3A_251 = %broadcast_in_dim3A_48, %scan3A_252 = %broadcast_in_dim3A_48, %scan3A_253 = %broadcast_in_dim3A_48, %scan3A_254 = %broadcast_in_dim3A_48) -> (vector<16xf32>, vector<16xf32>, vector<16xf32>, vector<16xf32>)  : i32 {
        %mul3A_255 = arith.constant 16 : i32
        %mul3A_256 = arith.muli %scan3A_250, %mul3A_255 : i32
        %get3A_257 = arith.index_cast %mul3A_256 : i32 to index
        %get3A_258 = tpu.vector_load %arg10[%get3A_257] {strides = array<i32>} : memref<2048xf32, #tpu.memory_space<vmem>>, vector<16xf32>,
        %mul3A_259 = arith.constant 16 : i32
        %mul3A_260 = arith.muli %scan3A_250, %mul3A_259 : i32
        %get3A_261 = arith.index_cast %mul3A_260 : i32 to index
        %get3A_262 = tpu.vector_load %arg11[%get3A_261] {strides = array<i32>} : memref<2048xf32, #tpu.memory_space<vmem>>, vector<16xf32>,
        %mul3A_263 = arith.constant 16 : i32
        %mul3A_264 = arith.muli %scan3A_250, %mul3A_263 : i32
        %get3A_265 = arith.index_cast %mul3A_264 : i32 to index
        %get3A_266 = tpu.vector_load %arg12[%get3A_265] {strides = array<i32>} : memref<2048xf32, #tpu.memory_space<vmem>>, vector<16xf32>,
        %mul3A_267 = arith.constant 16 : i32
        %mul3A_268 = arith.muli %scan3A_250, %mul3A_267 : i32
        %get3A_269 = arith.index_cast %mul3A_268 : i32 to index
        %get3A_270 = tpu.vector_load %arg21[%get3A_269] {strides = array<i32>} : memref<2048xf32, #tpu.memory_space<vmem>>, vector<16xf32>,
        %mul3A_271 = arith.constant 16 : i32
        %mul3A_272 = arith.muli %scan3A_250, %mul3A_271 : i32
        %add3A_273 = arith.constant 0 : i32
        %add3A_274 = arith.addi %mul3A_272, %add3A_273 : i32
        %slice3A = vector.extract_strided_slice %get3A_258 {offsets = [0], sizes = [1], strides = [1]} : vector<16xf32> to vector<1xf32>
        %squeeze3A = vector.extract %slice3A[0] : f32 from vector<1xf32>
        %slice3A_275 = vector.extract_strided_slice %get3A_262 {offsets = [0], sizes = [1], strides = [1]} : vector<16xf32> to vector<1xf32>
        %squeeze3A_276 = vector.extract %slice3A_275[0] : f32 from vector<1xf32>
        %slice3A_277 = vector.extract_strided_slice %get3A_266 {offsets = [0], sizes = [1], strides = [1]} : vector<16xf32> to vector<1xf32>
        %squeeze3A_278 = vector.extract %slice3A_277[0] : f32 from vector<1xf32>
        %slice3A_279 = vector.extract_strided_slice %get3A_270 {offsets = [0], sizes = [1], strides = [1]} : vector<16xf32> to vector<1xf32>
        %squeeze3A_280 = vector.extract %slice3A_279[0] : f32 from vector<1xf32>
        %mul3A_281 = vector.broadcast %squeeze3A : f32 to vector<16xf32>
        %mul3A_282 = arith.mulf %get3A_152, %mul3A_281 : vector<16xf32>
        %mul3A_283 = vector.broadcast %squeeze3A_276 : f32 to vector<16xf32>
        %mul3A_284 = arith.mulf %get3A_154, %mul3A_283 : vector<16xf32>
        %add3A_285 = arith.addf %mul3A_282, %mul3A_284 : vector<16xf32>
        %mul3A_286 = vector.broadcast %squeeze3A_278 : f32 to vector<16xf32>
        %mul3A_287 = arith.mulf %get3A_156, %mul3A_286 : vector<16xf32>
        %add3A_288 = arith.addf %add3A_285, %mul3A_287 : vector<16xf32>
        %add3A_289 = vector.broadcast %squeeze3A_280 : f32 to vector<16xf32>
        %add3A_290 = arith.addf %get3A_158, %add3A_289 : vector<16xf32>
        %add3A_291 = arith.addf %add3A_290, %add3A_288 : vector<16xf32>
        %min3A = arith.minimumf %scan3A_251, %add3A_291 : vector<16xf32>
        %mul3A_292 = vector.broadcast %squeeze3A : f32 to vector<16xf32>
        %mul3A_293 = arith.mulf %get3A_166, %mul3A_292 : vector<16xf32>
        %mul3A_294 = vector.broadcast %squeeze3A_276 : f32 to vector<16xf32>
        %mul3A_295 = arith.mulf %get3A_168, %mul3A_294 : vector<16xf32>
        %add3A_296 = arith.addf %mul3A_293, %mul3A_295 : vector<16xf32>
        %mul3A_297 = vector.broadcast %squeeze3A_278 : f32 to vector<16xf32>
        %mul3A_298 = arith.mulf %get3A_170, %mul3A_297 : vector<16xf32>
        %add3A_299 = arith.addf %add3A_296, %mul3A_298 : vector<16xf32>
        %add3A_300 = vector.broadcast %squeeze3A_280 : f32 to vector<16xf32>
        %add3A_301 = arith.addf %get3A_172, %add3A_300 : vector<16xf32>
        %add3A_302 = arith.addf %add3A_301, %add3A_299 : vector<16xf32>
        %min3A_303 = arith.minimumf %scan3A_252, %add3A_302 : vector<16xf32>
        %mul3A_304 = vector.broadcast %squeeze3A : f32 to vector<16xf32>
        %mul3A_305 = arith.mulf %get3A_180, %mul3A_304 : vector<16xf32>
        %mul3A_306 = vector.broadcast %squeeze3A_276 : f32 to vector<16xf32>
        %mul3A_307 = arith.mulf %get3A_182, %mul3A_306 : vector<16xf32>
        %add3A_308 = arith.addf %mul3A_305, %mul3A_307 : vector<16xf32>
        %mul3A_309 = vector.broadcast %squeeze3A_278 : f32 to vector<16xf32>
        %mul3A_310 = arith.mulf %get3A_184, %mul3A_309 : vector<16xf32>
        %add3A_311 = arith.addf %add3A_308, %mul3A_310 : vector<16xf32>
        %add3A_312 = vector.broadcast %squeeze3A_280 : f32 to vector<16xf32>
        %add3A_313 = arith.addf %get3A_186, %add3A_312 : vector<16xf32>
        %add3A_314 = arith.addf %add3A_313, %add3A_311 : vector<16xf32>
        %min3A_315 = arith.minimumf %scan3A_253, %add3A_314 : vector<16xf32>
        %mul3A_316 = vector.broadcast %squeeze3A : f32 to vector<16xf32>
        %mul3A_317 = arith.mulf %get3A_194, %mul3A_316 : vector<16xf32>
        %mul3A_318 = vector.broadcast %squeeze3A_276 : f32 to vector<16xf32>
        %mul3A_319 = arith.mulf %get3A_196, %mul3A_318 : vector<16xf32>
        %add3A_320 = arith.addf %mul3A_317, %mul3A_319 : vector<16xf32>
        %mul3A_321 = vector.broadcast %squeeze3A_278 : f32 to vector<16xf32>
        %mul3A_322 = arith.mulf %get3A_198, %mul3A_321 : vector<16xf32>
        %add3A_323 = arith.addf %add3A_320, %mul3A_322 : vector<16xf32>
        %add3A_324 = vector.broadcast %squeeze3A_280 : f32 to vector<16xf32>
        %add3A_325 = arith.addf %get3A_200, %add3A_324 : vector<16xf32>
        %add3A_326 = arith.addf %add3A_325, %add3A_323 : vector<16xf32>
        %min3A_327 = arith.minimumf %scan3A_254, %add3A_326 : vector<16xf32>
        %min3A_328 = arith.minimumf %add3A_291, %add3A_302 : vector<16xf32>
        %min3A_329 = arith.minimumf %add3A_314, %add3A_326 : vector<16xf32>
        %min3A_330 = arith.minimumf %min3A_328, %min3A_329 : vector<16xf32>
        %mul3A_331 = arith.constant 16 : i32
        %mul3A_332 = arith.muli %add3A_274, %mul3A_331 : i32
        %get3A_333 = arith.index_cast %mul3A_332 : i32 to index
        %get3A_334 = tpu.vector_load %arg16[%get3A_333] {strides = array<i32>} : memref<32768xf32, #tpu.memory_space<vmem>>, vector<16xf32>,
        %min3A_335 = arith.minimumf %get3A_334, %min3A_330 : vector<16xf32>
        %swap3A_336 = arith.index_cast %mul3A_332 : i32 to index
        %swap3A_337 = tpu.vector_load %arg16[%swap3A_336] {strides = array<i32>} : memref<32768xf32, #tpu.memory_space<vmem>>, vector<16xf32>,
        tpu.vector_store %arg16[%swap3A_336], %min3A_335 {strides = array<i32>} : memref<32768xf32, #tpu.memory_space<vmem>>, vector<16xf32>,
        %mul3A_338 = arith.constant 16 : i32
        %mul3A_339 = arith.muli %scan3A_250, %mul3A_338 : i32
        %add3A_340 = arith.constant 1 : i32
        %add3A_341 = arith.addi %mul3A_339, %add3A_340 : i32
        %slice3A_342 = vector.extract_strided_slice %get3A_258 {offsets = [1], sizes = [1], strides = [1]} : vector<16xf32> to vector<1xf32>
        %squeeze3A_343 = vector.extract %slice3A_342[0] : f32 from vector<1xf32>
        %slice3A_344 = vector.extract_strided_slice %get3A_262 {offsets = [1], sizes = [1], strides = [1]} : vector<16xf32> to vector<1xf32>
        %squeeze3A_345 = vector.extract %slice3A_344[0] : f32 from vector<1xf32>
        %slice3A_346 = vector.extract_strided_slice %get3A_266 {offsets = [1], sizes = [1], strides = [1]} : vector<16xf32> to vector<1xf32>
        %squeeze3A_347 = vector.extract %slice3A_346[0] : f32 from vector<1xf32>
        %slice3A_348 = vector.extract_strided_slice %get3A_270 {offsets = [1], sizes = [1], strides = [1]} : vector<16xf32> to vector<1xf32>
        %squeeze3A_349 = vector.extract %slice3A_348[0] : f32 from vector<1xf32>
        %mul3A_350 = vector.broadcast %squeeze3A_343 : f32 to vector<16xf32>
        %mul3A_351 = arith.mulf %get3A_152, %mul3A_350 : vector<16xf32>
        %mul3A_352 = vector.broadcast %squeeze3A_345 : f32 to vector<16xf32>
        %mul3A_353 = arith.mulf %get3A_154, %mul3A_352 : vector<16xf32>
        %add3A_354 = arith.addf %mul3A_351, %mul3A_353 : vector<16xf32>
        %mul3A_355 = vector.broadcast %squeeze3A_347 : f32 to vector<16xf32>
        %mul3A_356 = arith.mulf %get3A_156, %mul3A_355 : vector<16xf32>
        %add3A_357 = arith.addf %add3A_354, %mul3A_356 : vector<16xf32>
        %add3A_358 = vector.broadcast %squeeze3A_349 : f32 to vector<16xf32>
        %add3A_359 = arith.addf %get3A_158, %add3A_358 : vector<16xf32>
        %add3A_360 = arith.addf %add3A_359, %add3A_357 : vector<16xf32>
        %min3A_361 = arith.minimumf %min3A, %add3A_360 : vector<16xf32>
        %mul3A_362 = vector.broadcast %squeeze3A_343 : f32 to vector<16xf32>
        %mul3A_363 = arith.mulf %get3A_166, %mul3A_362 : vector<16xf32>
        %mul3A_364 = vector.broadcast %squeeze3A_345 : f32 to vector<16xf32>
        %mul3A_365 = arith.mulf %get3A_168, %mul3A_364 : vector<16xf32>
        %add3A_366 = arith.addf %mul3A_363, %mul3A_365 : vector<16xf32>
        %mul3A_367 = vector.broadcast %squeeze3A_347 : f32 to vector<16xf32>
        %mul3A_368 = arith.mulf %get3A_170, %mul3A_367 : vector<16xf32>
        %add3A_369 = arith.addf %add3A_366, %mul3A_368 : vector<16xf32>
        %add3A_370 = vector.broadcast %squeeze3A_349 : f32 to vector<16xf32>
        %add3A_371 = arith.addf %get3A_172, %add3A_370 : vector<16xf32>
        %add3A_372 = arith.addf %add3A_371, %add3A_369 : vector<16xf32>
        %min3A_373 = arith.minimumf %min3A_303, %add3A_372 : vector<16xf32>
        %mul3A_374 = vector.broadcast %squeeze3A_343 : f32 to vector<16xf32>
        %mul3A_375 = arith.mulf %get3A_180, %mul3A_374 : vector<16xf32>
        %mul3A_376 = vector.broadcast %squeeze3A_345 : f32 to vector<16xf32>
        %mul3A_377 = arith.mulf %get3A_182, %mul3A_376 : vector<16xf32>
        %add3A_378 = arith.addf %mul3A_375, %mul3A_377 : vector<16xf32>
        %mul3A_379 = vector.broadcast %squeeze3A_347 : f32 to vector<16xf32>
        %mul3A_380 = arith.mulf %get3A_184, %mul3A_379 : vector<16xf32>
        %add3A_381 = arith.addf %add3A_378, %mul3A_380 : vector<16xf32>
        %add3A_382 = vector.broadcast %squeeze3A_349 : f32 to vector<16xf32>
        %add3A_383 = arith.addf %get3A_186, %add3A_382 : vector<16xf32>
        %add3A_384 = arith.addf %add3A_383, %add3A_381 : vector<16xf32>
        %min3A_385 = arith.minimumf %min3A_315, %add3A_384 : vector<16xf32>
        %mul3A_386 = vector.broadcast %squeeze3A_343 : f32 to vector<16xf32>
        %mul3A_387 = arith.mulf %get3A_194, %mul3A_386 : vector<16xf32>
        %mul3A_388 = vector.broadcast %squeeze3A_345 : f32 to vector<16xf32>
        %mul3A_389 = arith.mulf %get3A_196, %mul3A_388 : vector<16xf32>
        %add3A_390 = arith.addf %mul3A_387, %mul3A_389 : vector<16xf32>
        %mul3A_391 = vector.broadcast %squeeze3A_347 : f32 to vector<16xf32>
        %mul3A_392 = arith.mulf %get3A_198, %mul3A_391 : vector<16xf32>
        %add3A_393 = arith.addf %add3A_390, %mul3A_392 : vector<16xf32>
        %add3A_394 = vector.broadcast %squeeze3A_349 : f32 to vector<16xf32>
        %add3A_395 = arith.addf %get3A_200, %add3A_394 : vector<16xf32>
        %add3A_396 = arith.addf %add3A_395, %add3A_393 : vector<16xf32>
        %min3A_397 = arith.minimumf %min3A_327, %add3A_396 : vector<16xf32>
        %min3A_398 = arith.minimumf %add3A_360, %add3A_372 : vector<16xf32>
        %min3A_399 = arith.minimumf %add3A_384, %add3A_396 : vector<16xf32>
        %min3A_400 = arith.minimumf %min3A_398, %min3A_399 : vector<16xf32>
        %mul3A_401 = arith.constant 16 : i32
        %mul3A_402 = arith.muli %add3A_341, %mul3A_401 : i32
        %get3A_403 = arith.index_cast %mul3A_402 : i32 to index
        %get3A_404 = tpu.vector_load %arg16[%get3A_403] {strides = array<i32>} : memref<32768xf32, #tpu.memory_space<vmem>>, vector<16xf32>,
        %min3A_405 = arith.minimumf %get3A_404, %min3A_400 : vector<16xf32>
        %swap3A_406 = arith.index_cast %mul3A_402 : i32 to index
        %swap3A_407 = tpu.vector_load %arg16[%swap3A_406] {strides = array<i32>} : memref<32768xf32, #tpu.memory_space<vmem>>, vector<16xf32>,
        tpu.vector_store %arg16[%swap3A_406], %min3A_405 {strides = array<i32>} : memref<32768xf32, #tpu.memory_space<vmem>>, vector<16xf32>,
        %mul3A_408 = arith.constant 16 : i32
        %mul3A_409 = arith.muli %scan3A_250, %mul3A_408 : i32
        %add3A_410 = arith.constant 2 : i32
        %add3A_411 = arith.addi %mul3A_409, %add3A_410 : i32
        %slice3A_412 = vector.extract_strided_slice %get3A_258 {offsets = [2], sizes = [1], strides = [1]} : vector<16xf32> to vector<1xf32>
        %squeeze3A_413 = vector.extract %slice3A_412[0] : f32 from vector<1xf32>
        %slice3A_414 = vector.extract_strided_slice %get3A_262 {offsets = [2], sizes = [1], strides = [1]} : vector<16xf32> to vector<1xf32>
        %squeeze3A_415 = vector.extract %slice3A_414[0] : f32 from vector<1xf32>
        %slice3A_416 = vector.extract_strided_slice %get3A_266 {offsets = [2], sizes = [1], strides = [1]} : vector<16xf32> to vector<1xf32>
        %squeeze3A_417 = vector.extract %slice3A_416[0] : f32 from vector<1xf32>
        %slice3A_418 = vector.extract_strided_slice %get3A_270 {offsets = [2], sizes = [1], strides = [1]} : vector<16xf32> to vector<1xf32>
        %squeeze3A_419 = vector.extract %slice3A_418[0] : f32 from vector<1xf32>
        %mul3A_420 = vector.broadcast %squeeze3A_413 : f32 to vector<16xf32>
        %mul3A_421 = arith.mulf %get3A_152, %mul3A_420 : vector<16xf32>
        %mul3A_422 = vector.broadcast %squeeze3A_415 : f32 to vector<16xf32>
        %mul3A_423 = arith.mulf %get3A_154, %mul3A_422 : vector<16xf32>
        %add3A_424 = arith.addf %mul3A_421, %mul3A_423 : vector<16xf32>
        %mul3A_425 = vector.broadcast %squeeze3A_417 : f32 to vector<16xf32>
        %mul3A_426 = arith.mulf %get3A_156, %mul3A_425 : vector<16xf32>
        %add3A_427 = arith.addf %add3A_424, %mul3A_426 : vector<16xf32>
        %add3A_428 = vector.broadcast %squeeze3A_419 : f32 to vector<16xf32>
        %add3A_429 = arith.addf %get3A_158, %add3A_428 : vector<16xf32>
        %add3A_430 = arith.addf %add3A_429, %add3A_427 : vector<16xf32>
        %min3A_431 = arith.minimumf %min3A_361, %add3A_430 : vector<16xf32>
        %mul3A_432 = vector.broadcast %squeeze3A_413 : f32 to vector<16xf32>
        %mul3A_433 = arith.mulf %get3A_166, %mul3A_432 : vector<16xf32>
        %mul3A_434 = vector.broadcast %squeeze3A_415 : f32 to vector<16xf32>
        %mul3A_435 = arith.mulf %get3A_168, %mul3A_434 : vector<16xf32>
        %add3A_436 = arith.addf %mul3A_433, %mul3A_435 : vector<16xf32>
        %mul3A_437 = vector.broadcast %squeeze3A_417 : f32 to vector<16xf32>
        %mul3A_438 = arith.mulf %get3A_170, %mul3A_437 : vector<16xf32>
        %add3A_439 = arith.addf %add3A_436, %mul3A_438 : vector<16xf32>
        %add3A_440 = vector.broadcast %squeeze3A_419 : f32 to vector<16xf32>
        %add3A_441 = arith.addf %get3A_172, %add3A_440 : vector<16xf32>
        %add3A_442 = arith.addf %add3A_441, %add3A_439 : vector<16xf32>
        %min3A_443 = arith.minimumf %min3A_373, %add3A_442 : vector<16xf32>
        %mul3A_444 = vector.broadcast %squeeze3A_413 : f32 to vector<16xf32>
        %mul3A_445 = arith.mulf %get3A_180, %mul3A_444 : vector<16xf32>
        %mul3A_446 = vector.broadcast %squeeze3A_415 : f32 to vector<16xf32>
        %mul3A_447 = arith.mulf %get3A_182, %mul3A_446 : vector<16xf32>
        %add3A_448 = arith.addf %mul3A_445, %mul3A_447 : vector<16xf32>
        %mul3A_449 = vector.broadcast %squeeze3A_417 : f32 to vector<16xf32>
        %mul3A_450 = arith.mulf %get3A_184, %mul3A_449 : vector<16xf32>
        %add3A_451 = arith.addf %add3A_448, %mul3A_450 : vector<16xf32>
        %add3A_452 = vector.broadcast %squeeze3A_419 : f32 to vector<16xf32>
        %add3A_453 = arith.addf %get3A_186, %add3A_452 : vector<16xf32>
        %add3A_454 = arith.addf %add3A_453, %add3A_451 : vector<16xf32>
        %min3A_455 = arith.minimumf %min3A_385, %add3A_454 : vector<16xf32>
        %mul3A_456 = vector.broadcast %squeeze3A_413 : f32 to vector<16xf32>
        %mul3A_457 = arith.mulf %get3A_194, %mul3A_456 : vector<16xf32>
        %mul3A_458 = vector.broadcast %squeeze3A_415 : f32 to vector<16xf32>
        %mul3A_459 = arith.mulf %get3A_196, %mul3A_458 : vector<16xf32>
        %add3A_460 = arith.addf %mul3A_457, %mul3A_459 : vector<16xf32>
        %mul3A_461 = vector.broadcast %squeeze3A_417 : f32 to vector<16xf32>
        %mul3A_462 = arith.mulf %get3A_198, %mul3A_461 : vector<16xf32>
        %add3A_463 = arith.addf %add3A_460, %mul3A_462 : vector<16xf32>
        %add3A_464 = vector.broadcast %squeeze3A_419 : f32 to vector<16xf32>
        %add3A_465 = arith.addf %get3A_200, %add3A_464 : vector<16xf32>
        %add3A_466 = arith.addf %add3A_465, %add3A_463 : vector<16xf32>
        %min3A_467 = arith.minimumf %min3A_397, %add3A_466 : vector<16xf32>
        %min3A_468 = arith.minimumf %add3A_430, %add3A_442 : vector<16xf32>
        %min3A_469 = arith.minimumf %add3A_454, %add3A_466 : vector<16xf32>
        %min3A_470 = arith.minimumf %min3A_468, %min3A_469 : vector<16xf32>
        %mul3A_471 = arith.constant 16 : i32
        %mul3A_472 = arith.muli %add3A_411, %mul3A_471 : i32
        %get3A_473 = arith.index_cast %mul3A_472 : i32 to index
        %get3A_474 = tpu.vector_load %arg16[%get3A_473] {strides = array<i32>} : memref<32768xf32, #tpu.memory_space<vmem>>, vector<16xf32>,
        %min3A_475 = arith.minimumf %get3A_474, %min3A_470 : vector<16xf32>
        %swap3A_476 = arith.index_cast %mul3A_472 : i32 to index
        %swap3A_477 = tpu.vector_load %arg16[%swap3A_476] {strides = array<i32>} : memref<32768xf32, #tpu.memory_space<vmem>>, vector<16xf32>,
        tpu.vector_store %arg16[%swap3A_476], %min3A_475 {strides = array<i32>} : memref<32768xf32, #tpu.memory_space<vmem>>, vector<16xf32>,
        %mul3A_478 = arith.constant 16 : i32
        %mul3A_479 = arith.muli %scan3A_250, %mul3A_478 : i32
        %add3A_480 = arith.constant 3 : i32
        %add3A_481 = arith.addi %mul3A_479, %add3A_480 : i32
        %slice3A_482 = vector.extract_strided_slice %get3A_258 {offsets = [3], sizes = [1], strides = [1]} : vector<16xf32> to vector<1xf32>
        %squeeze3A_483 = vector.extract %slice3A_482[0] : f32 from vector<1xf32>
        %slice3A_484 = vector.extract_strided_slice %get3A_262 {offsets = [3], sizes = [1], strides = [1]} : vector<16xf32> to vector<1xf32>
        %squeeze3A_485 = vector.extract %slice3A_484[0] : f32 from vector<1xf32>
        %slice3A_486 = vector.extract_strided_slice %get3A_266 {offsets = [3], sizes = [1], strides = [1]} : vector<16xf32> to vector<1xf32>
        %squeeze3A_487 = vector.extract %slice3A_486[0] : f32 from vector<1xf32>
        %slice3A_488 = vector.extract_strided_slice %get3A_270 {offsets = [3], sizes = [1], strides = [1]} : vector<16xf32> to vector<1xf32>
        %squeeze3A_489 = vector.extract %slice3A_488[0] : f32 from vector<1xf32>
        %mul3A_490 = vector.broadcast %squeeze3A_483 : f32 to vector<16xf32>
        %mul3A_491 = arith.mulf %get3A_152, %mul3A_490 : vector<16xf32>
        %mul3A_492 = vector.broadcast %squeeze3A_485 : f32 to vector<16xf32>
        %mul3A_493 = arith.mulf %get3A_154, %mul3A_492 : vector<16xf32>
        %add3A_494 = arith.addf %mul3A_491, %mul3A_493 : vector<16xf32>
        %mul3A_495 = vector.broadcast %squeeze3A_487 : f32 to vector<16xf32>
        %mul3A_496 = arith.mulf %get3A_156, %mul3A_495 : vector<16xf32>
        %add3A_497 = arith.addf %add3A_494, %mul3A_496 : vector<16xf32>
        %add3A_498 = vector.broadcast %squeeze3A_489 : f32 to vector<16xf32>
        %add3A_499 = arith.addf %get3A_158, %add3A_498 : vector<16xf32>
        %add3A_500 = arith.addf %add3A_499, %add3A_497 : vector<16xf32>
        %min3A_501 = arith.minimumf %min3A_431, %add3A_500 : vector<16xf32>
        %mul3A_502 = vector.broadcast %squeeze3A_483 : f32 to vector<16xf32>
        %mul3A_503 = arith.mulf %get3A_166, %mul3A_502 : vector<16xf32>
        %mul3A_504 = vector.broadcast %squeeze3A_485 : f32 to vector<16xf32>
        %mul3A_505 = arith.mulf %get3A_168, %mul3A_504 : vector<16xf32>
        %add3A_506 = arith.addf %mul3A_503, %mul3A_505 : vector<16xf32>
        %mul3A_507 = vector.broadcast %squeeze3A_487 : f32 to vector<16xf32>
        %mul3A_508 = arith.mulf %get3A_170, %mul3A_507 : vector<16xf32>
        %add3A_509 = arith.addf %add3A_506, %mul3A_508 : vector<16xf32>
        %add3A_510 = vector.broadcast %squeeze3A_489 : f32 to vector<16xf32>
        %add3A_511 = arith.addf %get3A_172, %add3A_510 : vector<16xf32>
        %add3A_512 = arith.addf %add3A_511, %add3A_509 : vector<16xf32>
        %min3A_513 = arith.minimumf %min3A_443, %add3A_512 : vector<16xf32>
        %mul3A_514 = vector.broadcast %squeeze3A_483 : f32 to vector<16xf32>
        %mul3A_515 = arith.mulf %get3A_180, %mul3A_514 : vector<16xf32>
        %mul3A_516 = vector.broadcast %squeeze3A_485 : f32 to vector<16xf32>
        %mul3A_517 = arith.mulf %get3A_182, %mul3A_516 : vector<16xf32>
        %add3A_518 = arith.addf %mul3A_515, %mul3A_517 : vector<16xf32>
        %mul3A_519 = vector.broadcast %squeeze3A_487 : f32 to vector<16xf32>
        %mul3A_520 = arith.mulf %get3A_184, %mul3A_519 : vector<16xf32>
        %add3A_521 = arith.addf %add3A_518, %mul3A_520 : vector<16xf32>
        %add3A_522 = vector.broadcast %squeeze3A_489 : f32 to vector<16xf32>
        %add3A_523 = arith.addf %get3A_186, %add3A_522 : vector<16xf32>
        %add3A_524 = arith.addf %add3A_523, %add3A_521 : vector<16xf32>
        %min3A_525 = arith.minimumf %min3A_455, %add3A_524 : vector<16xf32>
        %mul3A_526 = vector.broadcast %squeeze3A_483 : f32 to vector<16xf32>
        %mul3A_527 = arith.mulf %get3A_194, %mul3A_526 : vector<16xf32>
        %mul3A_528 = vector.broadcast %squeeze3A_485 : f32 to vector<16xf32>
        %mul3A_529 = arith.mulf %get3A_196, %mul3A_528 : vector<16xf32>
        %add3A_530 = arith.addf %mul3A_527, %mul3A_529 : vector<16xf32>
        %mul3A_531 = vector.broadcast %squeeze3A_487 : f32 to vector<16xf32>
        %mul3A_532 = arith.mulf %get3A_198, %mul3A_531 : vector<16xf32>
        %add3A_533 = arith.addf %add3A_530, %mul3A_532 : vector<16xf32>
        %add3A_534 = vector.broadcast %squeeze3A_489 : f32 to vector<16xf32>
        %add3A_535 = arith.addf %get3A_200, %add3A_534 : vector<16xf32>
        %add3A_536 = arith.addf %add3A_535, %add3A_533 : vector<16xf32>
        %min3A_537 = arith.minimumf %min3A_467, %add3A_536 : vector<16xf32>
        %min3A_538 = arith.minimumf %add3A_500, %add3A_512 : vector<16xf32>
        %min3A_539 = arith.minimumf %add3A_524, %add3A_536 : vector<16xf32>
        %min3A_540 = arith.minimumf %min3A_538, %min3A_539 : vector<16xf32>
        %mul3A_541 = arith.constant 16 : i32
        %mul3A_542 = arith.muli %add3A_481, %mul3A_541 : i32
        %get3A_543 = arith.index_cast %mul3A_542 : i32 to index
        %get3A_544 = tpu.vector_load %arg16[%get3A_543] {strides = array<i32>} : memref<32768xf32, #tpu.memory_space<vmem>>, vector<16xf32>,
        %min3A_545 = arith.minimumf %get3A_544, %min3A_540 : vector<16xf32>
        %swap3A_546 = arith.index_cast %mul3A_542 : i32 to index
        %swap3A_547 = tpu.vector_load %arg16[%swap3A_546] {strides = array<i32>} : memref<32768xf32, #tpu.memory_space<vmem>>, vector<16xf32>,
        tpu.vector_store %arg16[%swap3A_546], %min3A_545 {strides = array<i32>} : memref<32768xf32, #tpu.memory_space<vmem>>, vector<16xf32>,
        %mul3A_548 = arith.constant 16 : i32
        %mul3A_549 = arith.muli %scan3A_250, %mul3A_548 : i32
        %add3A_550 = arith.constant 4 : i32
        %add3A_551 = arith.addi %mul3A_549, %add3A_550 : i32
        %slice3A_552 = vector.extract_strided_slice %get3A_258 {offsets = [4], sizes = [1], strides = [1]} : vector<16xf32> to vector<1xf32>
        %squeeze3A_553 = vector.extract %slice3A_552[0] : f32 from vector<1xf32>
        %slice3A_554 = vector.extract_strided_slice %get3A_262 {offsets = [4], sizes = [1], strides = [1]} : vector<16xf32> to vector<1xf32>
        %squeeze3A_555 = vector.extract %slice3A_554[0] : f32 from vector<1xf32>
        %slice3A_556 = vector.extract_strided_slice %get3A_266 {offsets = [4], sizes = [1], strides = [1]} : vector<16xf32> to vector<1xf32>
        %squeeze3A_557 = vector.extract %slice3A_556[0] : f32 from vector<1xf32>
        %slice3A_558 = vector.extract_strided_slice %get3A_270 {offsets = [4], sizes = [1], strides = [1]} : vector<16xf32> to vector<1xf32>
        %squeeze3A_559 = vector.extract %slice3A_558[0] : f32 from vector<1xf32>
        %mul3A_560 = vector.broadcast %squeeze3A_553 : f32 to vector<16xf32>
        %mul3A_561 = arith.mulf %get3A_152, %mul3A_560 : vector<16xf32>
        %mul3A_562 = vector.broadcast %squeeze3A_555 : f32 to vector<16xf32>
        %mul3A_563 = arith.mulf %get3A_154, %mul3A_562 : vector<16xf32>
        %add3A_564 = arith.addf %mul3A_561, %mul3A_563 : vector<16xf32>
        %mul3A_565 = vector.broadcast %squeeze3A_557 : f32 to vector<16xf32>
        %mul3A_566 = arith.mulf %get3A_156, %mul3A_565 : vector<16xf32>
        %add3A_567 = arith.addf %add3A_564, %mul3A_566 : vector<16xf32>
        %add3A_568 = vector.broadcast %squeeze3A_559 : f32 to vector<16xf32>
        %add3A_569 = arith.addf %get3A_158, %add3A_568 : vector<16xf32>
        %add3A_570 = arith.addf %add3A_569, %add3A_567 : vector<16xf32>
        %min3A_571 = arith.minimumf %min3A_501, %add3A_570 : vector<16xf32>
        %mul3A_572 = vector.broadcast %squeeze3A_553 : f32 to vector<16xf32>
        %mul3A_573 = arith.mulf %get3A_166, %mul3A_572 : vector<16xf32>
        %mul3A_574 = vector.broadcast %squeeze3A_555 : f32 to vector<16xf32>
        %mul3A_575 = arith.mulf %get3A_168, %mul3A_574 : vector<16xf32>
        %add3A_576 = arith.addf %mul3A_573, %mul3A_575 : vector<16xf32>
        %mul3A_577 = vector.broadcast %squeeze3A_557 : f32 to vector<16xf32>
        %mul3A_578 = arith.mulf %get3A_170, %mul3A_577 : vector<16xf32>
        %add3A_579 = arith.addf %add3A_576, %mul3A_578 : vector<16xf32>
        %add3A_580 = vector.broadcast %squeeze3A_559 : f32 to vector<16xf32>
        %add3A_581 = arith.addf %get3A_172, %add3A_580 : vector<16xf32>
        %add3A_582 = arith.addf %add3A_581, %add3A_579 : vector<16xf32>
        %min3A_583 = arith.minimumf %min3A_513, %add3A_582 : vector<16xf32>
        %mul3A_584 = vector.broadcast %squeeze3A_553 : f32 to vector<16xf32>
        %mul3A_585 = arith.mulf %get3A_180, %mul3A_584 : vector<16xf32>
        %mul3A_586 = vector.broadcast %squeeze3A_555 : f32 to vector<16xf32>
        %mul3A_587 = arith.mulf %get3A_182, %mul3A_586 : vector<16xf32>
        %add3A_588 = arith.addf %mul3A_585, %mul3A_587 : vector<16xf32>
        %mul3A_589 = vector.broadcast %squeeze3A_557 : f32 to vector<16xf32>
        %mul3A_590 = arith.mulf %get3A_184, %mul3A_589 : vector<16xf32>
        %add3A_591 = arith.addf %add3A_588, %mul3A_590 : vector<16xf32>
        %add3A_592 = vector.broadcast %squeeze3A_559 : f32 to vector<16xf32>
        %add3A_593 = arith.addf %get3A_186, %add3A_592 : vector<16xf32>
        %add3A_594 = arith.addf %add3A_593, %add3A_591 : vector<16xf32>
        %min3A_595 = arith.minimumf %min3A_525, %add3A_594 : vector<16xf32>
        %mul3A_596 = vector.broadcast %squeeze3A_553 : f32 to vector<16xf32>
        %mul3A_597 = arith.mulf %get3A_194, %mul3A_596 : vector<16xf32>
        %mul3A_598 = vector.broadcast %squeeze3A_555 : f32 to vector<16xf32>
        %mul3A_599 = arith.mulf %get3A_196, %mul3A_598 : vector<16xf32>
        %add3A_600 = arith.addf %mul3A_597, %mul3A_599 : vector<16xf32>
        %mul3A_601 = vector.broadcast %squeeze3A_557 : f32 to vector<16xf32>
        %mul3A_602 = arith.mulf %get3A_198, %mul3A_601 : vector<16xf32>
        %add3A_603 = arith.addf %add3A_600, %mul3A_602 : vector<16xf32>
        %add3A_604 = vector.broadcast %squeeze3A_559 : f32 to vector<16xf32>
        %add3A_605 = arith.addf %get3A_200, %add3A_604 : vector<16xf32>
        %add3A_606 = arith.addf %add3A_605, %add3A_603 : vector<16xf32>
        %min3A_607 = arith.minimumf %min3A_537, %add3A_606 : vector<16xf32>
        %min3A_608 = arith.minimumf %add3A_570, %add3A_582 : vector<16xf32>
        %min3A_609 = arith.minimumf %add3A_594, %add3A_606 : vector<16xf32>
        %min3A_610 = arith.minimumf %min3A_608, %min3A_609 : vector<16xf32>
        %mul3A_611 = arith.constant 16 : i32
        %mul3A_612 = arith.muli %add3A_551, %mul3A_611 : i32
        %get3A_613 = arith.index_cast %mul3A_612 : i32 to index
        %get3A_614 = tpu.vector_load %arg16[%get3A_613] {strides = array<i32>} : memref<32768xf32, #tpu.memory_space<vmem>>, vector<16xf32>,
        %min3A_615 = arith.minimumf %get3A_614, %min3A_610 : vector<16xf32>
        %swap3A_616 = arith.index_cast %mul3A_612 : i32 to index
        %swap3A_617 = tpu.vector_load %arg16[%swap3A_616] {strides = array<i32>} : memref<32768xf32, #tpu.memory_space<vmem>>, vector<16xf32>,
        tpu.vector_store %arg16[%swap3A_616], %min3A_615 {strides = array<i32>} : memref<32768xf32, #tpu.memory_space<vmem>>, vector<16xf32>,
        %mul3A_618 = arith.constant 16 : i32
        %mul3A_619 = arith.muli %scan3A_250, %mul3A_618 : i32
        %add3A_620 = arith.constant 5 : i32
        %add3A_621 = arith.addi %mul3A_619, %add3A_620 : i32
        %slice3A_622 = vector.extract_strided_slice %get3A_258 {offsets = [5], sizes = [1], strides = [1]} : vector<16xf32> to vector<1xf32>
        %squeeze3A_623 = vector.extract %slice3A_622[0] : f32 from vector<1xf32>
        %slice3A_624 = vector.extract_strided_slice %get3A_262 {offsets = [5], sizes = [1], strides = [1]} : vector<16xf32> to vector<1xf32>
        %squeeze3A_625 = vector.extract %slice3A_624[0] : f32 from vector<1xf32>
        %slice3A_626 = vector.extract_strided_slice %get3A_266 {offsets = [5], sizes = [1], strides = [1]} : vector<16xf32> to vector<1xf32>
        %squeeze3A_627 = vector.extract %slice3A_626[0] : f32 from vector<1xf32>
        %slice3A_628 = vector.extract_strided_slice %get3A_270 {offsets = [5], sizes = [1], strides = [1]} : vector<16xf32> to vector<1xf32>
        %squeeze3A_629 = vector.extract %slice3A_628[0] : f32 from vector<1xf32>
        %mul3A_630 = vector.broadcast %squeeze3A_623 : f32 to vector<16xf32>
        %mul3A_631 = arith.mulf %get3A_152, %mul3A_630 : vector<16xf32>
        %mul3A_632 = vector.broadcast %squeeze3A_625 : f32 to vector<16xf32>
        %mul3A_633 = arith.mulf %get3A_154, %mul3A_632 : vector<16xf32>
        %add3A_634 = arith.addf %mul3A_631, %mul3A_633 : vector<16xf32>
        %mul3A_635 = vector.broadcast %squeeze3A_627 : f32 to vector<16xf32>
        %mul3A_636 = arith.mulf %get3A_156, %mul3A_635 : vector<16xf32>
        %add3A_637 = arith.addf %add3A_634, %mul3A_636 : vector<16xf32>
        %add3A_638 = vector.broadcast %squeeze3A_629 : f32 to vector<16xf32>
        %add3A_639 = arith.addf %get3A_158, %add3A_638 : vector<16xf32>
        %add3A_640 = arith.addf %add3A_639, %add3A_637 : vector<16xf32>
        %min3A_641 = arith.minimumf %min3A_571, %add3A_640 : vector<16xf32>
        %mul3A_642 = vector.broadcast %squeeze3A_623 : f32 to vector<16xf32>
        %mul3A_643 = arith.mulf %get3A_166, %mul3A_642 : vector<16xf32>
        %mul3A_644 = vector.broadcast %squeeze3A_625 : f32 to vector<16xf32>
        %mul3A_645 = arith.mulf %get3A_168, %mul3A_644 : vector<16xf32>
        %add3A_646 = arith.addf %mul3A_643, %mul3A_645 : vector<16xf32>
        %mul3A_647 = vector.broadcast %squeeze3A_627 : f32 to vector<16xf32>
        %mul3A_648 = arith.mulf %get3A_170, %mul3A_647 : vector<16xf32>
        %add3A_649 = arith.addf %add3A_646, %mul3A_648 : vector<16xf32>
        %add3A_650 = vector.broadcast %squeeze3A_629 : f32 to vector<16xf32>
        %add3A_651 = arith.addf %get3A_172, %add3A_650 : vector<16xf32>
        %add3A_652 = arith.addf %add3A_651, %add3A_649 : vector<16xf32>
        %min3A_653 = arith.minimumf %min3A_583, %add3A_652 : vector<16xf32>
        %mul3A_654 = vector.broadcast %squeeze3A_623 : f32 to vector<16xf32>
        %mul3A_655 = arith.mulf %get3A_180, %mul3A_654 : vector<16xf32>
        %mul3A_656 = vector.broadcast %squeeze3A_625 : f32 to vector<16xf32>
        %mul3A_657 = arith.mulf %get3A_182, %mul3A_656 : vector<16xf32>
        %add3A_658 = arith.addf %mul3A_655, %mul3A_657 : vector<16xf32>
        %mul3A_659 = vector.broadcast %squeeze3A_627 : f32 to vector<16xf32>
        %mul3A_660 = arith.mulf %get3A_184, %mul3A_659 : vector<16xf32>
        %add3A_661 = arith.addf %add3A_658, %mul3A_660 : vector<16xf32>
        %add3A_662 = vector.broadcast %squeeze3A_629 : f32 to vector<16xf32>
        %add3A_663 = arith.addf %get3A_186, %add3A_662 : vector<16xf32>
        %add3A_664 = arith.addf %add3A_663, %add3A_661 : vector<16xf32>
        %min3A_665 = arith.minimumf %min3A_595, %add3A_664 : vector<16xf32>
        %mul3A_666 = vector.broadcast %squeeze3A_623 : f32 to vector<16xf32>
        %mul3A_667 = arith.mulf %get3A_194, %mul3A_666 : vector<16xf32>
        %mul3A_668 = vector.broadcast %squeeze3A_625 : f32 to vector<16xf32>
        %mul3A_669 = arith.mulf %get3A_196, %mul3A_668 : vector<16xf32>
        %add3A_670 = arith.addf %mul3A_667, %mul3A_669 : vector<16xf32>
        %mul3A_671 = vector.broadcast %squeeze3A_627 : f32 to vector<16xf32>
        %mul3A_672 = arith.mulf %get3A_198, %mul3A_671 : vector<16xf32>
        %add3A_673 = arith.addf %add3A_670, %mul3A_672 : vector<16xf32>
        %add3A_674 = vector.broadcast %squeeze3A_629 : f32 to vector<16xf32>
        %add3A_675 = arith.addf %get3A_200, %add3A_674 : vector<16xf32>
        %add3A_676 = arith.addf %add3A_675, %add3A_673 : vector<16xf32>
        %min3A_677 = arith.minimumf %min3A_607, %add3A_676 : vector<16xf32>
        %min3A_678 = arith.minimumf %add3A_640, %add3A_652 : vector<16xf32>
        %min3A_679 = arith.minimumf %add3A_664, %add3A_676 : vector<16xf32>
        %min3A_680 = arith.minimumf %min3A_678, %min3A_679 : vector<16xf32>
        %mul3A_681 = arith.constant 16 : i32
        %mul3A_682 = arith.muli %add3A_621, %mul3A_681 : i32
        %get3A_683 = arith.index_cast %mul3A_682 : i32 to index
        %get3A_684 = tpu.vector_load %arg16[%get3A_683] {strides = array<i32>} : memref<32768xf32, #tpu.memory_space<vmem>>, vector<16xf32>,
        %min3A_685 = arith.minimumf %get3A_684, %min3A_680 : vector<16xf32>
        %swap3A_686 = arith.index_cast %mul3A_682 : i32 to index
        %swap3A_687 = tpu.vector_load %arg16[%swap3A_686] {strides = array<i32>} : memref<32768xf32, #tpu.memory_space<vmem>>, vector<16xf32>,
        tpu.vector_store %arg16[%swap3A_686], %min3A_685 {strides = array<i32>} : memref<32768xf32, #tpu.memory_space<vmem>>, vector<16xf32>,
        %mul3A_688 = arith.constant 16 : i32
        %mul3A_689 = arith.muli %scan3A_250, %mul3A_688 : i32
        %add3A_690 = arith.constant 6 : i32
        %add3A_691 = arith.addi %mul3A_689, %add3A_690 : i32
        %slice3A_692 = vector.extract_strided_slice %get3A_258 {offsets = [6], sizes = [1], strides = [1]} : vector<16xf32> to vector<1xf32>
        %squeeze3A_693 = vector.extract %slice3A_692[0] : f32 from vector<1xf32>
        %slice3A_694 = vector.extract_strided_slice %get3A_262 {offsets = [6], sizes = [1], strides = [1]} : vector<16xf32> to vector<1xf32>
        %squeeze3A_695 = vector.extract %slice3A_694[0] : f32 from vector<1xf32>
        %slice3A_696 = vector.extract_strided_slice %get3A_266 {offsets = [6], sizes = [1], strides = [1]} : vector<16xf32> to vector<1xf32>
        %squeeze3A_697 = vector.extract %slice3A_696[0] : f32 from vector<1xf32>
        %slice3A_698 = vector.extract_strided_slice %get3A_270 {offsets = [6], sizes = [1], strides = [1]} : vector<16xf32> to vector<1xf32>
        %squeeze3A_699 = vector.extract %slice3A_698[0] : f32 from vector<1xf32>
        %mul3A_700 = vector.broadcast %squeeze3A_693 : f32 to vector<16xf32>
        %mul3A_701 = arith.mulf %get3A_152, %mul3A_700 : vector<16xf32>
        %mul3A_702 = vector.broadcast %squeeze3A_695 : f32 to vector<16xf32>
        %mul3A_703 = arith.mulf %get3A_154, %mul3A_702 : vector<16xf32>
        %add3A_704 = arith.addf %mul3A_701, %mul3A_703 : vector<16xf32>
        %mul3A_705 = vector.broadcast %squeeze3A_697 : f32 to vector<16xf32>
        %mul3A_706 = arith.mulf %get3A_156, %mul3A_705 : vector<16xf32>
        %add3A_707 = arith.addf %add3A_704, %mul3A_706 : vector<16xf32>
        %add3A_708 = vector.broadcast %squeeze3A_699 : f32 to vector<16xf32>
        %add3A_709 = arith.addf %get3A_158, %add3A_708 : vector<16xf32>
        %add3A_710 = arith.addf %add3A_709, %add3A_707 : vector<16xf32>
        %min3A_711 = arith.minimumf %min3A_641, %add3A_710 : vector<16xf32>
        %mul3A_712 = vector.broadcast %squeeze3A_693 : f32 to vector<16xf32>
        %mul3A_713 = arith.mulf %get3A_166, %mul3A_712 : vector<16xf32>
        %mul3A_714 = vector.broadcast %squeeze3A_695 : f32 to vector<16xf32>
        %mul3A_715 = arith.mulf %get3A_168, %mul3A_714 : vector<16xf32>
        %add3A_716 = arith.addf %mul3A_713, %mul3A_715 : vector<16xf32>
        %mul3A_717 = vector.broadcast %squeeze3A_697 : f32 to vector<16xf32>
        %mul3A_718 = arith.mulf %get3A_170, %mul3A_717 : vector<16xf32>
        %add3A_719 = arith.addf %add3A_716, %mul3A_718 : vector<16xf32>
        %add3A_720 = vector.broadcast %squeeze3A_699 : f32 to vector<16xf32>
        %add3A_721 = arith.addf %get3A_172, %add3A_720 : vector<16xf32>
        %add3A_722 = arith.addf %add3A_721, %add3A_719 : vector<16xf32>
        %min3A_723 = arith.minimumf %min3A_653, %add3A_722 : vector<16xf32>
        %mul3A_724 = vector.broadcast %squeeze3A_693 : f32 to vector<16xf32>
        %mul3A_725 = arith.mulf %get3A_180, %mul3A_724 : vector<16xf32>
        %mul3A_726 = vector.broadcast %squeeze3A_695 : f32 to vector<16xf32>
        %mul3A_727 = arith.mulf %get3A_182, %mul3A_726 : vector<16xf32>
        %add3A_728 = arith.addf %mul3A_725, %mul3A_727 : vector<16xf32>
        %mul3A_729 = vector.broadcast %squeeze3A_697 : f32 to vector<16xf32>
        %mul3A_730 = arith.mulf %get3A_184, %mul3A_729 : vector<16xf32>
        %add3A_731 = arith.addf %add3A_728, %mul3A_730 : vector<16xf32>
        %add3A_732 = vector.broadcast %squeeze3A_699 : f32 to vector<16xf32>
        %add3A_733 = arith.addf %get3A_186, %add3A_732 : vector<16xf32>
        %add3A_734 = arith.addf %add3A_733, %add3A_731 : vector<16xf32>
        %min3A_735 = arith.minimumf %min3A_665, %add3A_734 : vector<16xf32>
        %mul3A_736 = vector.broadcast %squeeze3A_693 : f32 to vector<16xf32>
        %mul3A_737 = arith.mulf %get3A_194, %mul3A_736 : vector<16xf32>
        %mul3A_738 = vector.broadcast %squeeze3A_695 : f32 to vector<16xf32>
        %mul3A_739 = arith.mulf %get3A_196, %mul3A_738 : vector<16xf32>
        %add3A_740 = arith.addf %mul3A_737, %mul3A_739 : vector<16xf32>
        %mul3A_741 = vector.broadcast %squeeze3A_697 : f32 to vector<16xf32>
        %mul3A_742 = arith.mulf %get3A_198, %mul3A_741 : vector<16xf32>
        %add3A_743 = arith.addf %add3A_740, %mul3A_742 : vector<16xf32>
        %add3A_744 = vector.broadcast %squeeze3A_699 : f32 to vector<16xf32>
        %add3A_745 = arith.addf %get3A_200, %add3A_744 : vector<16xf32>
        %add3A_746 = arith.addf %add3A_745, %add3A_743 : vector<16xf32>
        %min3A_747 = arith.minimumf %min3A_677, %add3A_746 : vector<16xf32>
        %min3A_748 = arith.minimumf %add3A_710, %add3A_722 : vector<16xf32>
        %min3A_749 = arith.minimumf %add3A_734, %add3A_746 : vector<16xf32>
        %min3A_750 = arith.minimumf %min3A_748, %min3A_749 : vector<16xf32>
        %mul3A_751 = arith.constant 16 : i32
        %mul3A_752 = arith.muli %add3A_691, %mul3A_751 : i32
        %get3A_753 = arith.index_cast %mul3A_752 : i32 to index
        %get3A_754 = tpu.vector_load %arg16[%get3A_753] {strides = array<i32>} : memref<32768xf32, #tpu.memory_space<vmem>>, vector<16xf32>,
        %min3A_755 = arith.minimumf %get3A_754, %min3A_750 : vector<16xf32>
        %swap3A_756 = arith.index_cast %mul3A_752 : i32 to index
        %swap3A_757 = tpu.vector_load %arg16[%swap3A_756] {strides = array<i32>} : memref<32768xf32, #tpu.memory_space<vmem>>, vector<16xf32>,
        tpu.vector_store %arg16[%swap3A_756], %min3A_755 {strides = array<i32>} : memref<32768xf32, #tpu.memory_space<vmem>>, vector<16xf32>,
        %mul3A_758 = arith.constant 16 : i32
        %mul3A_759 = arith.muli %scan3A_250, %mul3A_758 : i32
        %add3A_760 = arith.constant 7 : i32
        %add3A_761 = arith.addi %mul3A_759, %add3A_760 : i32
        %slice3A_762 = vector.extract_strided_slice %get3A_258 {offsets = [7], sizes = [1], strides = [1]} : vector<16xf32> to vector<1xf32>
        %squeeze3A_763 = vector.extract %slice3A_762[0] : f32 from vector<1xf32>
        %slice3A_764 = vector.extract_strided_slice %get3A_262 {offsets = [7], sizes = [1], strides = [1]} : vector<16xf32> to vector<1xf32>
        %squeeze3A_765 = vector.extract %slice3A_764[0] : f32 from vector<1xf32>
        %slice3A_766 = vector.extract_strided_slice %get3A_266 {offsets = [7], sizes = [1], strides = [1]} : vector<16xf32> to vector<1xf32>
        %squeeze3A_767 = vector.extract %slice3A_766[0] : f32 from vector<1xf32>
        %slice3A_768 = vector.extract_strided_slice %get3A_270 {offsets = [7], sizes = [1], strides = [1]} : vector<16xf32> to vector<1xf32>
        %squeeze3A_769 = vector.extract %slice3A_768[0] : f32 from vector<1xf32>
        %mul3A_770 = vector.broadcast %squeeze3A_763 : f32 to vector<16xf32>
        %mul3A_771 = arith.mulf %get3A_152, %mul3A_770 : vector<16xf32>
        %mul3A_772 = vector.broadcast %squeeze3A_765 : f32 to vector<16xf32>
        %mul3A_773 = arith.mulf %get3A_154, %mul3A_772 : vector<16xf32>
        %add3A_774 = arith.addf %mul3A_771, %mul3A_773 : vector<16xf32>
        %mul3A_775 = vector.broadcast %squeeze3A_767 : f32 to vector<16xf32>
        %mul3A_776 = arith.mulf %get3A_156, %mul3A_775 : vector<16xf32>
        %add3A_777 = arith.addf %add3A_774, %mul3A_776 : vector<16xf32>
        %add3A_778 = vector.broadcast %squeeze3A_769 : f32 to vector<16xf32>
        %add3A_779 = arith.addf %get3A_158, %add3A_778 : vector<16xf32>
        %add3A_780 = arith.addf %add3A_779, %add3A_777 : vector<16xf32>
        %min3A_781 = arith.minimumf %min3A_711, %add3A_780 : vector<16xf32>
        %mul3A_782 = vector.broadcast %squeeze3A_763 : f32 to vector<16xf32>
        %mul3A_783 = arith.mulf %get3A_166, %mul3A_782 : vector<16xf32>
        %mul3A_784 = vector.broadcast %squeeze3A_765 : f32 to vector<16xf32>
        %mul3A_785 = arith.mulf %get3A_168, %mul3A_784 : vector<16xf32>
        %add3A_786 = arith.addf %mul3A_783, %mul3A_785 : vector<16xf32>
        %mul3A_787 = vector.broadcast %squeeze3A_767 : f32 to vector<16xf32>
        %mul3A_788 = arith.mulf %get3A_170, %mul3A_787 : vector<16xf32>
        %add3A_789 = arith.addf %add3A_786, %mul3A_788 : vector<16xf32>
        %add3A_790 = vector.broadcast %squeeze3A_769 : f32 to vector<16xf32>
        %add3A_791 = arith.addf %get3A_172, %add3A_790 : vector<16xf32>
        %add3A_792 = arith.addf %add3A_791, %add3A_789 : vector<16xf32>
        %min3A_793 = arith.minimumf %min3A_723, %add3A_792 : vector<16xf32>
        %mul3A_794 = vector.broadcast %squeeze3A_763 : f32 to vector<16xf32>
        %mul3A_795 = arith.mulf %get3A_180, %mul3A_794 : vector<16xf32>
        %mul3A_796 = vector.broadcast %squeeze3A_765 : f32 to vector<16xf32>
        %mul3A_797 = arith.mulf %get3A_182, %mul3A_796 : vector<16xf32>
        %add3A_798 = arith.addf %mul3A_795, %mul3A_797 : vector<16xf32>
        %mul3A_799 = vector.broadcast %squeeze3A_767 : f32 to vector<16xf32>
        %mul3A_800 = arith.mulf %get3A_184, %mul3A_799 : vector<16xf32>
        %add3A_801 = arith.addf %add3A_798, %mul3A_800 : vector<16xf32>
        %add3A_802 = vector.broadcast %squeeze3A_769 : f32 to vector<16xf32>
        %add3A_803 = arith.addf %get3A_186, %add3A_802 : vector<16xf32>
        %add3A_804 = arith.addf %add3A_803, %add3A_801 : vector<16xf32>
        %min3A_805 = arith.minimumf %min3A_735, %add3A_804 : vector<16xf32>
        %mul3A_806 = vector.broadcast %squeeze3A_763 : f32 to vector<16xf32>
        %mul3A_807 = arith.mulf %get3A_194, %mul3A_806 : vector<16xf32>
        %mul3A_808 = vector.broadcast %squeeze3A_765 : f32 to vector<16xf32>
        %mul3A_809 = arith.mulf %get3A_196, %mul3A_808 : vector<16xf32>
        %add3A_810 = arith.addf %mul3A_807, %mul3A_809 : vector<16xf32>
        %mul3A_811 = vector.broadcast %squeeze3A_767 : f32 to vector<16xf32>
        %mul3A_812 = arith.mulf %get3A_198, %mul3A_811 : vector<16xf32>
        %add3A_813 = arith.addf %add3A_810, %mul3A_812 : vector<16xf32>
        %add3A_814 = vector.broadcast %squeeze3A_769 : f32 to vector<16xf32>
        %add3A_815 = arith.addf %get3A_200, %add3A_814 : vector<16xf32>
        %add3A_816 = arith.addf %add3A_815, %add3A_813 : vector<16xf32>
        %min3A_817 = arith.minimumf %min3A_747, %add3A_816 : vector<16xf32>
        %min3A_818 = arith.minimumf %add3A_780, %add3A_792 : vector<16xf32>
        %min3A_819 = arith.minimumf %add3A_804, %add3A_816 : vector<16xf32>
        %min3A_820 = arith.minimumf %min3A_818, %min3A_819 : vector<16xf32>
        %mul3A_821 = arith.constant 16 : i32
        %mul3A_822 = arith.muli %add3A_761, %mul3A_821 : i32
        %get3A_823 = arith.index_cast %mul3A_822 : i32 to index
        %get3A_824 = tpu.vector_load %arg16[%get3A_823] {strides = array<i32>} : memref<32768xf32, #tpu.memory_space<vmem>>, vector<16xf32>,
        %min3A_825 = arith.minimumf %get3A_824, %min3A_820 : vector<16xf32>
        %swap3A_826 = arith.index_cast %mul3A_822 : i32 to index
        %swap3A_827 = tpu.vector_load %arg16[%swap3A_826] {strides = array<i32>} : memref<32768xf32, #tpu.memory_space<vmem>>, vector<16xf32>,
        tpu.vector_store %arg16[%swap3A_826], %min3A_825 {strides = array<i32>} : memref<32768xf32, #tpu.memory_space<vmem>>, vector<16xf32>,
        %mul3A_828 = arith.constant 16 : i32
        %mul3A_829 = arith.muli %scan3A_250, %mul3A_828 : i32
        %add3A_830 = arith.constant 8 : i32
        %add3A_831 = arith.addi %mul3A_829, %add3A_830 : i32
        %slice3A_832 = vector.extract_strided_slice %get3A_258 {offsets = [8], sizes = [1], strides = [1]} : vector<16xf32> to vector<1xf32>
        %squeeze3A_833 = vector.extract %slice3A_832[0] : f32 from vector<1xf32>
        %slice3A_834 = vector.extract_strided_slice %get3A_262 {offsets = [8], sizes = [1], strides = [1]} : vector<16xf32> to vector<1xf32>
        %squeeze3A_835 = vector.extract %slice3A_834[0] : f32 from vector<1xf32>
        %slice3A_836 = vector.extract_strided_slice %get3A_266 {offsets = [8], sizes = [1], strides = [1]} : vector<16xf32> to vector<1xf32>
        %squeeze3A_837 = vector.extract %slice3A_836[0] : f32 from vector<1xf32>
        %slice3A_838 = vector.extract_strided_slice %get3A_270 {offsets = [8], sizes = [1], strides = [1]} : vector<16xf32> to vector<1xf32>
        %squeeze3A_839 = vector.extract %slice3A_838[0] : f32 from vector<1xf32>
        %mul3A_840 = vector.broadcast %squeeze3A_833 : f32 to vector<16xf32>
        %mul3A_841 = arith.mulf %get3A_152, %mul3A_840 : vector<16xf32>
        %mul3A_842 = vector.broadcast %squeeze3A_835 : f32 to vector<16xf32>
        %mul3A_843 = arith.mulf %get3A_154, %mul3A_842 : vector<16xf32>
        %add3A_844 = arith.addf %mul3A_841, %mul3A_843 : vector<16xf32>
        %mul3A_845 = vector.broadcast %squeeze3A_837 : f32 to vector<16xf32>
        %mul3A_846 = arith.mulf %get3A_156, %mul3A_845 : vector<16xf32>
        %add3A_847 = arith.addf %add3A_844, %mul3A_846 : vector<16xf32>
        %add3A_848 = vector.broadcast %squeeze3A_839 : f32 to vector<16xf32>
        %add3A_849 = arith.addf %get3A_158, %add3A_848 : vector<16xf32>
        %add3A_850 = arith.addf %add3A_849, %add3A_847 : vector<16xf32>
        %min3A_851 = arith.minimumf %min3A_781, %add3A_850 : vector<16xf32>
        %mul3A_852 = vector.broadcast %squeeze3A_833 : f32 to vector<16xf32>
        %mul3A_853 = arith.mulf %get3A_166, %mul3A_852 : vector<16xf32>
        %mul3A_854 = vector.broadcast %squeeze3A_835 : f32 to vector<16xf32>
        %mul3A_855 = arith.mulf %get3A_168, %mul3A_854 : vector<16xf32>
        %add3A_856 = arith.addf %mul3A_853, %mul3A_855 : vector<16xf32>
        %mul3A_857 = vector.broadcast %squeeze3A_837 : f32 to vector<16xf32>
        %mul3A_858 = arith.mulf %get3A_170, %mul3A_857 : vector<16xf32>
        %add3A_859 = arith.addf %add3A_856, %mul3A_858 : vector<16xf32>
        %add3A_860 = vector.broadcast %squeeze3A_839 : f32 to vector<16xf32>
        %add3A_861 = arith.addf %get3A_172, %add3A_860 : vector<16xf32>
        %add3A_862 = arith.addf %add3A_861, %add3A_859 : vector<16xf32>
        %min3A_863 = arith.minimumf %min3A_793, %add3A_862 : vector<16xf32>
        %mul3A_864 = vector.broadcast %squeeze3A_833 : f32 to vector<16xf32>
        %mul3A_865 = arith.mulf %get3A_180, %mul3A_864 : vector<16xf32>
        %mul3A_866 = vector.broadcast %squeeze3A_835 : f32 to vector<16xf32>
        %mul3A_867 = arith.mulf %get3A_182, %mul3A_866 : vector<16xf32>
        %add3A_868 = arith.addf %mul3A_865, %mul3A_867 : vector<16xf32>
        %mul3A_869 = vector.broadcast %squeeze3A_837 : f32 to vector<16xf32>
        %mul3A_870 = arith.mulf %get3A_184, %mul3A_869 : vector<16xf32>
        %add3A_871 = arith.addf %add3A_868, %mul3A_870 : vector<16xf32>
        %add3A_872 = vector.broadcast %squeeze3A_839 : f32 to vector<16xf32>
        %add3A_873 = arith.addf %get3A_186, %add3A_872 : vector<16xf32>
        %add3A_874 = arith.addf %add3A_873, %add3A_871 : vector<16xf32>
        %min3A_875 = arith.minimumf %min3A_805, %add3A_874 : vector<16xf32>
        %mul3A_876 = vector.broadcast %squeeze3A_833 : f32 to vector<16xf32>
        %mul3A_877 = arith.mulf %get3A_194, %mul3A_876 : vector<16xf32>
        %mul3A_878 = vector.broadcast %squeeze3A_835 : f32 to vector<16xf32>
        %mul3A_879 = arith.mulf %get3A_196, %mul3A_878 : vector<16xf32>
        %add3A_880 = arith.addf %mul3A_877, %mul3A_879 : vector<16xf32>
        %mul3A_881 = vector.broadcast %squeeze3A_837 : f32 to vector<16xf32>
        %mul3A_882 = arith.mulf %get3A_198, %mul3A_881 : vector<16xf32>
        %add3A_883 = arith.addf %add3A_880, %mul3A_882 : vector<16xf32>
        %add3A_884 = vector.broadcast %squeeze3A_839 : f32 to vector<16xf32>
        %add3A_885 = arith.addf %get3A_200, %add3A_884 : vector<16xf32>
        %add3A_886 = arith.addf %add3A_885, %add3A_883 : vector<16xf32>
        %min3A_887 = arith.minimumf %min3A_817, %add3A_886 : vector<16xf32>
        %min3A_888 = arith.minimumf %add3A_850, %add3A_862 : vector<16xf32>
        %min3A_889 = arith.minimumf %add3A_874, %add3A_886 : vector<16xf32>
        %min3A_890 = arith.minimumf %min3A_888, %min3A_889 : vector<16xf32>
        %mul3A_891 = arith.constant 16 : i32
        %mul3A_892 = arith.muli %add3A_831, %mul3A_891 : i32
        %get3A_893 = arith.index_cast %mul3A_892 : i32 to index
        %get3A_894 = tpu.vector_load %arg16[%get3A_893] {strides = array<i32>} : memref<32768xf32, #tpu.memory_space<vmem>>, vector<16xf32>,
        %min3A_895 = arith.minimumf %get3A_894, %min3A_890 : vector<16xf32>
        %swap3A_896 = arith.index_cast %mul3A_892 : i32 to index
        %swap3A_897 = tpu.vector_load %arg16[%swap3A_896] {strides = array<i32>} : memref<32768xf32, #tpu.memory_space<vmem>>, vector<16xf32>,
        tpu.vector_store %arg16[%swap3A_896], %min3A_895 {strides = array<i32>} : memref<32768xf32, #tpu.memory_space<vmem>>, vector<16xf32>,
        %mul3A_898 = arith.constant 16 : i32
        %mul3A_899 = arith.muli %scan3A_250, %mul3A_898 : i32
        %add3A_900 = arith.constant 9 : i32
        %add3A_901 = arith.addi %mul3A_899, %add3A_900 : i32
        %slice3A_902 = vector.extract_strided_slice %get3A_258 {offsets = [9], sizes = [1], strides = [1]} : vector<16xf32> to vector<1xf32>
        %squeeze3A_903 = vector.extract %slice3A_902[0] : f32 from vector<1xf32>
        %slice3A_904 = vector.extract_strided_slice %get3A_262 {offsets = [9], sizes = [1], strides = [1]} : vector<16xf32> to vector<1xf32>
        %squeeze3A_905 = vector.extract %slice3A_904[0] : f32 from vector<1xf32>
        %slice3A_906 = vector.extract_strided_slice %get3A_266 {offsets = [9], sizes = [1], strides = [1]} : vector<16xf32> to vector<1xf32>
        %squeeze3A_907 = vector.extract %slice3A_906[0] : f32 from vector<1xf32>
        %slice3A_908 = vector.extract_strided_slice %get3A_270 {offsets = [9], sizes = [1], strides = [1]} : vector<16xf32> to vector<1xf32>
        %squeeze3A_909 = vector.extract %slice3A_908[0] : f32 from vector<1xf32>
        %mul3A_910 = vector.broadcast %squeeze3A_903 : f32 to vector<16xf32>
        %mul3A_911 = arith.mulf %get3A_152, %mul3A_910 : vector<16xf32>
        %mul3A_912 = vector.broadcast %squeeze3A_905 : f32 to vector<16xf32>
        %mul3A_913 = arith.mulf %get3A_154, %mul3A_912 : vector<16xf32>
        %add3A_914 = arith.addf %mul3A_911, %mul3A_913 : vector<16xf32>
        %mul3A_915 = vector.broadcast %squeeze3A_907 : f32 to vector<16xf32>
        %mul3A_916 = arith.mulf %get3A_156, %mul3A_915 : vector<16xf32>
        %add3A_917 = arith.addf %add3A_914, %mul3A_916 : vector<16xf32>
        %add3A_918 = vector.broadcast %squeeze3A_909 : f32 to vector<16xf32>
        %add3A_919 = arith.addf %get3A_158, %add3A_918 : vector<16xf32>
        %add3A_920 = arith.addf %add3A_919, %add3A_917 : vector<16xf32>
        %min3A_921 = arith.minimumf %min3A_851, %add3A_920 : vector<16xf32>
        %mul3A_922 = vector.broadcast %squeeze3A_903 : f32 to vector<16xf32>
        %mul3A_923 = arith.mulf %get3A_166, %mul3A_922 : vector<16xf32>
        %mul3A_924 = vector.broadcast %squeeze3A_905 : f32 to vector<16xf32>
        %mul3A_925 = arith.mulf %get3A_168, %mul3A_924 : vector<16xf32>
        %add3A_926 = arith.addf %mul3A_923, %mul3A_925 : vector<16xf32>
        %mul3A_927 = vector.broadcast %squeeze3A_907 : f32 to vector<16xf32>
        %mul3A_928 = arith.mulf %get3A_170, %mul3A_927 : vector<16xf32>
        %add3A_929 = arith.addf %add3A_926, %mul3A_928 : vector<16xf32>
        %add3A_930 = vector.broadcast %squeeze3A_909 : f32 to vector<16xf32>
        %add3A_931 = arith.addf %get3A_172, %add3A_930 : vector<16xf32>
        %add3A_932 = arith.addf %add3A_931, %add3A_929 : vector<16xf32>
        %min3A_933 = arith.minimumf %min3A_863, %add3A_932 : vector<16xf32>
        %mul3A_934 = vector.broadcast %squeeze3A_903 : f32 to vector<16xf32>
        %mul3A_935 = arith.mulf %get3A_180, %mul3A_934 : vector<16xf32>
        %mul3A_936 = vector.broadcast %squeeze3A_905 : f32 to vector<16xf32>
        %mul3A_937 = arith.mulf %get3A_182, %mul3A_936 : vector<16xf32>
        %add3A_938 = arith.addf %mul3A_935, %mul3A_937 : vector<16xf32>
        %mul3A_939 = vector.broadcast %squeeze3A_907 : f32 to vector<16xf32>
        %mul3A_940 = arith.mulf %get3A_184, %mul3A_939 : vector<16xf32>
        %add3A_941 = arith.addf %add3A_938, %mul3A_940 : vector<16xf32>
        %add3A_942 = vector.broadcast %squeeze3A_909 : f32 to vector<16xf32>
        %add3A_943 = arith.addf %get3A_186, %add3A_942 : vector<16xf32>
        %add3A_944 = arith.addf %add3A_943, %add3A_941 : vector<16xf32>
        %min3A_945 = arith.minimumf %min3A_875, %add3A_944 : vector<16xf32>
        %mul3A_946 = vector.broadcast %squeeze3A_903 : f32 to vector<16xf32>
        %mul3A_947 = arith.mulf %get3A_194, %mul3A_946 : vector<16xf32>
        %mul3A_948 = vector.broadcast %squeeze3A_905 : f32 to vector<16xf32>
        %mul3A_949 = arith.mulf %get3A_196, %mul3A_948 : vector<16xf32>
        %add3A_950 = arith.addf %mul3A_947, %mul3A_949 : vector<16xf32>
        %mul3A_951 = vector.broadcast %squeeze3A_907 : f32 to vector<16xf32>
        %mul3A_952 = arith.mulf %get3A_198, %mul3A_951 : vector<16xf32>
        %add3A_953 = arith.addf %add3A_950, %mul3A_952 : vector<16xf32>
        %add3A_954 = vector.broadcast %squeeze3A_909 : f32 to vector<16xf32>
        %add3A_955 = arith.addf %get3A_200, %add3A_954 : vector<16xf32>
        %add3A_956 = arith.addf %add3A_955, %add3A_953 : vector<16xf32>
        %min3A_957 = arith.minimumf %min3A_887, %add3A_956 : vector<16xf32>
        %min3A_958 = arith.minimumf %add3A_920, %add3A_932 : vector<16xf32>
        %min3A_959 = arith.minimumf %add3A_944, %add3A_956 : vector<16xf32>
        %min3A_960 = arith.minimumf %min3A_958, %min3A_959 : vector<16xf32>
        %mul3A_961 = arith.constant 16 : i32
        %mul3A_962 = arith.muli %add3A_901, %mul3A_961 : i32
        %get3A_963 = arith.index_cast %mul3A_962 : i32 to index
        %get3A_964 = tpu.vector_load %arg16[%get3A_963] {strides = array<i32>} : memref<32768xf32, #tpu.memory_space<vmem>>, vector<16xf32>,
        %min3A_965 = arith.minimumf %get3A_964, %min3A_960 : vector<16xf32>
        %swap3A_966 = arith.index_cast %mul3A_962 : i32 to index
        %swap3A_967 = tpu.vector_load %arg16[%swap3A_966] {strides = array<i32>} : memref<32768xf32, #tpu.memory_space<vmem>>, vector<16xf32>,
        tpu.vector_store %arg16[%swap3A_966], %min3A_965 {strides = array<i32>} : memref<32768xf32, #tpu.memory_space<vmem>>, vector<16xf32>,
        %mul3A_968 = arith.constant 16 : i32
        %mul3A_969 = arith.muli %scan3A_250, %mul3A_968 : i32
        %add3A_970 = arith.constant 10 : i32
        %add3A_971 = arith.addi %mul3A_969, %add3A_970 : i32
        %slice3A_972 = vector.extract_strided_slice %get3A_258 {offsets = [10], sizes = [1], strides = [1]} : vector<16xf32> to vector<1xf32>
        %squeeze3A_973 = vector.extract %slice3A_972[0] : f32 from vector<1xf32>
        %slice3A_974 = vector.extract_strided_slice %get3A_262 {offsets = [10], sizes = [1], strides = [1]} : vector<16xf32> to vector<1xf32>
        %squeeze3A_975 = vector.extract %slice3A_974[0] : f32 from vector<1xf32>
        %slice3A_976 = vector.extract_strided_slice %get3A_266 {offsets = [10], sizes = [1], strides = [1]} : vector<16xf32> to vector<1xf32>
        %squeeze3A_977 = vector.extract %slice3A_976[0] : f32 from vector<1xf32>
        %slice3A_978 = vector.extract_strided_slice %get3A_270 {offsets = [10], sizes = [1], strides = [1]} : vector<16xf32> to vector<1xf32>
        %squeeze3A_979 = vector.extract %slice3A_978[0] : f32 from vector<1xf32>
        %mul3A_980 = vector.broadcast %squeeze3A_973 : f32 to vector<16xf32>
        %mul3A_981 = arith.mulf %get3A_152, %mul3A_980 : vector<16xf32>
        %mul3A_982 = vector.broadcast %squeeze3A_975 : f32 to vector<16xf32>
        %mul3A_983 = arith.mulf %get3A_154, %mul3A_982 : vector<16xf32>
        %add3A_984 = arith.addf %mul3A_981, %mul3A_983 : vector<16xf32>
        %mul3A_985 = vector.broadcast %squeeze3A_977 : f32 to vector<16xf32>
        %mul3A_986 = arith.mulf %get3A_156, %mul3A_985 : vector<16xf32>
        %add3A_987 = arith.addf %add3A_984, %mul3A_986 : vector<16xf32>
        %add3A_988 = vector.broadcast %squeeze3A_979 : f32 to vector<16xf32>
        %add3A_989 = arith.addf %get3A_158, %add3A_988 : vector<16xf32>
        %add3A_990 = arith.addf %add3A_989, %add3A_987 : vector<16xf32>
        %min3A_991 = arith.minimumf %min3A_921, %add3A_990 : vector<16xf32>
        %mul3A_992 = vector.broadcast %squeeze3A_973 : f32 to vector<16xf32>
        %mul3A_993 = arith.mulf %get3A_166, %mul3A_992 : vector<16xf32>
        %mul3A_994 = vector.broadcast %squeeze3A_975 : f32 to vector<16xf32>
        %mul3A_995 = arith.mulf %get3A_168, %mul3A_994 : vector<16xf32>
        %add3A_996 = arith.addf %mul3A_993, %mul3A_995 : vector<16xf32>
        %mul3A_997 = vector.broadcast %squeeze3A_977 : f32 to vector<16xf32>
        %mul3A_998 = arith.mulf %get3A_170, %mul3A_997 : vector<16xf32>
        %add3A_999 = arith.addf %add3A_996, %mul3A_998 : vector<16xf32>
        %add3A_1000 = vector.broadcast %squeeze3A_979 : f32 to vector<16xf32>
        %add3A_1001 = arith.addf %get3A_172, %add3A_1000 : vector<16xf32>
        %add3A_1002 = arith.addf %add3A_1001, %add3A_999 : vector<16xf32>
        %min3A_1003 = arith.minimumf %min3A_933, %add3A_1002 : vector<16xf32>
        %mul3A_1004 = vector.broadcast %squeeze3A_973 : f32 to vector<16xf32>
        %mul3A_1005 = arith.mulf %get3A_180, %mul3A_1004 : vector<16xf32>
        %mul3A_1006 = vector.broadcast %squeeze3A_975 : f32 to vector<16xf32>
        %mul3A_1007 = arith.mulf %get3A_182, %mul3A_1006 : vector<16xf32>
        %add3A_1008 = arith.addf %mul3A_1005, %mul3A_1007 : vector<16xf32>
        %mul3A_1009 = vector.broadcast %squeeze3A_977 : f32 to vector<16xf32>
        %mul3A_1010 = arith.mulf %get3A_184, %mul3A_1009 : vector<16xf32>
        %add3A_1011 = arith.addf %add3A_1008, %mul3A_1010 : vector<16xf32>
        %add3A_1012 = vector.broadcast %squeeze3A_979 : f32 to vector<16xf32>
        %add3A_1013 = arith.addf %get3A_186, %add3A_1012 : vector<16xf32>
        %add3A_1014 = arith.addf %add3A_1013, %add3A_1011 : vector<16xf32>
        %min3A_1015 = arith.minimumf %min3A_945, %add3A_1014 : vector<16xf32>
        %mul3A_1016 = vector.broadcast %squeeze3A_973 : f32 to vector<16xf32>
        %mul3A_1017 = arith.mulf %get3A_194, %mul3A_1016 : vector<16xf32>
        %mul3A_1018 = vector.broadcast %squeeze3A_975 : f32 to vector<16xf32>
        %mul3A_1019 = arith.mulf %get3A_196, %mul3A_1018 : vector<16xf32>
        %add3A_1020 = arith.addf %mul3A_1017, %mul3A_1019 : vector<16xf32>
        %mul3A_1021 = vector.broadcast %squeeze3A_977 : f32 to vector<16xf32>
        %mul3A_1022 = arith.mulf %get3A_198, %mul3A_1021 : vector<16xf32>
        %add3A_1023 = arith.addf %add3A_1020, %mul3A_1022 : vector<16xf32>
        %add3A_1024 = vector.broadcast %squeeze3A_979 : f32 to vector<16xf32>
        %add3A_1025 = arith.addf %get3A_200, %add3A_1024 : vector<16xf32>
        %add3A_1026 = arith.addf %add3A_1025, %add3A_1023 : vector<16xf32>
        %min3A_1027 = arith.minimumf %min3A_957, %add3A_1026 : vector<16xf32>
        %min3A_1028 = arith.minimumf %add3A_990, %add3A_1002 : vector<16xf32>
        %min3A_1029 = arith.minimumf %add3A_1014, %add3A_1026 : vector<16xf32>
        %min3A_1030 = arith.minimumf %min3A_1028, %min3A_1029 : vector<16xf32>
        %mul3A_1031 = arith.constant 16 : i32
        %mul3A_1032 = arith.muli %add3A_971, %mul3A_1031 : i32
        %get3A_1033 = arith.index_cast %mul3A_1032 : i32 to index
        %get3A_1034 = tpu.vector_load %arg16[%get3A_1033] {strides = array<i32>} : memref<32768xf32, #tpu.memory_space<vmem>>, vector<16xf32>,
        %min3A_1035 = arith.minimumf %get3A_1034, %min3A_1030 : vector<16xf32>
        %swap3A_1036 = arith.index_cast %mul3A_1032 : i32 to index
        %swap3A_1037 = tpu.vector_load %arg16[%swap3A_1036] {strides = array<i32>} : memref<32768xf32, #tpu.memory_space<vmem>>, vector<16xf32>,
        tpu.vector_store %arg16[%swap3A_1036], %min3A_1035 {strides = array<i32>} : memref<32768xf32, #tpu.memory_space<vmem>>, vector<16xf32>,
        %mul3A_1038 = arith.constant 16 : i32
        %mul3A_1039 = arith.muli %scan3A_250, %mul3A_1038 : i32
        %add3A_1040 = arith.constant 11 : i32
        %add3A_1041 = arith.addi %mul3A_1039, %add3A_1040 : i32
        %slice3A_1042 = vector.extract_strided_slice %get3A_258 {offsets = [11], sizes = [1], strides = [1]} : vector<16xf32> to vector<1xf32>
        %squeeze3A_1043 = vector.extract %slice3A_1042[0] : f32 from vector<1xf32>
        %slice3A_1044 = vector.extract_strided_slice %get3A_262 {offsets = [11], sizes = [1], strides = [1]} : vector<16xf32> to vector<1xf32>
        %squeeze3A_1045 = vector.extract %slice3A_1044[0] : f32 from vector<1xf32>
        %slice3A_1046 = vector.extract_strided_slice %get3A_266 {offsets = [11], sizes = [1], strides = [1]} : vector<16xf32> to vector<1xf32>
        %squeeze3A_1047 = vector.extract %slice3A_1046[0] : f32 from vector<1xf32>
        %slice3A_1048 = vector.extract_strided_slice %get3A_270 {offsets = [11], sizes = [1], strides = [1]} : vector<16xf32> to vector<1xf32>
        %squeeze3A_1049 = vector.extract %slice3A_1048[0] : f32 from vector<1xf32>
        %mul3A_1050 = vector.broadcast %squeeze3A_1043 : f32 to vector<16xf32>
        %mul3A_1051 = arith.mulf %get3A_152, %mul3A_1050 : vector<16xf32>
        %mul3A_1052 = vector.broadcast %squeeze3A_1045 : f32 to vector<16xf32>
        %mul3A_1053 = arith.mulf %get3A_154, %mul3A_1052 : vector<16xf32>
        %add3A_1054 = arith.addf %mul3A_1051, %mul3A_1053 : vector<16xf32>
        %mul3A_1055 = vector.broadcast %squeeze3A_1047 : f32 to vector<16xf32>
        %mul3A_1056 = arith.mulf %get3A_156, %mul3A_1055 : vector<16xf32>
        %add3A_1057 = arith.addf %add3A_1054, %mul3A_1056 : vector<16xf32>
        %add3A_1058 = vector.broadcast %squeeze3A_1049 : f32 to vector<16xf32>
        %add3A_1059 = arith.addf %get3A_158, %add3A_1058 : vector<16xf32>
        %add3A_1060 = arith.addf %add3A_1059, %add3A_1057 : vector<16xf32>
        %min3A_1061 = arith.minimumf %min3A_991, %add3A_1060 : vector<16xf32>
        %mul3A_1062 = vector.broadcast %squeeze3A_1043 : f32 to vector<16xf32>
        %mul3A_1063 = arith.mulf %get3A_166, %mul3A_1062 : vector<16xf32>
        %mul3A_1064 = vector.broadcast %squeeze3A_1045 : f32 to vector<16xf32>
        %mul3A_1065 = arith.mulf %get3A_168, %mul3A_1064 : vector<16xf32>
        %add3A_1066 = arith.addf %mul3A_1063, %mul3A_1065 : vector<16xf32>
        %mul3A_1067 = vector.broadcast %squeeze3A_1047 : f32 to vector<16xf32>
        %mul3A_1068 = arith.mulf %get3A_170, %mul3A_1067 : vector<16xf32>
        %add3A_1069 = arith.addf %add3A_1066, %mul3A_1068 : vector<16xf32>
        %add3A_1070 = vector.broadcast %squeeze3A_1049 : f32 to vector<16xf32>
        %add3A_1071 = arith.addf %get3A_172, %add3A_1070 : vector<16xf32>
        %add3A_1072 = arith.addf %add3A_1071, %add3A_1069 : vector<16xf32>
        %min3A_1073 = arith.minimumf %min3A_1003, %add3A_1072 : vector<16xf32>
        %mul3A_1074 = vector.broadcast %squeeze3A_1043 : f32 to vector<16xf32>
        %mul3A_1075 = arith.mulf %get3A_180, %mul3A_1074 : vector<16xf32>
        %mul3A_1076 = vector.broadcast %squeeze3A_1045 : f32 to vector<16xf32>
        %mul3A_1077 = arith.mulf %get3A_182, %mul3A_1076 : vector<16xf32>
        %add3A_1078 = arith.addf %mul3A_1075, %mul3A_1077 : vector<16xf32>
        %mul3A_1079 = vector.broadcast %squeeze3A_1047 : f32 to vector<16xf32>
        %mul3A_1080 = arith.mulf %get3A_184, %mul3A_1079 : vector<16xf32>
        %add3A_1081 = arith.addf %add3A_1078, %mul3A_1080 : vector<16xf32>
        %add3A_1082 = vector.broadcast %squeeze3A_1049 : f32 to vector<16xf32>
        %add3A_1083 = arith.addf %get3A_186, %add3A_1082 : vector<16xf32>
        %add3A_1084 = arith.addf %add3A_1083, %add3A_1081 : vector<16xf32>
        %min3A_1085 = arith.minimumf %min3A_1015, %add3A_1084 : vector<16xf32>
        %mul3A_1086 = vector.broadcast %squeeze3A_1043 : f32 to vector<16xf32>
        %mul3A_1087 = arith.mulf %get3A_194, %mul3A_1086 : vector<16xf32>
        %mul3A_1088 = vector.broadcast %squeeze3A_1045 : f32 to vector<16xf32>
        %mul3A_1089 = arith.mulf %get3A_196, %mul3A_1088 : vector<16xf32>
        %add3A_1090 = arith.addf %mul3A_1087, %mul3A_1089 : vector<16xf32>
        %mul3A_1091 = vector.broadcast %squeeze3A_1047 : f32 to vector<16xf32>
        %mul3A_1092 = arith.mulf %get3A_198, %mul3A_1091 : vector<16xf32>
        %add3A_1093 = arith.addf %add3A_1090, %mul3A_1092 : vector<16xf32>
        %add3A_1094 = vector.broadcast %squeeze3A_1049 : f32 to vector<16xf32>
        %add3A_1095 = arith.addf %get3A_200, %add3A_1094 : vector<16xf32>
        %add3A_1096 = arith.addf %add3A_1095, %add3A_1093 : vector<16xf32>
        %min3A_1097 = arith.minimumf %min3A_1027, %add3A_1096 : vector<16xf32>
        %min3A_1098 = arith.minimumf %add3A_1060, %add3A_1072 : vector<16xf32>
        %min3A_1099 = arith.minimumf %add3A_1084, %add3A_1096 : vector<16xf32>
        %min3A_1100 = arith.minimumf %min3A_1098, %min3A_1099 : vector<16xf32>
        %mul3A_1101 = arith.constant 16 : i32
        %mul3A_1102 = arith.muli %add3A_1041, %mul3A_1101 : i32
        %get3A_1103 = arith.index_cast %mul3A_1102 : i32 to index
        %get3A_1104 = tpu.vector_load %arg16[%get3A_1103] {strides = array<i32>} : memref<32768xf32, #tpu.memory_space<vmem>>, vector<16xf32>,
        %min3A_1105 = arith.minimumf %get3A_1104, %min3A_1100 : vector<16xf32>
        %swap3A_1106 = arith.index_cast %mul3A_1102 : i32 to index
        %swap3A_1107 = tpu.vector_load %arg16[%swap3A_1106] {strides = array<i32>} : memref<32768xf32, #tpu.memory_space<vmem>>, vector<16xf32>,
        tpu.vector_store %arg16[%swap3A_1106], %min3A_1105 {strides = array<i32>} : memref<32768xf32, #tpu.memory_space<vmem>>, vector<16xf32>,
        %mul3A_1108 = arith.constant 16 : i32
        %mul3A_1109 = arith.muli %scan3A_250, %mul3A_1108 : i32
        %add3A_1110 = arith.constant 12 : i32
        %add3A_1111 = arith.addi %mul3A_1109, %add3A_1110 : i32
        %slice3A_1112 = vector.extract_strided_slice %get3A_258 {offsets = [12], sizes = [1], strides = [1]} : vector<16xf32> to vector<1xf32>
        %squeeze3A_1113 = vector.extract %slice3A_1112[0] : f32 from vector<1xf32>
        %slice3A_1114 = vector.extract_strided_slice %get3A_262 {offsets = [12], sizes = [1], strides = [1]} : vector<16xf32> to vector<1xf32>
        %squeeze3A_1115 = vector.extract %slice3A_1114[0] : f32 from vector<1xf32>
        %slice3A_1116 = vector.extract_strided_slice %get3A_266 {offsets = [12], sizes = [1], strides = [1]} : vector<16xf32> to vector<1xf32>
        %squeeze3A_1117 = vector.extract %slice3A_1116[0] : f32 from vector<1xf32>
        %slice3A_1118 = vector.extract_strided_slice %get3A_270 {offsets = [12], sizes = [1], strides = [1]} : vector<16xf32> to vector<1xf32>
        %squeeze3A_1119 = vector.extract %slice3A_1118[0] : f32 from vector<1xf32>
        %mul3A_1120 = vector.broadcast %squeeze3A_1113 : f32 to vector<16xf32>
        %mul3A_1121 = arith.mulf %get3A_152, %mul3A_1120 : vector<16xf32>
        %mul3A_1122 = vector.broadcast %squeeze3A_1115 : f32 to vector<16xf32>
        %mul3A_1123 = arith.mulf %get3A_154, %mul3A_1122 : vector<16xf32>
        %add3A_1124 = arith.addf %mul3A_1121, %mul3A_1123 : vector<16xf32>
        %mul3A_1125 = vector.broadcast %squeeze3A_1117 : f32 to vector<16xf32>
        %mul3A_1126 = arith.mulf %get3A_156, %mul3A_1125 : vector<16xf32>
        %add3A_1127 = arith.addf %add3A_1124, %mul3A_1126 : vector<16xf32>
        %add3A_1128 = vector.broadcast %squeeze3A_1119 : f32 to vector<16xf32>
        %add3A_1129 = arith.addf %get3A_158, %add3A_1128 : vector<16xf32>
        %add3A_1130 = arith.addf %add3A_1129, %add3A_1127 : vector<16xf32>
        %min3A_1131 = arith.minimumf %min3A_1061, %add3A_1130 : vector<16xf32>
        %mul3A_1132 = vector.broadcast %squeeze3A_1113 : f32 to vector<16xf32>
        %mul3A_1133 = arith.mulf %get3A_166, %mul3A_1132 : vector<16xf32>
        %mul3A_1134 = vector.broadcast %squeeze3A_1115 : f32 to vector<16xf32>
        %mul3A_1135 = arith.mulf %get3A_168, %mul3A_1134 : vector<16xf32>
        %add3A_1136 = arith.addf %mul3A_1133, %mul3A_1135 : vector<16xf32>
        %mul3A_1137 = vector.broadcast %squeeze3A_1117 : f32 to vector<16xf32>
        %mul3A_1138 = arith.mulf %get3A_170, %mul3A_1137 : vector<16xf32>
        %add3A_1139 = arith.addf %add3A_1136, %mul3A_1138 : vector<16xf32>
        %add3A_1140 = vector.broadcast %squeeze3A_1119 : f32 to vector<16xf32>
        %add3A_1141 = arith.addf %get3A_172, %add3A_1140 : vector<16xf32>
        %add3A_1142 = arith.addf %add3A_1141, %add3A_1139 : vector<16xf32>
        %min3A_1143 = arith.minimumf %min3A_1073, %add3A_1142 : vector<16xf32>
        %mul3A_1144 = vector.broadcast %squeeze3A_1113 : f32 to vector<16xf32>
        %mul3A_1145 = arith.mulf %get3A_180, %mul3A_1144 : vector<16xf32>
        %mul3A_1146 = vector.broadcast %squeeze3A_1115 : f32 to vector<16xf32>
        %mul3A_1147 = arith.mulf %get3A_182, %mul3A_1146 : vector<16xf32>
        %add3A_1148 = arith.addf %mul3A_1145, %mul3A_1147 : vector<16xf32>
        %mul3A_1149 = vector.broadcast %squeeze3A_1117 : f32 to vector<16xf32>
        %mul3A_1150 = arith.mulf %get3A_184, %mul3A_1149 : vector<16xf32>
        %add3A_1151 = arith.addf %add3A_1148, %mul3A_1150 : vector<16xf32>
        %add3A_1152 = vector.broadcast %squeeze3A_1119 : f32 to vector<16xf32>
        %add3A_1153 = arith.addf %get3A_186, %add3A_1152 : vector<16xf32>
        %add3A_1154 = arith.addf %add3A_1153, %add3A_1151 : vector<16xf32>
        %min3A_1155 = arith.minimumf %min3A_1085, %add3A_1154 : vector<16xf32>
        %mul3A_1156 = vector.broadcast %squeeze3A_1113 : f32 to vector<16xf32>
        %mul3A_1157 = arith.mulf %get3A_194, %mul3A_1156 : vector<16xf32>
        %mul3A_1158 = vector.broadcast %squeeze3A_1115 : f32 to vector<16xf32>
        %mul3A_1159 = arith.mulf %get3A_196, %mul3A_1158 : vector<16xf32>
        %add3A_1160 = arith.addf %mul3A_1157, %mul3A_1159 : vector<16xf32>
        %mul3A_1161 = vector.broadcast %squeeze3A_1117 : f32 to vector<16xf32>
        %mul3A_1162 = arith.mulf %get3A_198, %mul3A_1161 : vector<16xf32>
        %add3A_1163 = arith.addf %add3A_1160, %mul3A_1162 : vector<16xf32>
        %add3A_1164 = vector.broadcast %squeeze3A_1119 : f32 to vector<16xf32>
        %add3A_1165 = arith.addf %get3A_200, %add3A_1164 : vector<16xf32>
        %add3A_1166 = arith.addf %add3A_1165, %add3A_1163 : vector<16xf32>
        %min3A_1167 = arith.minimumf %min3A_1097, %add3A_1166 : vector<16xf32>
        %min3A_1168 = arith.minimumf %add3A_1130, %add3A_1142 : vector<16xf32>
        %min3A_1169 = arith.minimumf %add3A_1154, %add3A_1166 : vector<16xf32>
        %min3A_1170 = arith.minimumf %min3A_1168, %min3A_1169 : vector<16xf32>
        %mul3A_1171 = arith.constant 16 : i32
        %mul3A_1172 = arith.muli %add3A_1111, %mul3A_1171 : i32
        %get3A_1173 = arith.index_cast %mul3A_1172 : i32 to index
        %get3A_1174 = tpu.vector_load %arg16[%get3A_1173] {strides = array<i32>} : memref<32768xf32, #tpu.memory_space<vmem>>, vector<16xf32>,
        %min3A_1175 = arith.minimumf %get3A_1174, %min3A_1170 : vector<16xf32>
        %swap3A_1176 = arith.index_cast %mul3A_1172 : i32 to index
        %swap3A_1177 = tpu.vector_load %arg16[%swap3A_1176] {strides = array<i32>} : memref<32768xf32, #tpu.memory_space<vmem>>, vector<16xf32>,
        tpu.vector_store %arg16[%swap3A_1176], %min3A_1175 {strides = array<i32>} : memref<32768xf32, #tpu.memory_space<vmem>>, vector<16xf32>,
        %mul3A_1178 = arith.constant 16 : i32
        %mul3A_1179 = arith.muli %scan3A_250, %mul3A_1178 : i32
        %add3A_1180 = arith.constant 13 : i32
        %add3A_1181 = arith.addi %mul3A_1179, %add3A_1180 : i32
        %slice3A_1182 = vector.extract_strided_slice %get3A_258 {offsets = [13], sizes = [1], strides = [1]} : vector<16xf32> to vector<1xf32>
        %squeeze3A_1183 = vector.extract %slice3A_1182[0] : f32 from vector<1xf32>
        %slice3A_1184 = vector.extract_strided_slice %get3A_262 {offsets = [13], sizes = [1], strides = [1]} : vector<16xf32> to vector<1xf32>
        %squeeze3A_1185 = vector.extract %slice3A_1184[0] : f32 from vector<1xf32>
        %slice3A_1186 = vector.extract_strided_slice %get3A_266 {offsets = [13], sizes = [1], strides = [1]} : vector<16xf32> to vector<1xf32>
        %squeeze3A_1187 = vector.extract %slice3A_1186[0] : f32 from vector<1xf32>
        %slice3A_1188 = vector.extract_strided_slice %get3A_270 {offsets = [13], sizes = [1], strides = [1]} : vector<16xf32> to vector<1xf32>
        %squeeze3A_1189 = vector.extract %slice3A_1188[0] : f32 from vector<1xf32>
        %mul3A_1190 = vector.broadcast %squeeze3A_1183 : f32 to vector<16xf32>
        %mul3A_1191 = arith.mulf %get3A_152, %mul3A_1190 : vector<16xf32>
        %mul3A_1192 = vector.broadcast %squeeze3A_1185 : f32 to vector<16xf32>
        %mul3A_1193 = arith.mulf %get3A_154, %mul3A_1192 : vector<16xf32>
        %add3A_1194 = arith.addf %mul3A_1191, %mul3A_1193 : vector<16xf32>
        %mul3A_1195 = vector.broadcast %squeeze3A_1187 : f32 to vector<16xf32>
        %mul3A_1196 = arith.mulf %get3A_156, %mul3A_1195 : vector<16xf32>
        %add3A_1197 = arith.addf %add3A_1194, %mul3A_1196 : vector<16xf32>
        %add3A_1198 = vector.broadcast %squeeze3A_1189 : f32 to vector<16xf32>
        %add3A_1199 = arith.addf %get3A_158, %add3A_1198 : vector<16xf32>
        %add3A_1200 = arith.addf %add3A_1199, %add3A_1197 : vector<16xf32>
        %min3A_1201 = arith.minimumf %min3A_1131, %add3A_1200 : vector<16xf32>
        %mul3A_1202 = vector.broadcast %squeeze3A_1183 : f32 to vector<16xf32>
        %mul3A_1203 = arith.mulf %get3A_166, %mul3A_1202 : vector<16xf32>
        %mul3A_1204 = vector.broadcast %squeeze3A_1185 : f32 to vector<16xf32>
        %mul3A_1205 = arith.mulf %get3A_168, %mul3A_1204 : vector<16xf32>
        %add3A_1206 = arith.addf %mul3A_1203, %mul3A_1205 : vector<16xf32>
        %mul3A_1207 = vector.broadcast %squeeze3A_1187 : f32 to vector<16xf32>
        %mul3A_1208 = arith.mulf %get3A_170, %mul3A_1207 : vector<16xf32>
        %add3A_1209 = arith.addf %add3A_1206, %mul3A_1208 : vector<16xf32>
        %add3A_1210 = vector.broadcast %squeeze3A_1189 : f32 to vector<16xf32>
        %add3A_1211 = arith.addf %get3A_172, %add3A_1210 : vector<16xf32>
        %add3A_1212 = arith.addf %add3A_1211, %add3A_1209 : vector<16xf32>
        %min3A_1213 = arith.minimumf %min3A_1143, %add3A_1212 : vector<16xf32>
        %mul3A_1214 = vector.broadcast %squeeze3A_1183 : f32 to vector<16xf32>
        %mul3A_1215 = arith.mulf %get3A_180, %mul3A_1214 : vector<16xf32>
        %mul3A_1216 = vector.broadcast %squeeze3A_1185 : f32 to vector<16xf32>
        %mul3A_1217 = arith.mulf %get3A_182, %mul3A_1216 : vector<16xf32>
        %add3A_1218 = arith.addf %mul3A_1215, %mul3A_1217 : vector<16xf32>
        %mul3A_1219 = vector.broadcast %squeeze3A_1187 : f32 to vector<16xf32>
        %mul3A_1220 = arith.mulf %get3A_184, %mul3A_1219 : vector<16xf32>
        %add3A_1221 = arith.addf %add3A_1218, %mul3A_1220 : vector<16xf32>
        %add3A_1222 = vector.broadcast %squeeze3A_1189 : f32 to vector<16xf32>
        %add3A_1223 = arith.addf %get3A_186, %add3A_1222 : vector<16xf32>
        %add3A_1224 = arith.addf %add3A_1223, %add3A_1221 : vector<16xf32>
        %min3A_1225 = arith.minimumf %min3A_1155, %add3A_1224 : vector<16xf32>
        %mul3A_1226 = vector.broadcast %squeeze3A_1183 : f32 to vector<16xf32>
        %mul3A_1227 = arith.mulf %get3A_194, %mul3A_1226 : vector<16xf32>
        %mul3A_1228 = vector.broadcast %squeeze3A_1185 : f32 to vector<16xf32>
        %mul3A_1229 = arith.mulf %get3A_196, %mul3A_1228 : vector<16xf32>
        %add3A_1230 = arith.addf %mul3A_1227, %mul3A_1229 : vector<16xf32>
        %mul3A_1231 = vector.broadcast %squeeze3A_1187 : f32 to vector<16xf32>
        %mul3A_1232 = arith.mulf %get3A_198, %mul3A_1231 : vector<16xf32>
        %add3A_1233 = arith.addf %add3A_1230, %mul3A_1232 : vector<16xf32>
        %add3A_1234 = vector.broadcast %squeeze3A_1189 : f32 to vector<16xf32>
        %add3A_1235 = arith.addf %get3A_200, %add3A_1234 : vector<16xf32>
        %add3A_1236 = arith.addf %add3A_1235, %add3A_1233 : vector<16xf32>
        %min3A_1237 = arith.minimumf %min3A_1167, %add3A_1236 : vector<16xf32>
        %min3A_1238 = arith.minimumf %add3A_1200, %add3A_1212 : vector<16xf32>
        %min3A_1239 = arith.minimumf %add3A_1224, %add3A_1236 : vector<16xf32>
        %min3A_1240 = arith.minimumf %min3A_1238, %min3A_1239 : vector<16xf32>
        %mul3A_1241 = arith.constant 16 : i32
        %mul3A_1242 = arith.muli %add3A_1181, %mul3A_1241 : i32
        %get3A_1243 = arith.index_cast %mul3A_1242 : i32 to index
        %get3A_1244 = tpu.vector_load %arg16[%get3A_1243] {strides = array<i32>} : memref<32768xf32, #tpu.memory_space<vmem>>, vector<16xf32>,
        %min3A_1245 = arith.minimumf %get3A_1244, %min3A_1240 : vector<16xf32>
        %swap3A_1246 = arith.index_cast %mul3A_1242 : i32 to index
        %swap3A_1247 = tpu.vector_load %arg16[%swap3A_1246] {strides = array<i32>} : memref<32768xf32, #tpu.memory_space<vmem>>, vector<16xf32>,
        tpu.vector_store %arg16[%swap3A_1246], %min3A_1245 {strides = array<i32>} : memref<32768xf32, #tpu.memory_space<vmem>>, vector<16xf32>,
        %mul3A_1248 = arith.constant 16 : i32
        %mul3A_1249 = arith.muli %scan3A_250, %mul3A_1248 : i32
        %add3A_1250 = arith.constant 14 : i32
        %add3A_1251 = arith.addi %mul3A_1249, %add3A_1250 : i32
        %slice3A_1252 = vector.extract_strided_slice %get3A_258 {offsets = [14], sizes = [1], strides = [1]} : vector<16xf32> to vector<1xf32>
        %squeeze3A_1253 = vector.extract %slice3A_1252[0] : f32 from vector<1xf32>
        %slice3A_1254 = vector.extract_strided_slice %get3A_262 {offsets = [14], sizes = [1], strides = [1]} : vector<16xf32> to vector<1xf32>
        %squeeze3A_1255 = vector.extract %slice3A_1254[0] : f32 from vector<1xf32>
        %slice3A_1256 = vector.extract_strided_slice %get3A_266 {offsets = [14], sizes = [1], strides = [1]} : vector<16xf32> to vector<1xf32>
        %squeeze3A_1257 = vector.extract %slice3A_1256[0] : f32 from vector<1xf32>
        %slice3A_1258 = vector.extract_strided_slice %get3A_270 {offsets = [14], sizes = [1], strides = [1]} : vector<16xf32> to vector<1xf32>
        %squeeze3A_1259 = vector.extract %slice3A_1258[0] : f32 from vector<1xf32>
        %mul3A_1260 = vector.broadcast %squeeze3A_1253 : f32 to vector<16xf32>
        %mul3A_1261 = arith.mulf %get3A_152, %mul3A_1260 : vector<16xf32>
        %mul3A_1262 = vector.broadcast %squeeze3A_1255 : f32 to vector<16xf32>
        %mul3A_1263 = arith.mulf %get3A_154, %mul3A_1262 : vector<16xf32>
        %add3A_1264 = arith.addf %mul3A_1261, %mul3A_1263 : vector<16xf32>
        %mul3A_1265 = vector.broadcast %squeeze3A_1257 : f32 to vector<16xf32>
        %mul3A_1266 = arith.mulf %get3A_156, %mul3A_1265 : vector<16xf32>
        %add3A_1267 = arith.addf %add3A_1264, %mul3A_1266 : vector<16xf32>
        %add3A_1268 = vector.broadcast %squeeze3A_1259 : f32 to vector<16xf32>
        %add3A_1269 = arith.addf %get3A_158, %add3A_1268 : vector<16xf32>
        %add3A_1270 = arith.addf %add3A_1269, %add3A_1267 : vector<16xf32>
        %min3A_1271 = arith.minimumf %min3A_1201, %add3A_1270 : vector<16xf32>
        %mul3A_1272 = vector.broadcast %squeeze3A_1253 : f32 to vector<16xf32>
        %mul3A_1273 = arith.mulf %get3A_166, %mul3A_1272 : vector<16xf32>
        %mul3A_1274 = vector.broadcast %squeeze3A_1255 : f32 to vector<16xf32>
        %mul3A_1275 = arith.mulf %get3A_168, %mul3A_1274 : vector<16xf32>
        %add3A_1276 = arith.addf %mul3A_1273, %mul3A_1275 : vector<16xf32>
        %mul3A_1277 = vector.broadcast %squeeze3A_1257 : f32 to vector<16xf32>
        %mul3A_1278 = arith.mulf %get3A_170, %mul3A_1277 : vector<16xf32>
        %add3A_1279 = arith.addf %add3A_1276, %mul3A_1278 : vector<16xf32>
        %add3A_1280 = vector.broadcast %squeeze3A_1259 : f32 to vector<16xf32>
        %add3A_1281 = arith.addf %get3A_172, %add3A_1280 : vector<16xf32>
        %add3A_1282 = arith.addf %add3A_1281, %add3A_1279 : vector<16xf32>
        %min3A_1283 = arith.minimumf %min3A_1213, %add3A_1282 : vector<16xf32>
        %mul3A_1284 = vector.broadcast %squeeze3A_1253 : f32 to vector<16xf32>
        %mul3A_1285 = arith.mulf %get3A_180, %mul3A_1284 : vector<16xf32>
        %mul3A_1286 = vector.broadcast %squeeze3A_1255 : f32 to vector<16xf32>
        %mul3A_1287 = arith.mulf %get3A_182, %mul3A_1286 : vector<16xf32>
        %add3A_1288 = arith.addf %mul3A_1285, %mul3A_1287 : vector<16xf32>
        %mul3A_1289 = vector.broadcast %squeeze3A_1257 : f32 to vector<16xf32>
        %mul3A_1290 = arith.mulf %get3A_184, %mul3A_1289 : vector<16xf32>
        %add3A_1291 = arith.addf %add3A_1288, %mul3A_1290 : vector<16xf32>
        %add3A_1292 = vector.broadcast %squeeze3A_1259 : f32 to vector<16xf32>
        %add3A_1293 = arith.addf %get3A_186, %add3A_1292 : vector<16xf32>
        %add3A_1294 = arith.addf %add3A_1293, %add3A_1291 : vector<16xf32>
        %min3A_1295 = arith.minimumf %min3A_1225, %add3A_1294 : vector<16xf32>
        %mul3A_1296 = vector.broadcast %squeeze3A_1253 : f32 to vector<16xf32>
        %mul3A_1297 = arith.mulf %get3A_194, %mul3A_1296 : vector<16xf32>
        %mul3A_1298 = vector.broadcast %squeeze3A_1255 : f32 to vector<16xf32>
        %mul3A_1299 = arith.mulf %get3A_196, %mul3A_1298 : vector<16xf32>
        %add3A_1300 = arith.addf %mul3A_1297, %mul3A_1299 : vector<16xf32>
        %mul3A_1301 = vector.broadcast %squeeze3A_1257 : f32 to vector<16xf32>
        %mul3A_1302 = arith.mulf %get3A_198, %mul3A_1301 : vector<16xf32>
        %add3A_1303 = arith.addf %add3A_1300, %mul3A_1302 : vector<16xf32>
        %add3A_1304 = vector.broadcast %squeeze3A_1259 : f32 to vector<16xf32>
        %add3A_1305 = arith.addf %get3A_200, %add3A_1304 : vector<16xf32>
        %add3A_1306 = arith.addf %add3A_1305, %add3A_1303 : vector<16xf32>
        %min3A_1307 = arith.minimumf %min3A_1237, %add3A_1306 : vector<16xf32>
        %min3A_1308 = arith.minimumf %add3A_1270, %add3A_1282 : vector<16xf32>
        %min3A_1309 = arith.minimumf %add3A_1294, %add3A_1306 : vector<16xf32>
        %min3A_1310 = arith.minimumf %min3A_1308, %min3A_1309 : vector<16xf32>
        %mul3A_1311 = arith.constant 16 : i32
        %mul3A_1312 = arith.muli %add3A_1251, %mul3A_1311 : i32
        %get3A_1313 = arith.index_cast %mul3A_1312 : i32 to index
        %get3A_1314 = tpu.vector_load %arg16[%get3A_1313] {strides = array<i32>} : memref<32768xf32, #tpu.memory_space<vmem>>, vector<16xf32>,
        %min3A_1315 = arith.minimumf %get3A_1314, %min3A_1310 : vector<16xf32>
        %swap3A_1316 = arith.index_cast %mul3A_1312 : i32 to index
        %swap3A_1317 = tpu.vector_load %arg16[%swap3A_1316] {strides = array<i32>} : memref<32768xf32, #tpu.memory_space<vmem>>, vector<16xf32>,
        tpu.vector_store %arg16[%swap3A_1316], %min3A_1315 {strides = array<i32>} : memref<32768xf32, #tpu.memory_space<vmem>>, vector<16xf32>,
        %mul3A_1318 = arith.constant 16 : i32
        %mul3A_1319 = arith.muli %scan3A_250, %mul3A_1318 : i32
        %add3A_1320 = arith.constant 15 : i32
        %add3A_1321 = arith.addi %mul3A_1319, %add3A_1320 : i32
        %slice3A_1322 = vector.extract_strided_slice %get3A_258 {offsets = [15], sizes = [1], strides = [1]} : vector<16xf32> to vector<1xf32>
        %squeeze3A_1323 = vector.extract %slice3A_1322[0] : f32 from vector<1xf32>
        %slice3A_1324 = vector.extract_strided_slice %get3A_262 {offsets = [15], sizes = [1], strides = [1]} : vector<16xf32> to vector<1xf32>
        %squeeze3A_1325 = vector.extract %slice3A_1324[0] : f32 from vector<1xf32>
        %slice3A_1326 = vector.extract_strided_slice %get3A_266 {offsets = [15], sizes = [1], strides = [1]} : vector<16xf32> to vector<1xf32>
        %squeeze3A_1327 = vector.extract %slice3A_1326[0] : f32 from vector<1xf32>
        %slice3A_1328 = vector.extract_strided_slice %get3A_270 {offsets = [15], sizes = [1], strides = [1]} : vector<16xf32> to vector<1xf32>
        %squeeze3A_1329 = vector.extract %slice3A_1328[0] : f32 from vector<1xf32>
        %mul3A_1330 = vector.broadcast %squeeze3A_1323 : f32 to vector<16xf32>
        %mul3A_1331 = arith.mulf %get3A_152, %mul3A_1330 : vector<16xf32>
        %mul3A_1332 = vector.broadcast %squeeze3A_1325 : f32 to vector<16xf32>
        %mul3A_1333 = arith.mulf %get3A_154, %mul3A_1332 : vector<16xf32>
        %add3A_1334 = arith.addf %mul3A_1331, %mul3A_1333 : vector<16xf32>
        %mul3A_1335 = vector.broadcast %squeeze3A_1327 : f32 to vector<16xf32>
        %mul3A_1336 = arith.mulf %get3A_156, %mul3A_1335 : vector<16xf32>
        %add3A_1337 = arith.addf %add3A_1334, %mul3A_1336 : vector<16xf32>
        %add3A_1338 = vector.broadcast %squeeze3A_1329 : f32 to vector<16xf32>
        %add3A_1339 = arith.addf %get3A_158, %add3A_1338 : vector<16xf32>
        %add3A_1340 = arith.addf %add3A_1339, %add3A_1337 : vector<16xf32>
        %min3A_1341 = arith.minimumf %min3A_1271, %add3A_1340 : vector<16xf32>
        %mul3A_1342 = vector.broadcast %squeeze3A_1323 : f32 to vector<16xf32>
        %mul3A_1343 = arith.mulf %get3A_166, %mul3A_1342 : vector<16xf32>
        %mul3A_1344 = vector.broadcast %squeeze3A_1325 : f32 to vector<16xf32>
        %mul3A_1345 = arith.mulf %get3A_168, %mul3A_1344 : vector<16xf32>
        %add3A_1346 = arith.addf %mul3A_1343, %mul3A_1345 : vector<16xf32>
        %mul3A_1347 = vector.broadcast %squeeze3A_1327 : f32 to vector<16xf32>
        %mul3A_1348 = arith.mulf %get3A_170, %mul3A_1347 : vector<16xf32>
        %add3A_1349 = arith.addf %add3A_1346, %mul3A_1348 : vector<16xf32>
        %add3A_1350 = vector.broadcast %squeeze3A_1329 : f32 to vector<16xf32>
        %add3A_1351 = arith.addf %get3A_172, %add3A_1350 : vector<16xf32>
        %add3A_1352 = arith.addf %add3A_1351, %add3A_1349 : vector<16xf32>
        %min3A_1353 = arith.minimumf %min3A_1283, %add3A_1352 : vector<16xf32>
        %mul3A_1354 = vector.broadcast %squeeze3A_1323 : f32 to vector<16xf32>
        %mul3A_1355 = arith.mulf %get3A_180, %mul3A_1354 : vector<16xf32>
        %mul3A_1356 = vector.broadcast %squeeze3A_1325 : f32 to vector<16xf32>
        %mul3A_1357 = arith.mulf %get3A_182, %mul3A_1356 : vector<16xf32>
        %add3A_1358 = arith.addf %mul3A_1355, %mul3A_1357 : vector<16xf32>
        %mul3A_1359 = vector.broadcast %squeeze3A_1327 : f32 to vector<16xf32>
        %mul3A_1360 = arith.mulf %get3A_184, %mul3A_1359 : vector<16xf32>
        %add3A_1361 = arith.addf %add3A_1358, %mul3A_1360 : vector<16xf32>
        %add3A_1362 = vector.broadcast %squeeze3A_1329 : f32 to vector<16xf32>
        %add3A_1363 = arith.addf %get3A_186, %add3A_1362 : vector<16xf32>
        %add3A_1364 = arith.addf %add3A_1363, %add3A_1361 : vector<16xf32>
        %min3A_1365 = arith.minimumf %min3A_1295, %add3A_1364 : vector<16xf32>
        %mul3A_1366 = vector.broadcast %squeeze3A_1323 : f32 to vector<16xf32>
        %mul3A_1367 = arith.mulf %get3A_194, %mul3A_1366 : vector<16xf32>
        %mul3A_1368 = vector.broadcast %squeeze3A_1325 : f32 to vector<16xf32>
        %mul3A_1369 = arith.mulf %get3A_196, %mul3A_1368 : vector<16xf32>
        %add3A_1370 = arith.addf %mul3A_1367, %mul3A_1369 : vector<16xf32>
        %mul3A_1371 = vector.broadcast %squeeze3A_1327 : f32 to vector<16xf32>
        %mul3A_1372 = arith.mulf %get3A_198, %mul3A_1371 : vector<16xf32>
        %add3A_1373 = arith.addf %add3A_1370, %mul3A_1372 : vector<16xf32>
        %add3A_1374 = vector.broadcast %squeeze3A_1329 : f32 to vector<16xf32>
        %add3A_1375 = arith.addf %get3A_200, %add3A_1374 : vector<16xf32>
        %add3A_1376 = arith.addf %add3A_1375, %add3A_1373 : vector<16xf32>
        %min3A_1377 = arith.minimumf %min3A_1307, %add3A_1376 : vector<16xf32>
        %min3A_1378 = arith.minimumf %add3A_1340, %add3A_1352 : vector<16xf32>
        %min3A_1379 = arith.minimumf %add3A_1364, %add3A_1376 : vector<16xf32>
        %min3A_1380 = arith.minimumf %min3A_1378, %min3A_1379 : vector<16xf32>
        %mul3A_1381 = arith.constant 16 : i32
        %mul3A_1382 = arith.muli %add3A_1321, %mul3A_1381 : i32
        %get3A_1383 = arith.index_cast %mul3A_1382 : i32 to index
        %get3A_1384 = tpu.vector_load %arg16[%get3A_1383] {strides = array<i32>} : memref<32768xf32, #tpu.memory_space<vmem>>, vector<16xf32>,
        %min3A_1385 = arith.minimumf %get3A_1384, %min3A_1380 : vector<16xf32>
        %swap3A_1386 = arith.index_cast %mul3A_1382 : i32 to index
        %swap3A_1387 = tpu.vector_load %arg16[%swap3A_1386] {strides = array<i32>} : memref<32768xf32, #tpu.memory_space<vmem>>, vector<16xf32>,
        tpu.vector_store %arg16[%swap3A_1386], %min3A_1385 {strides = array<i32>} : memref<32768xf32, #tpu.memory_space<vmem>>, vector<16xf32>,
        scf.yield %min3A_1341, %min3A_1353, %min3A_1365, %min3A_1377 : vector<16xf32>, vector<16xf32>, vector<16xf32>, vector<16xf32>
      }
      %scan3A_206 = arith.constant 128 : i32
      %max3A = arith.constant 0.000000e+00 : f32
      %max3A_207 = vector.broadcast %max3A : f32 to vector<16xf32>
      %max3A_208 = arith.maximumf %scan3A_205#0, %max3A_207 : vector<16xf32>
      %mul3A_209 = arith.constant 4 : i32
      %mul3A_210 = arith.muli %scan3A_144, %mul3A_209 : i32
      %add3A_211 = arith.constant 0 : i32
      %add3A_212 = arith.addi %mul3A_210, %add3A_211 : i32
      %mul3A_213 = arith.constant 16 : i32
      %mul3A_214 = arith.muli %add3A_212, %mul3A_213 : i32
      %swap3A = arith.index_cast %mul3A_214 : i32 to index
      %swap3A_215 = tpu.vector_load %arg17[%swap3A] {strides = array<i32>} : memref<512xf32, #tpu.memory_space<vmem>>, vector<16xf32>,
      tpu.vector_store %arg17[%swap3A], %max3A_208 {strides = array<i32>} : memref<512xf32, #tpu.memory_space<vmem>>, vector<16xf32>,
      %max3A_216 = arith.constant 0.000000e+00 : f32
      %max3A_217 = vector.broadcast %max3A_216 : f32 to vector<16xf32>
      %max3A_218 = arith.maximumf %scan3A_205#1, %max3A_217 : vector<16xf32>
      %mul3A_219 = arith.constant 4 : i32
      %mul3A_220 = arith.muli %scan3A_144, %mul3A_219 : i32
      %add3A_221 = arith.constant 1 : i32
      %add3A_222 = arith.addi %mul3A_220, %add3A_221 : i32
      %mul3A_223 = arith.constant 16 : i32
      %mul3A_224 = arith.muli %add3A_222, %mul3A_223 : i32
      %swap3A_225 = arith.index_cast %mul3A_224 : i32 to index
      %swap3A_226 = tpu.vector_load %arg17[%swap3A_225] {strides = array<i32>} : memref<512xf32, #tpu.memory_space<vmem>>, vector<16xf32>,
      tpu.vector_store %arg17[%swap3A_225], %max3A_218 {strides = array<i32>} : memref<512xf32, #tpu.memory_space<vmem>>, vector<16xf32>,
      %max3A_227 = arith.constant 0.000000e+00 : f32
      %max3A_228 = vector.broadcast %max3A_227 : f32 to vector<16xf32>
      %max3A_229 = arith.maximumf %scan3A_205#2, %max3A_228 : vector<16xf32>
      %mul3A_230 = arith.constant 4 : i32
      %mul3A_231 = arith.muli %scan3A_144, %mul3A_230 : i32
      %add3A_232 = arith.constant 2 : i32
      %add3A_233 = arith.addi %mul3A_231, %add3A_232 : i32
      %mul3A_234 = arith.constant 16 : i32
      %mul3A_235 = arith.muli %add3A_233, %mul3A_234 : i32
      %swap3A_236 = arith.index_cast %mul3A_235 : i32 to index
      %swap3A_237 = tpu.vector_load %arg17[%swap3A_236] {strides = array<i32>} : memref<512xf32, #tpu.memory_space<vmem>>, vector<16xf32>,
      tpu.vector_store %arg17[%swap3A_236], %max3A_229 {strides = array<i32>} : memref<512xf32, #tpu.memory_space<vmem>>, vector<16xf32>,
      %max3A_238 = arith.constant 0.000000e+00 : f32
      %max3A_239 = vector.broadcast %max3A_238 : f32 to vector<16xf32>
      %max3A_240 = arith.maximumf %scan3A_205#3, %max3A_239 : vector<16xf32>
      %mul3A_241 = arith.constant 4 : i32
      %mul3A_242 = arith.muli %scan3A_144, %mul3A_241 : i32
      %add3A_243 = arith.constant 3 : i32
      %add3A_244 = arith.addi %mul3A_242, %add3A_243 : i32
      %mul3A_245 = arith.constant 16 : i32
      %mul3A_246 = arith.muli %add3A_244, %mul3A_245 : i32
      %swap3A_247 = arith.index_cast %mul3A_246 : i32 to index
      %swap3A_248 = tpu.vector_load %arg17[%swap3A_247] {strides = array<i32>} : memref<512xf32, #tpu.memory_space<vmem>>, vector<16xf32>,
      tpu.vector_store %arg17[%swap3A_247], %max3A_240 {strides = array<i32>} : memref<512xf32, #tpu.memory_space<vmem>>, vector<16xf32>,
      %scan3A_249 = arith.constant 0 : i32
      scf.yield %scan3A_249 : i32
    }
    %scan3A_75 = arith.constant 8 : i32
    %iota3A = tpu.iota {dimensions = array<i32: 0>} : vector<16xi32>
    %scan3A_76 = arith.constant 0 : i32
    %scan3A_77 = arith.constant 0 : i32
    %scan3A_78 = arith.constant 128 : i32
    %scan3A_79 = arith.addi %scan3A_77, %scan3A_78 : i32
    %scan3A_80 = arith.constant 1 : i32
    %scan3A_81 = scf.for %scan3A_144 = %scan3A_77 to %scan3A_79 step %scan3A_80 iter_args(%scan3A_145 = %scan3A_76) -> (i32)  : i32 {
      %mul3A_146 = arith.constant 16 : i32
      %mul3A_147 = arith.muli %scan3A_144, %mul3A_146 : i32
      %add3A_148 = arith.constant 0 : i32
      %add3A_149 = arith.addi %mul3A_147, %add3A_148 : i32
      %mul3A_150 = arith.constant 16 : i32
      %mul3A_151 = arith.muli %add3A_149, %mul3A_150 : i32
      %get3A = arith.index_cast %mul3A_151 : i32 to index
      %get3A_152 = tpu.vector_load %arg16[%get3A] {strides = array<i32>} : memref<32768xf32, #tpu.memory_space<vmem>>, vector<16xf32>,
      %eq3A_153 = arith.constant 0 : i32
      %eq3A_154 = vector.broadcast %eq3A_153 : i32 to vector<16xi32>
      %eq3A_155 = arith.cmpi eq, %iota3A, %eq3A_154 : vector<16xi32>
      %reduce_min3A = arith.constant true
      %reduce_min3A_156 = vector.broadcast %reduce_min3A : i1 to vector<16xi1>
      %reduce_min3A_157 = tpu.scan <min>, %get3A_152 masked %reduce_min3A_156 : vector<16xf32>, vector<16xi1> -> vector<16xf32>
      %reduce_min3A_158 = vector.extract %reduce_min3A_157[15] : f32 from vector<16xf32>
      %broadcast_in_dim3A_159 = vector.broadcast %reduce_min3A_158 : f32 to vector<16xf32>
      %select_n3A_160 = arith.select %eq3A_155, %broadcast_in_dim3A_159, %broadcast_in_dim3A_48 : vector<16xi1>, vector<16xf32>
      %add3A_161 = arith.constant 1 : i32
      %add3A_162 = arith.addi %mul3A_147, %add3A_161 : i32
      %mul3A_163 = arith.constant 16 : i32
      %mul3A_164 = arith.muli %add3A_162, %mul3A_163 : i32
      %get3A_165 = arith.index_cast %mul3A_164 : i32 to index
      %get3A_166 = tpu.vector_load %arg16[%get3A_165] {strides = array<i32>} : memref<32768xf32, #tpu.memory_space<vmem>>, vector<16xf32>,
      %eq3A_167 = arith.constant 1 : i32
      %eq3A_168 = vector.broadcast %eq3A_167 : i32 to vector<16xi32>
      %eq3A_169 = arith.cmpi eq, %iota3A, %eq3A_168 : vector<16xi32>
      %reduce_min3A_170 = arith.constant true
      %reduce_min3A_171 = vector.broadcast %reduce_min3A_170 : i1 to vector<16xi1>
      %reduce_min3A_172 = tpu.scan <min>, %get3A_166 masked %reduce_min3A_171 : vector<16xf32>, vector<16xi1> -> vector<16xf32>
      %reduce_min3A_173 = vector.extract %reduce_min3A_172[15] : f32 from vector<16xf32>
      %broadcast_in_dim3A_174 = vector.broadcast %reduce_min3A_173 : f32 to vector<16xf32>
      %select_n3A_175 = arith.select %eq3A_169, %broadcast_in_dim3A_174, %select_n3A_160 : vector<16xi1>, vector<16xf32>
      %add3A_176 = arith.constant 2 : i32
      %add3A_177 = arith.addi %mul3A_147, %add3A_176 : i32
      %mul3A_178 = arith.constant 16 : i32
      %mul3A_179 = arith.muli %add3A_177, %mul3A_178 : i32
      %get3A_180 = arith.index_cast %mul3A_179 : i32 to index
      %get3A_181 = tpu.vector_load %arg16[%get3A_180] {strides = array<i32>} : memref<32768xf32, #tpu.memory_space<vmem>>, vector<16xf32>,
      %eq3A_182 = arith.constant 2 : i32
      %eq3A_183 = vector.broadcast %eq3A_182 : i32 to vector<16xi32>
      %eq3A_184 = arith.cmpi eq, %iota3A, %eq3A_183 : vector<16xi32>
      %reduce_min3A_185 = arith.constant true
      %reduce_min3A_186 = vector.broadcast %reduce_min3A_185 : i1 to vector<16xi1>
      %reduce_min3A_187 = tpu.scan <min>, %get3A_181 masked %reduce_min3A_186 : vector<16xf32>, vector<16xi1> -> vector<16xf32>
      %reduce_min3A_188 = vector.extract %reduce_min3A_187[15] : f32 from vector<16xf32>
      %broadcast_in_dim3A_189 = vector.broadcast %reduce_min3A_188 : f32 to vector<16xf32>
      %select_n3A_190 = arith.select %eq3A_184, %broadcast_in_dim3A_189, %select_n3A_175 : vector<16xi1>, vector<16xf32>
      %add3A_191 = arith.constant 3 : i32
      %add3A_192 = arith.addi %mul3A_147, %add3A_191 : i32
      %mul3A_193 = arith.constant 16 : i32
      %mul3A_194 = arith.muli %add3A_192, %mul3A_193 : i32
      %get3A_195 = arith.index_cast %mul3A_194 : i32 to index
      %get3A_196 = tpu.vector_load %arg16[%get3A_195] {strides = array<i32>} : memref<32768xf32, #tpu.memory_space<vmem>>, vector<16xf32>,
      %eq3A_197 = arith.constant 3 : i32
      %eq3A_198 = vector.broadcast %eq3A_197 : i32 to vector<16xi32>
      %eq3A_199 = arith.cmpi eq, %iota3A, %eq3A_198 : vector<16xi32>
      %reduce_min3A_200 = arith.constant true
      %reduce_min3A_201 = vector.broadcast %reduce_min3A_200 : i1 to vector<16xi1>
      %reduce_min3A_202 = tpu.scan <min>, %get3A_196 masked %reduce_min3A_201 : vector<16xf32>, vector<16xi1> -> vector<16xf32>
      %reduce_min3A_203 = vector.extract %reduce_min3A_202[15] : f32 from vector<16xf32>
      %broadcast_in_dim3A_204 = vector.broadcast %reduce_min3A_203 : f32 to vector<16xf32>
      %select_n3A_205 = arith.select %eq3A_199, %broadcast_in_dim3A_204, %select_n3A_190 : vector<16xi1>, vector<16xf32>
      %add3A_206 = arith.constant 4 : i32
      %add3A_207 = arith.addi %mul3A_147, %add3A_206 : i32
      %mul3A_208 = arith.constant 16 : i32
      %mul3A_209 = arith.muli %add3A_207, %mul3A_208 : i32
      %get3A_210 = arith.index_cast %mul3A_209 : i32 to index
      %get3A_211 = tpu.vector_load %arg16[%get3A_210] {strides = array<i32>} : memref<32768xf32, #tpu.memory_space<vmem>>, vector<16xf32>,
      %eq3A_212 = arith.constant 4 : i32
      %eq3A_213 = vector.broadcast %eq3A_212 : i32 to vector<16xi32>
      %eq3A_214 = arith.cmpi eq, %iota3A, %eq3A_213 : vector<16xi32>
      %reduce_min3A_215 = arith.constant true
      %reduce_min3A_216 = vector.broadcast %reduce_min3A_215 : i1 to vector<16xi1>
      %reduce_min3A_217 = tpu.scan <min>, %get3A_211 masked %reduce_min3A_216 : vector<16xf32>, vector<16xi1> -> vector<16xf32>
      %reduce_min3A_218 = vector.extract %reduce_min3A_217[15] : f32 from vector<16xf32>
      %broadcast_in_dim3A_219 = vector.broadcast %reduce_min3A_218 : f32 to vector<16xf32>
      %select_n3A_220 = arith.select %eq3A_214, %broadcast_in_dim3A_219, %select_n3A_205 : vector<16xi1>, vector<16xf32>
      %add3A_221 = arith.constant 5 : i32
      %add3A_222 = arith.addi %mul3A_147, %add3A_221 : i32
      %mul3A_223 = arith.constant 16 : i32
      %mul3A_224 = arith.muli %add3A_222, %mul3A_223 : i32
      %get3A_225 = arith.index_cast %mul3A_224 : i32 to index
      %get3A_226 = tpu.vector_load %arg16[%get3A_225] {strides = array<i32>} : memref<32768xf32, #tpu.memory_space<vmem>>, vector<16xf32>,
      %eq3A_227 = arith.constant 5 : i32
      %eq3A_228 = vector.broadcast %eq3A_227 : i32 to vector<16xi32>
      %eq3A_229 = arith.cmpi eq, %iota3A, %eq3A_228 : vector<16xi32>
      %reduce_min3A_230 = arith.constant true
      %reduce_min3A_231 = vector.broadcast %reduce_min3A_230 : i1 to vector<16xi1>
      %reduce_min3A_232 = tpu.scan <min>, %get3A_226 masked %reduce_min3A_231 : vector<16xf32>, vector<16xi1> -> vector<16xf32>
      %reduce_min3A_233 = vector.extract %reduce_min3A_232[15] : f32 from vector<16xf32>
      %broadcast_in_dim3A_234 = vector.broadcast %reduce_min3A_233 : f32 to vector<16xf32>
      %select_n3A_235 = arith.select %eq3A_229, %broadcast_in_dim3A_234, %select_n3A_220 : vector<16xi1>, vector<16xf32>
      %add3A_236 = arith.constant 6 : i32
      %add3A_237 = arith.addi %mul3A_147, %add3A_236 : i32
      %mul3A_238 = arith.constant 16 : i32
      %mul3A_239 = arith.muli %add3A_237, %mul3A_238 : i32
      %get3A_240 = arith.index_cast %mul3A_239 : i32 to index
      %get3A_241 = tpu.vector_load %arg16[%get3A_240] {strides = array<i32>} : memref<32768xf32, #tpu.memory_space<vmem>>, vector<16xf32>,
      %eq3A_242 = arith.constant 6 : i32
      %eq3A_243 = vector.broadcast %eq3A_242 : i32 to vector<16xi32>
      %eq3A_244 = arith.cmpi eq, %iota3A, %eq3A_243 : vector<16xi32>
      %reduce_min3A_245 = arith.constant true
      %reduce_min3A_246 = vector.broadcast %reduce_min3A_245 : i1 to vector<16xi1>
      %reduce_min3A_247 = tpu.scan <min>, %get3A_241 masked %reduce_min3A_246 : vector<16xf32>, vector<16xi1> -> vector<16xf32>
      %reduce_min3A_248 = vector.extract %reduce_min3A_247[15] : f32 from vector<16xf32>
      %broadcast_in_dim3A_249 = vector.broadcast %reduce_min3A_248 : f32 to vector<16xf32>
      %select_n3A_250 = arith.select %eq3A_244, %broadcast_in_dim3A_249, %select_n3A_235 : vector<16xi1>, vector<16xf32>
      %add3A_251 = arith.constant 7 : i32
      %add3A_252 = arith.addi %mul3A_147, %add3A_251 : i32
      %mul3A_253 = arith.constant 16 : i32
      %mul3A_254 = arith.muli %add3A_252, %mul3A_253 : i32
      %get3A_255 = arith.index_cast %mul3A_254 : i32 to index
      %get3A_256 = tpu.vector_load %arg16[%get3A_255] {strides = array<i32>} : memref<32768xf32, #tpu.memory_space<vmem>>, vector<16xf32>,
      %eq3A_257 = arith.constant 7 : i32
      %eq3A_258 = vector.broadcast %eq3A_257 : i32 to vector<16xi32>
      %eq3A_259 = arith.cmpi eq, %iota3A, %eq3A_258 : vector<16xi32>
      %reduce_min3A_260 = arith.constant true
      %reduce_min3A_261 = vector.broadcast %reduce_min3A_260 : i1 to vector<16xi1>
      %reduce_min3A_262 = tpu.scan <min>, %get3A_256 masked %reduce_min3A_261 : vector<16xf32>, vector<16xi1> -> vector<16xf32>
      %reduce_min3A_263 = vector.extract %reduce_min3A_262[15] : f32 from vector<16xf32>
      %broadcast_in_dim3A_264 = vector.broadcast %reduce_min3A_263 : f32 to vector<16xf32>
      %select_n3A_265 = arith.select %eq3A_259, %broadcast_in_dim3A_264, %select_n3A_250 : vector<16xi1>, vector<16xf32>
      %add3A_266 = arith.constant 8 : i32
      %add3A_267 = arith.addi %mul3A_147, %add3A_266 : i32
      %mul3A_268 = arith.constant 16 : i32
      %mul3A_269 = arith.muli %add3A_267, %mul3A_268 : i32
      %get3A_270 = arith.index_cast %mul3A_269 : i32 to index
      %get3A_271 = tpu.vector_load %arg16[%get3A_270] {strides = array<i32>} : memref<32768xf32, #tpu.memory_space<vmem>>, vector<16xf32>,
      %eq3A_272 = arith.constant 8 : i32
      %eq3A_273 = vector.broadcast %eq3A_272 : i32 to vector<16xi32>
      %eq3A_274 = arith.cmpi eq, %iota3A, %eq3A_273 : vector<16xi32>
      %reduce_min3A_275 = arith.constant true
      %reduce_min3A_276 = vector.broadcast %reduce_min3A_275 : i1 to vector<16xi1>
      %reduce_min3A_277 = tpu.scan <min>, %get3A_271 masked %reduce_min3A_276 : vector<16xf32>, vector<16xi1> -> vector<16xf32>
      %reduce_min3A_278 = vector.extract %reduce_min3A_277[15] : f32 from vector<16xf32>
      %broadcast_in_dim3A_279 = vector.broadcast %reduce_min3A_278 : f32 to vector<16xf32>
      %select_n3A_280 = arith.select %eq3A_274, %broadcast_in_dim3A_279, %select_n3A_265 : vector<16xi1>, vector<16xf32>
      %add3A_281 = arith.constant 9 : i32
      %add3A_282 = arith.addi %mul3A_147, %add3A_281 : i32
      %mul3A_283 = arith.constant 16 : i32
      %mul3A_284 = arith.muli %add3A_282, %mul3A_283 : i32
      %get3A_285 = arith.index_cast %mul3A_284 : i32 to index
      %get3A_286 = tpu.vector_load %arg16[%get3A_285] {strides = array<i32>} : memref<32768xf32, #tpu.memory_space<vmem>>, vector<16xf32>,
      %eq3A_287 = arith.constant 9 : i32
      %eq3A_288 = vector.broadcast %eq3A_287 : i32 to vector<16xi32>
      %eq3A_289 = arith.cmpi eq, %iota3A, %eq3A_288 : vector<16xi32>
      %reduce_min3A_290 = arith.constant true
      %reduce_min3A_291 = vector.broadcast %reduce_min3A_290 : i1 to vector<16xi1>
      %reduce_min3A_292 = tpu.scan <min>, %get3A_286 masked %reduce_min3A_291 : vector<16xf32>, vector<16xi1> -> vector<16xf32>
      %reduce_min3A_293 = vector.extract %reduce_min3A_292[15] : f32 from vector<16xf32>
      %broadcast_in_dim3A_294 = vector.broadcast %reduce_min3A_293 : f32 to vector<16xf32>
      %select_n3A_295 = arith.select %eq3A_289, %broadcast_in_dim3A_294, %select_n3A_280 : vector<16xi1>, vector<16xf32>
      %add3A_296 = arith.constant 10 : i32
      %add3A_297 = arith.addi %mul3A_147, %add3A_296 : i32
      %mul3A_298 = arith.constant 16 : i32
      %mul3A_299 = arith.muli %add3A_297, %mul3A_298 : i32
      %get3A_300 = arith.index_cast %mul3A_299 : i32 to index
      %get3A_301 = tpu.vector_load %arg16[%get3A_300] {strides = array<i32>} : memref<32768xf32, #tpu.memory_space<vmem>>, vector<16xf32>,
      %eq3A_302 = arith.constant 10 : i32
      %eq3A_303 = vector.broadcast %eq3A_302 : i32 to vector<16xi32>
      %eq3A_304 = arith.cmpi eq, %iota3A, %eq3A_303 : vector<16xi32>
      %reduce_min3A_305 = arith.constant true
      %reduce_min3A_306 = vector.broadcast %reduce_min3A_305 : i1 to vector<16xi1>
      %reduce_min3A_307 = tpu.scan <min>, %get3A_301 masked %reduce_min3A_306 : vector<16xf32>, vector<16xi1> -> vector<16xf32>
      %reduce_min3A_308 = vector.extract %reduce_min3A_307[15] : f32 from vector<16xf32>
      %broadcast_in_dim3A_309 = vector.broadcast %reduce_min3A_308 : f32 to vector<16xf32>
      %select_n3A_310 = arith.select %eq3A_304, %broadcast_in_dim3A_309, %select_n3A_295 : vector<16xi1>, vector<16xf32>
      %add3A_311 = arith.constant 11 : i32
      %add3A_312 = arith.addi %mul3A_147, %add3A_311 : i32
      %mul3A_313 = arith.constant 16 : i32
      %mul3A_314 = arith.muli %add3A_312, %mul3A_313 : i32
      %get3A_315 = arith.index_cast %mul3A_314 : i32 to index
      %get3A_316 = tpu.vector_load %arg16[%get3A_315] {strides = array<i32>} : memref<32768xf32, #tpu.memory_space<vmem>>, vector<16xf32>,
      %eq3A_317 = arith.constant 11 : i32
      %eq3A_318 = vector.broadcast %eq3A_317 : i32 to vector<16xi32>
      %eq3A_319 = arith.cmpi eq, %iota3A, %eq3A_318 : vector<16xi32>
      %reduce_min3A_320 = arith.constant true
      %reduce_min3A_321 = vector.broadcast %reduce_min3A_320 : i1 to vector<16xi1>
      %reduce_min3A_322 = tpu.scan <min>, %get3A_316 masked %reduce_min3A_321 : vector<16xf32>, vector<16xi1> -> vector<16xf32>
      %reduce_min3A_323 = vector.extract %reduce_min3A_322[15] : f32 from vector<16xf32>
      %broadcast_in_dim3A_324 = vector.broadcast %reduce_min3A_323 : f32 to vector<16xf32>
      %select_n3A_325 = arith.select %eq3A_319, %broadcast_in_dim3A_324, %select_n3A_310 : vector<16xi1>, vector<16xf32>
      %add3A_326 = arith.constant 12 : i32
      %add3A_327 = arith.addi %mul3A_147, %add3A_326 : i32
      %mul3A_328 = arith.constant 16 : i32
      %mul3A_329 = arith.muli %add3A_327, %mul3A_328 : i32
      %get3A_330 = arith.index_cast %mul3A_329 : i32 to index
      %get3A_331 = tpu.vector_load %arg16[%get3A_330] {strides = array<i32>} : memref<32768xf32, #tpu.memory_space<vmem>>, vector<16xf32>,
      %eq3A_332 = arith.constant 12 : i32
      %eq3A_333 = vector.broadcast %eq3A_332 : i32 to vector<16xi32>
      %eq3A_334 = arith.cmpi eq, %iota3A, %eq3A_333 : vector<16xi32>
      %reduce_min3A_335 = arith.constant true
      %reduce_min3A_336 = vector.broadcast %reduce_min3A_335 : i1 to vector<16xi1>
      %reduce_min3A_337 = tpu.scan <min>, %get3A_331 masked %reduce_min3A_336 : vector<16xf32>, vector<16xi1> -> vector<16xf32>
      %reduce_min3A_338 = vector.extract %reduce_min3A_337[15] : f32 from vector<16xf32>
      %broadcast_in_dim3A_339 = vector.broadcast %reduce_min3A_338 : f32 to vector<16xf32>
      %select_n3A_340 = arith.select %eq3A_334, %broadcast_in_dim3A_339, %select_n3A_325 : vector<16xi1>, vector<16xf32>
      %add3A_341 = arith.constant 13 : i32
      %add3A_342 = arith.addi %mul3A_147, %add3A_341 : i32
      %mul3A_343 = arith.constant 16 : i32
      %mul3A_344 = arith.muli %add3A_342, %mul3A_343 : i32
      %get3A_345 = arith.index_cast %mul3A_344 : i32 to index
      %get3A_346 = tpu.vector_load %arg16[%get3A_345] {strides = array<i32>} : memref<32768xf32, #tpu.memory_space<vmem>>, vector<16xf32>,
      %eq3A_347 = arith.constant 13 : i32
      %eq3A_348 = vector.broadcast %eq3A_347 : i32 to vector<16xi32>
      %eq3A_349 = arith.cmpi eq, %iota3A, %eq3A_348 : vector<16xi32>
      %reduce_min3A_350 = arith.constant true
      %reduce_min3A_351 = vector.broadcast %reduce_min3A_350 : i1 to vector<16xi1>
      %reduce_min3A_352 = tpu.scan <min>, %get3A_346 masked %reduce_min3A_351 : vector<16xf32>, vector<16xi1> -> vector<16xf32>
      %reduce_min3A_353 = vector.extract %reduce_min3A_352[15] : f32 from vector<16xf32>
      %broadcast_in_dim3A_354 = vector.broadcast %reduce_min3A_353 : f32 to vector<16xf32>
      %select_n3A_355 = arith.select %eq3A_349, %broadcast_in_dim3A_354, %select_n3A_340 : vector<16xi1>, vector<16xf32>
      %add3A_356 = arith.constant 14 : i32
      %add3A_357 = arith.addi %mul3A_147, %add3A_356 : i32
      %mul3A_358 = arith.constant 16 : i32
      %mul3A_359 = arith.muli %add3A_357, %mul3A_358 : i32
      %get3A_360 = arith.index_cast %mul3A_359 : i32 to index
      %get3A_361 = tpu.vector_load %arg16[%get3A_360] {strides = array<i32>} : memref<32768xf32, #tpu.memory_space<vmem>>, vector<16xf32>,
      %eq3A_362 = arith.constant 14 : i32
      %eq3A_363 = vector.broadcast %eq3A_362 : i32 to vector<16xi32>
      %eq3A_364 = arith.cmpi eq, %iota3A, %eq3A_363 : vector<16xi32>
      %reduce_min3A_365 = arith.constant true
      %reduce_min3A_366 = vector.broadcast %reduce_min3A_365 : i1 to vector<16xi1>
      %reduce_min3A_367 = tpu.scan <min>, %get3A_361 masked %reduce_min3A_366 : vector<16xf32>, vector<16xi1> -> vector<16xf32>
      %reduce_min3A_368 = vector.extract %reduce_min3A_367[15] : f32 from vector<16xf32>
      %broadcast_in_dim3A_369 = vector.broadcast %reduce_min3A_368 : f32 to vector<16xf32>
      %select_n3A_370 = arith.select %eq3A_364, %broadcast_in_dim3A_369, %select_n3A_355 : vector<16xi1>, vector<16xf32>
      %add3A_371 = arith.constant 15 : i32
      %add3A_372 = arith.addi %mul3A_147, %add3A_371 : i32
      %mul3A_373 = arith.constant 16 : i32
      %mul3A_374 = arith.muli %add3A_372, %mul3A_373 : i32
      %get3A_375 = arith.index_cast %mul3A_374 : i32 to index
      %get3A_376 = tpu.vector_load %arg16[%get3A_375] {strides = array<i32>} : memref<32768xf32, #tpu.memory_space<vmem>>, vector<16xf32>,
      %eq3A_377 = arith.constant 15 : i32
      %eq3A_378 = vector.broadcast %eq3A_377 : i32 to vector<16xi32>
      %eq3A_379 = arith.cmpi eq, %iota3A, %eq3A_378 : vector<16xi32>
      %reduce_min3A_380 = arith.constant true
      %reduce_min3A_381 = vector.broadcast %reduce_min3A_380 : i1 to vector<16xi1>
      %reduce_min3A_382 = tpu.scan <min>, %get3A_376 masked %reduce_min3A_381 : vector<16xf32>, vector<16xi1> -> vector<16xf32>
      %reduce_min3A_383 = vector.extract %reduce_min3A_382[15] : f32 from vector<16xf32>
      %broadcast_in_dim3A_384 = vector.broadcast %reduce_min3A_383 : f32 to vector<16xf32>
      %select_n3A_385 = arith.select %eq3A_379, %broadcast_in_dim3A_384, %select_n3A_370 : vector<16xi1>, vector<16xf32>
      %max3A = arith.constant 0.000000e+00 : f32
      %max3A_386 = vector.broadcast %max3A : f32 to vector<16xf32>
      %max3A_387 = arith.maximumf %select_n3A_385, %max3A_386 : vector<16xf32>
      %swap3A = arith.index_cast %mul3A_147 : i32 to index
      %swap3A_388 = tpu.vector_load %arg18[%swap3A] {strides = array<i32>} : memref<2048xf32, #tpu.memory_space<vmem>>, vector<16xf32>,
      tpu.vector_store %arg18[%swap3A], %max3A_387 {strides = array<i32>} : memref<2048xf32, #tpu.memory_space<vmem>>, vector<16xf32>,
      %scan3A_389 = arith.constant 0 : i32
      scf.yield %scan3A_389 : i32
    }
    %scan3A_82 = arith.constant 128 : i32
    %mul3A_83 = arith.constant 2048 : i32
    %mul3A_84 = arith.muli %add3A, %mul3A_83 : i32
    %add3A_85 = arith.addi %mul3A_84, %mul3A_32 : i32
    "tpu.region"() ({
      %run_scoped3A = tpu.sem_alloc : memref<!tpu.dma_semaphore, #tpu.memory_space<semaphore_mem>>
      %dma_start3A = tpu.memref_slice %arg8[%add3A_85] : memref<16384xf32, #tpu.memory_space<hbm>> -> memref<512xf32, #tpu.memory_space<hbm>>
      %dma_start3A_144 = tpu.memref_slice %arg8[%add3A_85] : memref<16384xf32, #tpu.memory_space<hbm>> -> memref<512xf32, #tpu.memory_space<hbm>>
      tpu.enqueue_dma source(%arg17 : memref<512xf32, #tpu.memory_space<vmem>>) target(%dma_start3A_144 : memref<512xf32, #tpu.memory_space<hbm>>) target_semaphore(%run_scoped3A : memref<!tpu.dma_semaphore, #tpu.memory_space<semaphore_mem>>)
      %dma_wait3A = tpu.memref_slice %arg8[%add3A_85] : memref<16384xf32, #tpu.memory_space<hbm>> -> memref<512xf32, #tpu.memory_space<hbm>>
      %dma_wait3A_145 = tpu.memref_slice %arg8[%add3A_85] : memref<16384xf32, #tpu.memory_space<hbm>> -> memref<512xf32, #tpu.memory_space<hbm>>
      tpu.wait_dma2 semaphore(%run_scoped3A : memref<!tpu.dma_semaphore, #tpu.memory_space<semaphore_mem>>) src(%arg17 : memref<512xf32, #tpu.memory_space<vmem>>) dst(%dma_wait3A_145 : memref<512xf32, #tpu.memory_space<hbm>>)
      tpu.yield
    }) : () -> ()
    "tpu.region"() ({
      %run_scoped3A = tpu.sem_alloc : memref<!tpu.dma_semaphore, #tpu.memory_space<semaphore_mem>>
      %dma_start3A = arith.constant 0 : i32
      %dma_start3A_144 = tpu.memref_slice %arg23[%arg1, %dma_start3A] : memref<16x2048xf32, #tpu.memory_space<vmem_shared>> -> memref<1x2048xf32, #tpu.memory_space<vmem_shared>>
      %dma_start3A_145 = tpu.memref_squeeze %dma_start3A_144 : memref<1x2048xf32, #tpu.memory_space<vmem_shared>> -> memref<2048xf32, #tpu.memory_space<vmem_shared>>
      %dma_start3A_146 = arith.constant 0 : i32
      %dma_start3A_147 = tpu.memref_slice %arg23[%arg1, %dma_start3A_146] : memref<16x2048xf32, #tpu.memory_space<vmem_shared>> -> memref<1x2048xf32, #tpu.memory_space<vmem_shared>>
      %dma_start3A_148 = tpu.memref_squeeze %dma_start3A_147 : memref<1x2048xf32, #tpu.memory_space<vmem_shared>> -> memref<2048xf32, #tpu.memory_space<vmem_shared>>
      tpu.enqueue_dma source(%arg18 : memref<2048xf32, #tpu.memory_space<vmem>>) target(%dma_start3A_148 : memref<2048xf32, #tpu.memory_space<vmem_shared>>) target_semaphore(%run_scoped3A : memref<!tpu.dma_semaphore, #tpu.memory_space<semaphore_mem>>)
      %dma_wait3A = arith.constant 0 : i32
      %dma_wait3A_149 = tpu.memref_slice %arg23[%arg1, %dma_wait3A] : memref<16x2048xf32, #tpu.memory_space<vmem_shared>> -> memref<1x2048xf32, #tpu.memory_space<vmem_shared>>
      %dma_wait3A_150 = tpu.memref_squeeze %dma_wait3A_149 : memref<1x2048xf32, #tpu.memory_space<vmem_shared>> -> memref<2048xf32, #tpu.memory_space<vmem_shared>>
      %dma_wait3A_151 = arith.constant 0 : i32
      %dma_wait3A_152 = tpu.memref_slice %arg23[%arg1, %dma_wait3A_151] : memref<16x2048xf32, #tpu.memory_space<vmem_shared>> -> memref<1x2048xf32, #tpu.memory_space<vmem_shared>>
      %dma_wait3A_153 = tpu.memref_squeeze %dma_wait3A_152 : memref<1x2048xf32, #tpu.memory_space<vmem_shared>> -> memref<2048xf32, #tpu.memory_space<vmem_shared>>
      tpu.wait_dma2 semaphore(%run_scoped3A : memref<!tpu.dma_semaphore, #tpu.memory_space<semaphore_mem>>) src(%arg18 : memref<2048xf32, #tpu.memory_space<vmem>>) dst(%dma_wait3A_153 : memref<2048xf32, #tpu.memory_space<vmem_shared>>)
      tpu.yield
    }) : () -> ()
    %barrier3A = arith.constant 0 : index
    tpu.barrier barrier_id(%barrier3A)
    %mul3A_86 = arith.constant 512 : i32
    %mul3A_87 = arith.muli %select_n3A_30, %mul3A_86 : i32
    %jit3A_88 = arith.constant 4 : i32
    %div3A_89 = arith.divsi %arg1, %jit3A_88 : i32
    %sign3A_90 = arith.constant 0 : i32
    %sign3A_91 = arith.cmpi sgt, %arg1, %sign3A_90 : i32
    %sign3A_92 = arith.extui %sign3A_91 : i1 to i32
    %sign3A_93 = arith.constant 0 : i32
    %sign3A_94 = arith.cmpi slt, %arg1, %sign3A_93 : i32
    %sign3A_95 = arith.extui %sign3A_94 : i1 to i32
    %sign3A_96 = arith.subi %sign3A_92, %sign3A_95 : i32
    %sign3A_97 = arith.constant 0 : i32
    %sign3A_98 = arith.cmpi sgt, %jit3A_88, %sign3A_97 : i32
    %sign3A_99 = arith.extui %sign3A_98 : i1 to i32
    %sign3A_100 = arith.constant 0 : i32
    %sign3A_101 = arith.cmpi slt, %jit3A_88, %sign3A_100 : i32
    %sign3A_102 = arith.extui %sign3A_101 : i1 to i32
    %sign3A_103 = arith.subi %sign3A_99, %sign3A_102 : i32
    %ne3A_104 = arith.cmpi ne, %sign3A_96, %sign3A_103 : i32
    %rem3A_105 = arith.remsi %arg1, %jit3A_88 : i32
    %ne3A_106 = arith.constant 0 : i32
    %ne3A_107 = arith.cmpi ne, %rem3A_105, %ne3A_106 : i32
    %and3A_108 = arith.andi %ne3A_104, %ne3A_107 : i1
    %sub3A_109 = arith.constant 1 : i32
    %sub3A_110 = arith.subi %div3A_89, %sub3A_109 : i32
    %select_n3A_111 = arith.select %and3A_108, %sub3A_110, %div3A_89 : i32
    %mul3A_112 = arith.constant 4 : i32
    %mul3A_113 = arith.muli %select_n3A_111, %mul3A_112 : i32
    "tpu.region"() ({
      %run_scoped3A = tpu.sem_alloc : memref<!tpu.dma_semaphore, #tpu.memory_space<semaphore_mem>>
      %dma_start3A = tpu.memref_slice %arg23[%mul3A_113, %mul3A_87] : memref<16x2048xf32, #tpu.memory_space<vmem_shared>> -> memref<1x512xf32, #tpu.memory_space<vmem_shared>>
      %dma_start3A_144 = tpu.memref_squeeze %dma_start3A : memref<1x512xf32, #tpu.memory_space<vmem_shared>> -> memref<512xf32, #tpu.memory_space<vmem_shared>>
      %dma_start3A_145 = tpu.memref_slice %arg23[%mul3A_113, %mul3A_87] : memref<16x2048xf32, #tpu.memory_space<vmem_shared>> -> memref<1x512xf32, #tpu.memory_space<vmem_shared>>
      %dma_start3A_146 = tpu.memref_squeeze %dma_start3A_145 : memref<1x512xf32, #tpu.memory_space<vmem_shared>> -> memref<512xf32, #tpu.memory_space<vmem_shared>>
      tpu.enqueue_dma source(%dma_start3A_146 : memref<512xf32, #tpu.memory_space<vmem_shared>>) target(%arg20 : memref<512xf32, #tpu.memory_space<vmem>>) target_semaphore(%run_scoped3A : memref<!tpu.dma_semaphore, #tpu.memory_space<semaphore_mem>>)
      %dma_wait3A = tpu.memref_slice %arg23[%mul3A_113, %mul3A_87] : memref<16x2048xf32, #tpu.memory_space<vmem_shared>> -> memref<1x512xf32, #tpu.memory_space<vmem_shared>>
      %dma_wait3A_147 = tpu.memref_squeeze %dma_wait3A : memref<1x512xf32, #tpu.memory_space<vmem_shared>> -> memref<512xf32, #tpu.memory_space<vmem_shared>>
      %dma_wait3A_148 = tpu.memref_slice %arg23[%mul3A_113, %mul3A_87] : memref<16x2048xf32, #tpu.memory_space<vmem_shared>> -> memref<1x512xf32, #tpu.memory_space<vmem_shared>>
      %dma_wait3A_149 = tpu.memref_squeeze %dma_wait3A_148 : memref<1x512xf32, #tpu.memory_space<vmem_shared>> -> memref<512xf32, #tpu.memory_space<vmem_shared>>
      tpu.wait_dma2 semaphore(%run_scoped3A : memref<!tpu.dma_semaphore, #tpu.memory_space<semaphore_mem>>) src(%dma_wait3A_149 : memref<512xf32, #tpu.memory_space<vmem_shared>>) dst(%arg20 : memref<512xf32, #tpu.memory_space<vmem>>)
      tpu.yield
    }) : () -> ()
    %add3A_114 = arith.constant 1 : i32
    %add3A_115 = arith.addi %mul3A_113, %add3A_114 : i32
    "tpu.region"() ({
      %run_scoped3A = tpu.sem_alloc : memref<!tpu.dma_semaphore, #tpu.memory_space<semaphore_mem>>
      %dma_start3A = tpu.memref_slice %arg23[%add3A_115, %mul3A_87] : memref<16x2048xf32, #tpu.memory_space<vmem_shared>> -> memref<1x512xf32, #tpu.memory_space<vmem_shared>>
      %dma_start3A_144 = tpu.memref_squeeze %dma_start3A : memref<1x512xf32, #tpu.memory_space<vmem_shared>> -> memref<512xf32, #tpu.memory_space<vmem_shared>>
      %dma_start3A_145 = tpu.memref_slice %arg23[%add3A_115, %mul3A_87] : memref<16x2048xf32, #tpu.memory_space<vmem_shared>> -> memref<1x512xf32, #tpu.memory_space<vmem_shared>>
      %dma_start3A_146 = tpu.memref_squeeze %dma_start3A_145 : memref<1x512xf32, #tpu.memory_space<vmem_shared>> -> memref<512xf32, #tpu.memory_space<vmem_shared>>
      tpu.enqueue_dma source(%dma_start3A_146 : memref<512xf32, #tpu.memory_space<vmem_shared>>) target(%arg19 : memref<512xf32, #tpu.memory_space<vmem>>) target_semaphore(%run_scoped3A : memref<!tpu.dma_semaphore, #tpu.memory_space<semaphore_mem>>)
      %dma_wait3A = tpu.memref_slice %arg23[%add3A_115, %mul3A_87] : memref<16x2048xf32, #tpu.memory_space<vmem_shared>> -> memref<1x512xf32, #tpu.memory_space<vmem_shared>>
      %dma_wait3A_147 = tpu.memref_squeeze %dma_wait3A : memref<1x512xf32, #tpu.memory_space<vmem_shared>> -> memref<512xf32, #tpu.memory_space<vmem_shared>>
      %dma_wait3A_148 = tpu.memref_slice %arg23[%add3A_115, %mul3A_87] : memref<16x2048xf32, #tpu.memory_space<vmem_shared>> -> memref<1x512xf32, #tpu.memory_space<vmem_shared>>
      %dma_wait3A_149 = tpu.memref_squeeze %dma_wait3A_148 : memref<1x512xf32, #tpu.memory_space<vmem_shared>> -> memref<512xf32, #tpu.memory_space<vmem_shared>>
      tpu.wait_dma2 semaphore(%run_scoped3A : memref<!tpu.dma_semaphore, #tpu.memory_space<semaphore_mem>>) src(%dma_wait3A_149 : memref<512xf32, #tpu.memory_space<vmem_shared>>) dst(%arg19 : memref<512xf32, #tpu.memory_space<vmem>>)
      tpu.yield
    }) : () -> ()
    %scan3A_116 = arith.constant 0 : i32
    %scan3A_117 = arith.constant 0 : i32
    %scan3A_118 = arith.constant 32 : i32
    %scan3A_119 = arith.addi %scan3A_117, %scan3A_118 : i32
    %scan3A_120 = arith.constant 1 : i32
    %scan3A_121 = scf.for %scan3A_144 = %scan3A_117 to %scan3A_119 step %scan3A_120 iter_args(%scan3A_145 = %scan3A_116) -> (i32)  : i32 {
      %mul3A_146 = arith.constant 16 : i32
      %mul3A_147 = arith.muli %scan3A_144, %mul3A_146 : i32
      %get3A = arith.index_cast %mul3A_147 : i32 to index
      %get3A_148 = tpu.vector_load %arg20[%get3A] {strides = array<i32>} : memref<512xf32, #tpu.memory_space<vmem>>, vector<16xf32>,
      %get3A_149 = arith.index_cast %mul3A_147 : i32 to index
      %get3A_150 = tpu.vector_load %arg19[%get3A_149] {strides = array<i32>} : memref<512xf32, #tpu.memory_space<vmem>>, vector<16xf32>,
      %min3A = arith.minimumf %get3A_148, %get3A_150 : vector<16xf32>
      %swap3A = arith.index_cast %mul3A_147 : i32 to index
      %swap3A_151 = tpu.vector_load %arg20[%swap3A] {strides = array<i32>} : memref<512xf32, #tpu.memory_space<vmem>>, vector<16xf32>,
      tpu.vector_store %arg20[%swap3A], %min3A {strides = array<i32>} : memref<512xf32, #tpu.memory_space<vmem>>, vector<16xf32>,
      %scan3A_152 = arith.constant 0 : i32
      scf.yield %scan3A_152 : i32
    }
    %scan3A_122 = arith.constant 32 : i32
    %add3A_123 = arith.constant 2 : i32
    %add3A_124 = arith.addi %mul3A_113, %add3A_123 : i32
    "tpu.region"() ({
      %run_scoped3A = tpu.sem_alloc : memref<!tpu.dma_semaphore, #tpu.memory_space<semaphore_mem>>
      %dma_start3A = tpu.memref_slice %arg23[%add3A_124, %mul3A_87] : memref<16x2048xf32, #tpu.memory_space<vmem_shared>> -> memref<1x512xf32, #tpu.memory_space<vmem_shared>>
      %dma_start3A_144 = tpu.memref_squeeze %dma_start3A : memref<1x512xf32, #tpu.memory_space<vmem_shared>> -> memref<512xf32, #tpu.memory_space<vmem_shared>>
      %dma_start3A_145 = tpu.memref_slice %arg23[%add3A_124, %mul3A_87] : memref<16x2048xf32, #tpu.memory_space<vmem_shared>> -> memref<1x512xf32, #tpu.memory_space<vmem_shared>>
      %dma_start3A_146 = tpu.memref_squeeze %dma_start3A_145 : memref<1x512xf32, #tpu.memory_space<vmem_shared>> -> memref<512xf32, #tpu.memory_space<vmem_shared>>
      tpu.enqueue_dma source(%dma_start3A_146 : memref<512xf32, #tpu.memory_space<vmem_shared>>) target(%arg19 : memref<512xf32, #tpu.memory_space<vmem>>) target_semaphore(%run_scoped3A : memref<!tpu.dma_semaphore, #tpu.memory_space<semaphore_mem>>)
      %dma_wait3A = tpu.memref_slice %arg23[%add3A_124, %mul3A_87] : memref<16x2048xf32, #tpu.memory_space<vmem_shared>> -> memref<1x512xf32, #tpu.memory_space<vmem_shared>>
      %dma_wait3A_147 = tpu.memref_squeeze %dma_wait3A : memref<1x512xf32, #tpu.memory_space<vmem_shared>> -> memref<512xf32, #tpu.memory_space<vmem_shared>>
      %dma_wait3A_148 = tpu.memref_slice %arg23[%add3A_124, %mul3A_87] : memref<16x2048xf32, #tpu.memory_space<vmem_shared>> -> memref<1x512xf32, #tpu.memory_space<vmem_shared>>
      %dma_wait3A_149 = tpu.memref_squeeze %dma_wait3A_148 : memref<1x512xf32, #tpu.memory_space<vmem_shared>> -> memref<512xf32, #tpu.memory_space<vmem_shared>>
      tpu.wait_dma2 semaphore(%run_scoped3A : memref<!tpu.dma_semaphore, #tpu.memory_space<semaphore_mem>>) src(%dma_wait3A_149 : memref<512xf32, #tpu.memory_space<vmem_shared>>) dst(%arg19 : memref<512xf32, #tpu.memory_space<vmem>>)
      tpu.yield
    }) : () -> ()
    %scan3A_125 = arith.constant 0 : i32
    %scan3A_126 = arith.constant 0 : i32
    %scan3A_127 = arith.constant 32 : i32
    %scan3A_128 = arith.addi %scan3A_126, %scan3A_127 : i32
    %scan3A_129 = arith.constant 1 : i32
    %scan3A_130 = scf.for %scan3A_144 = %scan3A_126 to %scan3A_128 step %scan3A_129 iter_args(%scan3A_145 = %scan3A_125) -> (i32)  : i32 {
      %mul3A_146 = arith.constant 16 : i32
      %mul3A_147 = arith.muli %scan3A_144, %mul3A_146 : i32
      %get3A = arith.index_cast %mul3A_147 : i32 to index
      %get3A_148 = tpu.vector_load %arg20[%get3A] {strides = array<i32>} : memref<512xf32, #tpu.memory_space<vmem>>, vector<16xf32>,
      %get3A_149 = arith.index_cast %mul3A_147 : i32 to index
      %get3A_150 = tpu.vector_load %arg19[%get3A_149] {strides = array<i32>} : memref<512xf32, #tpu.memory_space<vmem>>, vector<16xf32>,
      %min3A = arith.minimumf %get3A_148, %get3A_150 : vector<16xf32>
      %swap3A = arith.index_cast %mul3A_147 : i32 to index
      %swap3A_151 = tpu.vector_load %arg20[%swap3A] {strides = array<i32>} : memref<512xf32, #tpu.memory_space<vmem>>, vector<16xf32>,
      tpu.vector_store %arg20[%swap3A], %min3A {strides = array<i32>} : memref<512xf32, #tpu.memory_space<vmem>>, vector<16xf32>,
      %scan3A_152 = arith.constant 0 : i32
      scf.yield %scan3A_152 : i32
    }
    %scan3A_131 = arith.constant 32 : i32
    %add3A_132 = arith.constant 3 : i32
    %add3A_133 = arith.addi %mul3A_113, %add3A_132 : i32
    "tpu.region"() ({
      %run_scoped3A = tpu.sem_alloc : memref<!tpu.dma_semaphore, #tpu.memory_space<semaphore_mem>>
      %dma_start3A = tpu.memref_slice %arg23[%add3A_133, %mul3A_87] : memref<16x2048xf32, #tpu.memory_space<vmem_shared>> -> memref<1x512xf32, #tpu.memory_space<vmem_shared>>
      %dma_start3A_144 = tpu.memref_squeeze %dma_start3A : memref<1x512xf32, #tpu.memory_space<vmem_shared>> -> memref<512xf32, #tpu.memory_space<vmem_shared>>
      %dma_start3A_145 = tpu.memref_slice %arg23[%add3A_133, %mul3A_87] : memref<16x2048xf32, #tpu.memory_space<vmem_shared>> -> memref<1x512xf32, #tpu.memory_space<vmem_shared>>
      %dma_start3A_146 = tpu.memref_squeeze %dma_start3A_145 : memref<1x512xf32, #tpu.memory_space<vmem_shared>> -> memref<512xf32, #tpu.memory_space<vmem_shared>>
      tpu.enqueue_dma source(%dma_start3A_146 : memref<512xf32, #tpu.memory_space<vmem_shared>>) target(%arg19 : memref<512xf32, #tpu.memory_space<vmem>>) target_semaphore(%run_scoped3A : memref<!tpu.dma_semaphore, #tpu.memory_space<semaphore_mem>>)
      %dma_wait3A = tpu.memref_slice %arg23[%add3A_133, %mul3A_87] : memref<16x2048xf32, #tpu.memory_space<vmem_shared>> -> memref<1x512xf32, #tpu.memory_space<vmem_shared>>
      %dma_wait3A_147 = tpu.memref_squeeze %dma_wait3A : memref<1x512xf32, #tpu.memory_space<vmem_shared>> -> memref<512xf32, #tpu.memory_space<vmem_shared>>
      %dma_wait3A_148 = tpu.memref_slice %arg23[%add3A_133, %mul3A_87] : memref<16x2048xf32, #tpu.memory_space<vmem_shared>> -> memref<1x512xf32, #tpu.memory_space<vmem_shared>>
      %dma_wait3A_149 = tpu.memref_squeeze %dma_wait3A_148 : memref<1x512xf32, #tpu.memory_space<vmem_shared>> -> memref<512xf32, #tpu.memory_space<vmem_shared>>
      tpu.wait_dma2 semaphore(%run_scoped3A : memref<!tpu.dma_semaphore, #tpu.memory_space<semaphore_mem>>) src(%dma_wait3A_149 : memref<512xf32, #tpu.memory_space<vmem_shared>>) dst(%arg19 : memref<512xf32, #tpu.memory_space<vmem>>)
      tpu.yield
    }) : () -> ()
    %scan3A_134 = arith.constant 0 : i32
    %scan3A_135 = arith.constant 0 : i32
    %scan3A_136 = arith.constant 32 : i32
    %scan3A_137 = arith.addi %scan3A_135, %scan3A_136 : i32
    %scan3A_138 = arith.constant 1 : i32
    %scan3A_139 = scf.for %scan3A_144 = %scan3A_135 to %scan3A_137 step %scan3A_138 iter_args(%scan3A_145 = %scan3A_134) -> (i32)  : i32 {
      %mul3A_146 = arith.constant 16 : i32
      %mul3A_147 = arith.muli %scan3A_144, %mul3A_146 : i32
      %get3A = arith.index_cast %mul3A_147 : i32 to index
      %get3A_148 = tpu.vector_load %arg20[%get3A] {strides = array<i32>} : memref<512xf32, #tpu.memory_space<vmem>>, vector<16xf32>,
      %get3A_149 = arith.index_cast %mul3A_147 : i32 to index
      %get3A_150 = tpu.vector_load %arg19[%get3A_149] {strides = array<i32>} : memref<512xf32, #tpu.memory_space<vmem>>, vector<16xf32>,
      %min3A = arith.minimumf %get3A_148, %get3A_150 : vector<16xf32>
      %swap3A = arith.index_cast %mul3A_147 : i32 to index
      %swap3A_151 = tpu.vector_load %arg20[%swap3A] {strides = array<i32>} : memref<512xf32, #tpu.memory_space<vmem>>, vector<16xf32>,
      tpu.vector_store %arg20[%swap3A], %min3A {strides = array<i32>} : memref<512xf32, #tpu.memory_space<vmem>>, vector<16xf32>,
      %scan3A_152 = arith.constant 0 : i32
      scf.yield %scan3A_152 : i32
    }
    %scan3A_140 = arith.constant 32 : i32
    %mul3A_141 = arith.constant 2048 : i32
    %mul3A_142 = arith.muli %add3A, %mul3A_141 : i32
    %add3A_143 = arith.addi %mul3A_142, %mul3A_87 : i32
    "tpu.region"() ({
      %run_scoped3A = tpu.sem_alloc : memref<!tpu.dma_semaphore, #tpu.memory_space<semaphore_mem>>
      %dma_start3A = tpu.memref_slice %arg9[%add3A_143] : memref<16384xf32, #tpu.memory_space<hbm>> -> memref<512xf32, #tpu.memory_space<hbm>>
      %dma_start3A_144 = tpu.memref_slice %arg9[%add3A_143] : memref<16384xf32, #tpu.memory_space<hbm>> -> memref<512xf32, #tpu.memory_space<hbm>>
      tpu.enqueue_dma source(%arg20 : memref<512xf32, #tpu.memory_space<vmem>>) target(%dma_start3A_144 : memref<512xf32, #tpu.memory_space<hbm>>) target_semaphore(%run_scoped3A : memref<!tpu.dma_semaphore, #tpu.memory_space<semaphore_mem>>)
      %dma_wait3A = tpu.memref_slice %arg9[%add3A_143] : memref<16384xf32, #tpu.memory_space<hbm>> -> memref<512xf32, #tpu.memory_space<hbm>>
      %dma_wait3A_145 = tpu.memref_slice %arg9[%add3A_143] : memref<16384xf32, #tpu.memory_space<hbm>> -> memref<512xf32, #tpu.memory_space<hbm>>
      tpu.wait_dma2 semaphore(%run_scoped3A : memref<!tpu.dma_semaphore, #tpu.memory_space<semaphore_mem>>) src(%arg20 : memref<512xf32, #tpu.memory_space<vmem>>) dst(%dma_wait3A_145 : memref<512xf32, #tpu.memory_space<hbm>>)
      tpu.yield
    }) : () -> ()
    return
  }
}

module attributes {stable_mosaic.version = 14 : i64} {
  func.func @_unflatten_body(%arg0: memref<16384xf32, #tpu.memory_space<vmem>>, %arg1: memref<8x2048xf32, #tpu.memory_space<vmem>>) attributes {dimension_semantics = [], scalar_prefetch = 0 : i64, scratch_operands = 0 : i64, tpu.core_type = #tpu.core_type<tc>} {
    %get3A = arith.constant 0 : index
    %get3A_0 = vector.load %arg0[%get3A] : memref<16384xf32, #tpu.memory_space<vmem>>, vector<16384xf32>
    %reshape3A = vector.shape_cast %get3A_0 : vector<16384xf32> to vector<8x2048xf32>
    %swap3A = arith.constant 0 : index
    %swap3A_1 = arith.constant 0 : index
    %swap3A_2 = vector.load %arg1[%swap3A, %swap3A_1] : memref<8x2048xf32, #tpu.memory_space<vmem>>, vector<8x2048xf32>
    tpu.vector_store %arg1[%swap3A, %swap3A_1], %reshape3A {strides = array<i32>} : memref<8x2048xf32, #tpu.memory_space<vmem>>, vector<8x2048xf32>,
    return
  }
}

module attributes {stable_mosaic.version = 14 : i64} {
  func.func @_split_body(%arg0: i32, %arg1: memref<2048x3xf32, #tpu.memory_space<vmem>>, %arg2: memref<2048xf32, #tpu.memory_space<vmem>>, %arg3: memref<2048xf32, #tpu.memory_space<vmem>>, %arg4: memref<2048xf32, #tpu.memory_space<vmem>>) attributes {dimension_semantics = [#tpu.dimension_semantics<arbitrary>], iteration_bounds = array<i64: 8>, scalar_prefetch = 0 : i64, scratch_operands = 0 : i64, tpu.core_type = #tpu.core_type<tc>, window_params = [{transform_indices = @transform_0, window_bounds = array<i64: 2048, 3>}, {transform_indices = @transform_1, window_bounds = array<i64: 2048>}, {transform_indices = @transform_2, window_bounds = array<i64: 2048>}, {transform_indices = @transform_3, window_bounds = array<i64: 2048>}]} {
    %get3A = arith.constant 0 : index
    %get3A_0 = arith.constant 0 : index
    %get3A_1 = vector.load %arg1[%get3A, %get3A_0] : memref<2048x3xf32, #tpu.memory_space<vmem>>, vector<2048x3xf32>
    %slice3A = vector.extract_strided_slice %get3A_1 {offsets = [0, 0], sizes = [2048, 1], strides = [1, 1]} : vector<2048x3xf32> to vector<2048x1xf32>
    %squeeze3A = vector.shape_cast %slice3A : vector<2048x1xf32> to vector<2048xf32>
    %swap3A = arith.constant 0 : index
    %swap3A_2 = vector.load %arg2[%swap3A] : memref<2048xf32, #tpu.memory_space<vmem>>, vector<2048xf32>
    tpu.vector_store %arg2[%swap3A], %squeeze3A {strides = array<i32>} : memref<2048xf32, #tpu.memory_space<vmem>>, vector<2048xf32>,
    %slice3A_3 = vector.extract_strided_slice %get3A_1 {offsets = [0, 1], sizes = [2048, 1], strides = [1, 1]} : vector<2048x3xf32> to vector<2048x1xf32>
    %squeeze3A_4 = vector.shape_cast %slice3A_3 : vector<2048x1xf32> to vector<2048xf32>
    %swap3A_5 = arith.constant 0 : index
    %swap3A_6 = vector.load %arg3[%swap3A_5] : memref<2048xf32, #tpu.memory_space<vmem>>, vector<2048xf32>
    tpu.vector_store %arg3[%swap3A_5], %squeeze3A_4 {strides = array<i32>} : memref<2048xf32, #tpu.memory_space<vmem>>, vector<2048xf32>,
    %slice3A_7 = vector.extract_strided_slice %get3A_1 {offsets = [0, 2], sizes = [2048, 1], strides = [1, 1]} : vector<2048x3xf32> to vector<2048x1xf32>
    %squeeze3A_8 = vector.shape_cast %slice3A_7 : vector<2048x1xf32> to vector<2048xf32>
    %swap3A_9 = arith.constant 0 : index
    %swap3A_10 = vector.load %arg4[%swap3A_9] : memref<2048xf32, #tpu.memory_space<vmem>>, vector<2048xf32>
    tpu.vector_store %arg4[%swap3A_9], %squeeze3A_8 {strides = array<i32>} : memref<2048xf32, #tpu.memory_space<vmem>>, vector<2048xf32>,
    return
  }
  func.func @transform_0(%arg0: i32) -> (i32, i32) {
    %c0_i32 = arith.constant 0 : i32
    %c0_i32_0 = arith.constant 0 : i32
    return %arg0, %c0_i32 : i32, i32
  }
  func.func @transform_1(%arg0: i32) -> i32 {
    %c0_i32 = arith.constant 0 : i32
    return %arg0 : i32
  }
  func.func @transform_2(%arg0: i32) -> i32 {
    %c0_i32 = arith.constant 0 : i32
    return %arg0 : i32
  }
  func.func @transform_3(%arg0: i32) -> i32 {
    %c0_i32 = arith.constant 0 : i32
    return %arg0 : i32
  }
}

</mosaic_0001>

<sc_bundles>
// kernel: kernel.7.cloned.1.call-start
scs
__scs_entry_jumppad:
0x0: {  	(pc) =	sbr.rel $0x88, $3  }
0x1: {  	(tag) =	ssettag $0x0;
	lr =	simm.s32 $0x1  }
0x2: {  	[smem:$0x3F9F] =	sst lr;
	_ =	strace $0xD0000000  }
0x3: {  	_ = 	snop  }
0x4: {  	_ = 	snop  }
0x5: {  	_ = 	snop  }
0x6: {  	_ = 	snop  }
0x7: {  	_ = 	snop  }
__scs_overlays_trampoline_lowered:
0x8: {  	[smem:$0x3FAE] =	sst s0  }
0x9: {  	[smem:$0x3FAF] =	sst s1  }
0xa: {  	[smem:$0x3FB0] =	sst s2  }
0xb: {  	[smem:$0x3FB1] =	sst s3  }
0xc: {  	[smem:$0x3FB2] =	sst s4  }
0xd: {  	[smem:$0x3FB3] =	sst s5  }
0xe: {  	[smem:$0x3FB4] =	sst s6  }
0xf: {  	[smem:$0x3FB5] =	sst s7  }
0x10: {  	[smem:$0x3FB6] =	sst s8  }
0x11: {  	[smem:$0x3FB7] =	sst s9;
	s0 =	simm.s32 @!p0 $0x0  }
0x12: {  	s1 =	sld [smem:$0x3F9D];
	s0 =	simm.s32 @p0 $0x1  }
0x13: {  	[smem:$0x3FB8] =	sst s0;
	s0 =	simm.s32 @!p1 $0x0  }
0x14: {  	s2 =	sld [smem:$0x3F9C];
	s0 =	simm.s32 @p1 $0x1  }
0x15: {  	[smem:$0x3FB9] =	sst s0;
	s0 =	simm.s32 @!p2 $0x0  }
0x16: {  	s3 =	sld [smem:$0x3FDB];
	s0 =	simm.s32 @p2 $0x1  }
0x17: {  	s4 =	simm.s32 $0x1BF5;
	[smem:$0x3FBB] =	sst s0  }
0x18: {  	s0 =	sld [smem:$0x3F9E];
	_ =	swait.ge [sflag:s4], $0x0  }
0x19: {  	s7 =	sld [smem:$0x3F9F]  }
0x1a: {  	s8 =	sadd.s32 $0xFFFFE003, lr  }
0x1b: {  	s9 =	sadd.s32 $0xFFFFFEF7, lr;
	s5 =	simm.s32 $0xFFFFFFFF;
	p2 =	slt.u32 s8, $0xFFFFF086  }
0x1c: {  	p1 =	slt.u32 s9, $0xF7A;
	s5 =	simm.s32 @!p2 $0x0  }
0x1d: {  	s5 =	simm.s32 @p1 $0x1;
	p0 =	seq.s32 s7, s2  }
0x1e: {  	s7 =	smul.u32 @!p0 $0xF7A, s2;
	p2 =	seq.s32 @!p0 s5, $0x0  }
0x1f: {  	s9 =	smul.u32 $0xF7A, s1;
	s8 =	simm.s32 @!p0 $0x1BF5;
	p2 =	por !p2, p0  }
0x20: {  	[sflag:s8] =	ssyncset.s32 @!p0 $0xFFFFF086;
	s6 =	sadd.s32 @!p0 s3, s7;
	s7 =	simm.s32 @!p0 $0x108  }
0x21: {  	s3 =	sadd.s32 s3, s9;
	s6 =	sadd.s32 @!p0 $0x88, s6;
	s7 =	simm.s32 @p2 $0x1082  }
0x22: {  	[simem:s7], [sflag:s8] =	dma.local @!p0 [hbm:s6], $0xF7A  }
0x23: {  	s9 =	sor.u32 $0xD0000000, s2;
	s6 =	simm.s32 $0x108;
	_ =	swait.ge @!p0 [sflag:s8], $0x0  }
0x24: {  	s3 =	sadd.s32 $0x88, s3;
	s6 =	simm.s32 @!p1 $0x1082;
	[sflag:s4] =	ssyncset.s32 $0xFFFFF086  }
0x25: {  	[simem:s6], [sflag:s4] =	dma.local [hbm:s3], $0xF7A  }
0x26: {  	[smem:$0x3F9F] =	sst s1;
	(tag) =	ssettag s2;
	_ =	strace s9  }
0x27: {  	s1 =	sld [smem:$0x3FAF]  }
0x28: {  	s2 =	sld [smem:$0x3FB0]  }
0x29: {  	s4 =	sld [smem:$0x3FB2]  }
0x2a: {  	p0 =	seq.s32 s5, $0x0;
	s5 =	sld [smem:$0x3FB3]  }
0x2b: {  	s6 =	sld [smem:$0x3FB4]  }
0x2c: {  	s7 =	sld [smem:$0x3FB5]  }
0x2d: {  	s3 =	simm.s32 $0x108;
	s8 =	sld [smem:$0x3FB6]  }
0x2e: {  	s3 =	simm.s32 @!p0 $0x1082;
	s9 =	sld [smem:$0x3FB7]  }
0x2f: {  	lr =	sadd.s32 s0, s3;
	s0 =	sld [smem:$0x3FAE]  }
0x30: {  	s3 =	sld [smem:$0x3FB1]  }
0x31: {  	[smem:$0x3FBA] =	sst s10  }
0x32: {  	s10 =	sld [smem:$0x3FB8];
	_ =	sdelay $0x3  }
0x33: {  	p0 =	seq.s32 s10, $0x1;
	s10 =	sld [smem:$0x3FBA];
	_ =	sdelay $0x3  }
0x34: {  	[smem:$0x3FBA] =	sst s10  }
0x35: {  	s10 =	sld [smem:$0x3FB9];
	_ =	sdelay $0x3  }
0x36: {  	p1 =	seq.s32 s10, $0x1;
	s10 =	sld [smem:$0x3FBA];
	_ =	sdelay $0x3  }
0x37: {  	[smem:$0x3FBA] =	sst s10  }
0x38: {  	s10 =	sld [smem:$0x3FBB]  }
0x39: {  	_ = 	snop;
	(pc) =	sbr.ind lr, $3  }
0x3a: {  	_ = 	snop  }
0x3b: {  	_ = 	snop  }
0x3c: {  	p2 =	seq.s32 s10, $0x1;
	s10 =	sld [smem:$0x3FBA]  }
0x3d: {  	_ =	shalt  }
0x3e: {  	_ =	shalt  }
0x3f: {  	_ =	shalt  }
0x40: {  	_ =	shalt  }
0x41: {  	_ =	shalt  }
0x42: {  	_ =	shalt  }
0x43: {  	_ =	shalt  }
0x44: {  	_ =	shalt  }
0x45: {  	_ =	shalt  }
0x46: {  	_ =	shalt  }
0x47: {  	_ =	shalt  }
0x48: {  	_ =	shalt  }
0x49: {  	_ =	shalt  }
0x4a: {  	_ =	shalt  }
0x4b: {  	_ =	shalt  }
0x4c: {  	_ =	shalt  }
0x4d: {  	_ =	shalt  }
0x4e: {  	_ =	shalt  }
0x4f: {  	_ =	shalt  }
0x50: {  	_ =	shalt  }
0x51: {  	_ =	shalt  }
0x52: {  	_ =	shalt  }
0x53: {  	_ =	shalt  }
0x54: {  	_ =	shalt  }
0x55: {  	_ =	shalt  }
0x56: {  	_ =	shalt  }
0x57: {  	_ =	shalt  }
0x58: {  	_ =	shalt  }
0x59: {  	_ =	shalt  }
0x5a: {  	_ =	shalt  }
0x5b: {  	_ =	shalt  }
0x5c: {  	_ =	shalt  }
0x5d: {  	_ =	shalt  }
0x5e: {  	_ =	shalt  }
0x5f: {  	_ =	shalt  }
0x60: {  	_ =	shalt  }
0x61: {  	_ =	shalt  }
0x62: {  	_ =	shalt  }
0x63: {  	_ =	shalt  }
0x64: {  	_ =	shalt  }
0x65: {  	_ =	shalt  }
0x66: {  	_ =	shalt  }
0x67: {  	_ =	shalt  }
0x68: {  	_ =	shalt  }
0x69: {  	_ =	shalt  }
0x6a: {  	_ =	shalt  }
0x6b: {  	_ =	shalt  }
0x6c: {  	_ =	shalt  }
0x6d: {  	_ =	shalt  }
0x6e: {  	_ =	shalt  }
0x6f: {  	_ =	shalt  }
0x70: {  	_ =	shalt  }
0x71: {  	_ =	shalt  }
0x72: {  	_ =	shalt  }
0x73: {  	_ =	shalt  }
0x74: {  	_ =	shalt  }
0x75: {  	_ =	shalt  }
0x76: {  	_ =	shalt  }
0x77: {  	_ =	shalt  }
0x78: {  	_ =	shalt  }
0x79: {  	_ =	shalt  }
0x7a: {  	_ =	shalt  }
0x7b: {  	_ =	shalt  }
0x7c: {  	_ =	shalt  }
0x7d: {  	_ =	shalt  }
0x7e: {  	_ =	shalt  }
0x7f: {  	_ =	shalt  }
0x80: {  	_ =	shalt  }
0x81: {  	_ =	shalt  }
0x82: {  	_ =	shalt  }
0x83: {  	_ =	shalt  }
0x84: {  	_ =	shalt  }
0x85: {  	_ =	shalt  }
0x86: {  	_ =	shalt  }
0x87: {  	_ =	shalt  }
.Lfunc_end0:
.L_simem_size_0:
called_computation_lowered:
.L_overlay_start_0:
0x88: {  	s2 =	sld [smem:$0x3FD9]  }
0x89: {  	s3 =	sld [smem:$0x3FFE];
	_ =	sdelay $0x1  }
0x8a: {  	s1 =	srdreg.scid  }
0x8b: {  	s0 =	sand.u32 $0x1, s1  }
0x8c: {  	s14 =	sshll.u32 s0, $0xA;
	s2 =	sadd.s32 s3, s2  }
0x8d: {  	s2 =	sadd.s32 s2, s14  }
0x8e: {  	[smem:$0x3FC6] =	sst s2  }
0x8f: {  	_ = 	snop  }
0x90: {  	s2 =	sld [smem:$0x3FD0];
	_ =	sdelay $0x2  }
0x91: {  	s15 =	simm.s32 $0xA;
	s4 =	simm.s32 $0x10  }
0x92: {  	[smem:s4], [sflag:s15] =	dma.local [hbm:s2], $0x1  }
0x93: {  	_ =	swait.eq [sflag:s15], $0x1  }
0x94: {  	[sflag:s15] =	ssyncset.done $0x0  }
0x95: {  	s16 =	sld [smem:$0x10];
	[sflag:s15] =	ssyncadd.s32 $0xFFFFFFFF  }
0x96: {  	s17 =	sld [smem:$0x11];
	(tm) =	ssettm $0x1  }
0x97: {  	s18 =	sld [smem:$0x3FFB];
	_ =	sdelay $0x3  }
0x98: {  	_ =	strace s18  }
0x99: {  	s4 =	sld [smem:$0x3FFC];
	_ =	sdelay $0x3  }
0x9a: {  	_ =	strace s4  }
0x9b: {  	s4 =	sld [smem:$0x3FFD];
	_ =	sdelay $0x3  }
0x9c: {  	_ =	strace s4  }
0x9d: {  	_ =	strace $0x8FFFFFFF  }
0x9e: {  	s19 =	sld [smem:$0x3FDB];
	_ =	sdelay $0x1  }
0x9f: {  	s5 =	simm.s32 $_scs_section_size  }
0xa0: {  	s6 =	simm.s32 $_size__tile_overlayer_lowered;
	s7 =	simm.s32 $_tile_overlayer_lowered  }
0xa1: {  	s22 =	simm.s32 $0x1BFF;
	s21 =	sshll.u32 s7, $0x1;
	s4 =	sadd.s32 s5, s19  }
0xa2: {  	s8 =	simm.s32 $0x0;
	s20 =	sshll.u32 s6, $0x1;
	s6 =	sadd.s32 s21, s4  }
0xa3: {  	[timem:s8], [sflag:s22] =	dma.local [hbm:s6], s20  }
0xa4: {  	_ =	swait.ge [sflag:s22], s20  }
0xa5: {  	s5 =	ssub.s32 $0x0, s20;
	[sflag:s22] =	ssyncset.done $0x0  }
0xa6: {  	[sflag:s22] =	ssyncadd.s32 s5;
	_ =	sdelay $0x1  }
0xa7: {  	s23 =	simm.s32 $0x1B8B  }
0xa8: {  	_ =	swait.ge [sflag:s23], $0x1  }
0xa9: {  	[sflag:s23] =	ssyncset.done $0x0  }
0xaa: {  	s25 =	simm.s32 $0x1B8E;
	s24 =	sld [smem:$0x3FFE];
	[sflag:s23] =	ssyncadd.s32 $0xFFFFFFFF  }
0xab: {  	s26 =	simm.s32 $execute0_lowered;
	[smem:$0x3FD2] =	sst s25  }
0xac: {  	s6 =	sshll.u32 s26, $0x1;
	_ =	strace $0x80000046;
	[dreg:$0x1] =	wrdreg $0xFFFFFFFF  }
0xad: {  	s28 =	simm.s32 $_size_execute0_lowered;
	s4 =	sadd.s32 s4, s6;
	[dreg:$0x0] =	wrdreg $0x0  }
0xae: {  	s6 =	sshll.u32 s28, $0x1;
	[dreg:$0x2] =	wrdreg s4  }
0xaf: {  	[dreg:$0x3] =	wrdreg s6  }
0xb0: {  	[dreg:$0x4] =	wrdreg $0xC0  }
0xb1: {  	_ =	task [dreg:s8], $0x5FFFF  }
0xb2: {  	[dreg:$0x1] =	wrdreg $0xFFFFFFFF  }
0xb3: {  	[dreg:$0x0] =	wrdreg $0x60  }
0xb4: {  	[dreg:$0x2] =	wrdreg s17  }
0xb5: {  	[dreg:$0x3] =	wrdreg s16  }
0xb6: {  	[dreg:$0x4] =	wrdreg s24  }
0xb7: {  	[dreg:$0x5] =	wrdreg $0xB6000  }
0xb8: {  	[dreg:$0x6] =	wrdreg $0x9  }
0xb9: {  	_ =	task.clear_ibuf [dreg:s8], $0x7FFFF;
	_ =	strace $0x90000046  }
0xba: {  	s29 =	simm.s32 $0x9;
	_ =	strace $0x80000048  }
0xbb: {  	_ =	swait.ge [sflag:s29], $0x1  }
0xbc: {  	[sflag:s29] =	ssyncadd.s32 $0xFFFFFFFF  }
0xbd: {  	_ =	strace $0x90000048  }
0xbe: {  	_ =	sfence  }
0xbf: {  	s30 =	sld [smem:$0x0];
	_ =	sdelay $0x2  }
0xc0: {  	s31 =	sshll.u32 s1, $0xD;
	s1 =	sshrl.u32 s1, $0x2  }
0xc1: {  	s3 =	sand.u32 $0x4000, s31;
	s1 =	sadd.s32 s1, s30  }
0xc2: {  	s0 =	sor.u32 s3, s0;
	s1 =	sshll.u32 s1, $0x11  }
0xc3: {  	s0 =	sor.u32 s1, s0  }
0xc4: {  	s0 =	sadd.s32 $0x8F2B, s0  }
0xc5: {  	[sflag:s0] =	ssyncadd.remote.s32 $0x1  }
0xc6: {  	_ =	sfence.sel $0xFFFF  }
0xc7: {  	[dreg:$0x0] =	wrdreg $0xFFFFFFFF;
	(pc) =	sbr.abs _section_cstart, $3  }
0xc8: {  	[dreg:$0x1] =	wrdreg $0xFFFFFFFF  }
0xc9: {  	_ =	task.clear_ibuf [dreg:s8], $0x2FFFF;
	_ =	strace $0x9FFFFFFF  }
0xca: {  	(tm) =	ssettm $0x7FFFFFFF  }
0xcb: {  	_ =	shalt  }
tec
execute0_lowered:
.L_overlay_start_1:
0x0: {  	(tag) =	ssettag $0x1  }
0x1: {  	s0 =	rddreg [dreg:$0x0]  }
0x2: {  	s1 =	rddreg [dreg:$0x1]  }
0x3: {  	s3 =	rddreg [dreg:$0x2]  }
0x4: {  	s9 =	rddreg [dreg:$0x3]  }
0x5: {  	s4 =	srdreg.scid;
	s8 =	stileid.u32  }
0x6: {  	s2 =	simm.s32 $0x0;
	s17 =	simm.s32 $0x1;
	s28 =	simm.s32 $0xAA00  }
0x7: {  	s29 =	simm.s32 $0xA800;
	s30 =	simm.s32 $0x0;
	s4 =	sand.u32 $0x1, s4  }
0x8: {  	s5 =	sshll.u32 s8, $0x9;
	s10 =	sand.u32 $0x3, s8;
	[smem:$0x7FF] =	sst s2  }
0x9: {  	s25 =	sshll.u32 s8, $0xB;
	s26 =	sshll.u32 s8, $0x7;
	s6 =	sshll.u32 s4, $0xD  }
0xa: {  	s5 =	sand.u32 $0x1800, s5;
	s23 =	sshll.u32 s10, $0x9;
	_ =	strace $0x80000047  }
0xb: {  	s4 =	ssub.s32 $0x2, s4;
	s31 =	sand.u32 $0x200, s26;
	s5 =	sor.u32 s6, s5  }
0xc: {  	s11 =	sshll.u32 s10, $0xC;
	s24 =	sshrl.u32 s4, $0x1;
	s6 =	sor.u32 s23, s5  }
0xd: {  	s5 =	sshrl.u32 s5, $0x3;
	s16 =	ssub.s32 s4, s24;
	s23 =	simm.s32 $0x9E00  }
0xe: {  	s24 =	simm.s32 $0x80;
	s7 =	sshrl.u32 s6, $0x3;
	s5 =	sadd.s32 s5, s3  }
0xf: {  	s16 =	smax.u32 s16, $0x1;
	s15 =	sadd.s32 s7, s3;
	s3 =	sadd.s32 $0x2600, s5  }
0x10: {  	v0 =	vimm.f32 $3.000000010e+38;
	s4 =	sadd.s32 $0x2E00, s5;
	s5 =	sadd.s32 $0x3600, s5;
	s6 =	sadd.s32 s0, s7  }
0x11: {  	vm0 =	vmmov $0x1;
	vm1 =	vmmov $0x3;
	vm2 =	vmmov $0x7;
	s7 =	sadd.s32 s1, s7;
	s0 =	sand.u32 $0x4000, s25;
	s1 =	sand.u32 $0x380, s26  }
0x12: {  	vm3 =	vmmov $0xf;
	vm4 =	vmmov $0x1f;
	vm5 =	vmmov $0x3f;
	s25 =	simm.s32 $0x400;
	s26 =	simm.s32 $0xA000;
	s0 =	sadd.s32 s0, s9  }
0x13: {  	vm6 =	vmmov $0x7f;
	vm7 =	vmmov $0xff;
	vm8 =	vmmov $0x1ff;
	s8 =	sadd.s32 $0x1E00, s15;
	s9 =	sadd.s32 $0x3E00, s15;
	s12 =	sadd.s32 s31, s0  }
0x14: {  	vm9 =	vmmov $0x3ff;
	vm10 =	vmmov $0x7ff;
	vm11 =	vmmov $0xfff;
	s15 =	sadd.s32 $0x4600, s15;
	s10 =	sadd.s32 s1, s0;
	s11 =	sadd.s32 s11, s12  }
0x15: {  	vm12 =	vmmov $0x1fff;
	vm13 =	vmmov $0x3fff;
	vm14 =	vmmov $0x7fff;
	s12 =	sadd.s32 $0x80, s11;
	s13 =	sadd.s32 $0x100, s11;
	s14 =	sadd.s32 $0x180, s11  }
.LBB2_1:
0x16: {  	[tilespmem:s2], [sflag:$0x1] =	stream.linear.gather [hbm4b:s3+s2], $0x800, $0x38;
	[tilespmem:$0xBE00] =	vst v63  }
0x17: {  	_ =	swait.ge [sflag:s17], $0x800  }
0x18: {  	[sflag:s17] =	ssyncset.done $0x0  }
0x19: {  	s0 =	simm.s32 $0x800;
	[sflag:s17] =	ssyncadd.s32 $0xFFFFF800  }
0x1a: {  	[tilespmem:s0], [sflag:$0x1] =	stream.linear.gather [hbm4b:s4+s2], $0x800, $0x38;
	[tilespmem:$0xBE00] =	vst v63  }
0x1b: {  	_ =	swait.ge [sflag:s17], $0x800  }
0x1c: {  	[sflag:s17] =	ssyncset.done $0x0  }
0x1d: {  	s20 =	simm.s32 $0x1000;
	[sflag:s17] =	ssyncadd.s32 $0xFFFFF800  }
0x1e: {  	[tilespmem:s20], [sflag:$0x1] =	stream.linear.gather [hbm4b:s5+s2], $0x800, $0x38;
	[tilespmem:$0xBE00] =	vst v63  }
0x1f: {  	_ =	swait.ge [sflag:s17], $0x800  }
0x20: {  	[sflag:s17] =	ssyncset.done $0x0  }
0x21: {  	s21 =	simm.s32 $0x1800;
	[sflag:s17] =	ssyncadd.s32 $0xFFFFF800  }
0x22: {  	[tilespmem:s21], [sflag:$0x1] =	stream.linear.gather [hbm4b:s6+s2], $0x200, $0x38;
	[tilespmem:$0xBE00] =	vst v63  }
0x23: {  	_ =	swait.ge [sflag:s17], $0x200  }
0x24: {  	[sflag:s17] =	ssyncset.done $0x0  }
0x25: {  	s22 =	simm.s32 $0x1A00;
	[sflag:s17] =	ssyncadd.s32 $0xFFFFFE00  }
0x26: {  	[tilespmem:s22], [sflag:$0x1] =	stream.linear.gather [hbm4b:s7+s2], $0x200, $0x38;
	[tilespmem:$0xBE00] =	vst v63  }
0x27: {  	_ =	swait.ge [sflag:s17], $0x200  }
0x28: {  	[sflag:s17] =	ssyncset.done $0x0  }
0x29: {  	s31 =	simm.s32 $0x1C00;
	[sflag:s17] =	ssyncadd.s32 $0xFFFFFE00  }
0x2a: {  	[tilespmem:s31], [sflag:$0x1] =	stream.linear.gather [hbm4b:s8+s2], $0x200, $0x38;
	[tilespmem:$0xBE00] =	vst v63  }
0x2b: {  	_ =	swait.ge [sflag:s17], $0x200  }
0x2c: {  	[sflag:s17] =	ssyncset.done $0x0  }
0x2d: {  	s0 =	simm.s32 $0x0;
	[sflag:s17] =	ssyncadd.s32 $0xFFFFFE00  }
0x2e: {  	v1 =	vld [tilespmem:s0+$0x0];
	_ =	sdelay $0x1  }
0x2f: {  	v2 =	vld [tilespmem:s0+$0x800]  }
0x30: {  	v3 =	vld [tilespmem:s0+$0x1000];
	_ =	sdelay $0x1  }
0x31: {  	v4 =	vshrl.u32 v1, $0x10  }
0x32: {  	v4 =	vand.u32 $0x1, v4  }
0x33: {  	v5 =	vmul.f32 v1, v1;
	v6 =	vshrl.u32 v2, $0x10;
	v1 =	vadd.s32 v4, v1  }
0x34: {  	v4 =	vand.u32 $0x1, v6;
	v6 =	vshrl.u32 v3, $0x10;
	v1 =	vadd.s32 $0x7FFF, v1  }
0x35: {  	v4 =	vadd.s32 v4, v2;
	v6 =	vand.u32 $0x1, v6;
	v2 =	vmul.f32 v2, v2  }
0x36: {  	v1 =	vand.u32 $0xFFFF0000, v1;
	v4 =	vadd.s32 $0x7FFF, v4;
	v6 =	vadd.s32 v6, v3  }
0x37: {  	s1 =	simm.s32 $0x10;
	[tilespmem:s0+$0x0] =	vst v1;
	v4 =	vand.u32 $0xFFFF0000, v4;
	v6 =	vadd.s32 $0x7FFF, v6  }
0x38: {  	s18 =	simm.s32 $0x80;
	v3 =	vmul.f32 v3, v3;
	v2 =	vadd.f32 v2, v5;
	v1 =	vld [tilespmem:s1+$0x0];
	[tilespmem:s0+$0x800] =	vst v4;
	v4 =	vand.u32 $0xFFFF0000, v6  }
.LBB2_2:
0x39: {  	p0 =	sne.s32 s18, $0x1FC0;
	v5 =	vld [tilespmem:s1+$0x800];
	[tilespmem:s0+$0x1000] =	vst v4  }
0x3a: {  	v4 =	vld [tilespmem:s1+$0x1000];
	v2 =	vadd.f32 v3, v2;
	_ =	sdelay $0x1  }
0x3b: {  	[tilespmem:s0+$0xAC00] =	vst v2;
	s0 =	smov.u32 s1  }
0x3c: {  	v2 =	vmul.f32 v1, v1;
	v3 =	vshrl.u32 v1, $0x10  }
0x3d: {  	v6 =	vmul.f32 v5, v5;
	v3 =	vand.u32 $0x1, v3;
	v7 =	vshrl.u32 v5, $0x10  }
.Ltmp0:
0x3e: {  	v1 =	vadd.s32 v3, v1;
	v3 =	vand.u32 $0x1, v7;
	v7 =	vshrl.u32 v4, $0x10;
	(pc) =	sbr.rel @p0 .LBB2_2-.Ltmp0, $4  }
0x3f: {  	v1 =	vadd.s32 $0x7FFF, v1;
	v3 =	vadd.s32 v3, v5;
	v5 =	vand.u32 $0x1, v7  }
0x40: {  	v1 =	vand.u32 $0xFFFF0000, v1;
	v3 =	vadd.s32 $0x7FFF, v3;
	v5 =	vadd.s32 v5, v4  }
0x41: {  	s1 =	sshra.s32 s18, $0x2;
	v2 =	vadd.f32 v6, v2;
	[tilespmem:s0+$0x0] =	vst v1;
	v6 =	vand.u32 $0xFFFF0000, v3;
	v5 =	vadd.s32 $0x7FFF, v5  }
0x42: {  	s18 =	sadd.s32 $0x40, s18;
	v3 =	vmul.f32 v4, v4;
	v1 =	vld [tilespmem:s1+$0x0];
	[tilespmem:s0+$0x800] =	vst v6;
	v4 =	vand.u32 $0xFFFF0000, v5  }
0x43: {  	v5 =	vld [tilespmem:s1+$0x800]  }
0x44: {  	[tilespmem:s0+$0x1000] =	vst v4  }
0x45: {  	v4 =	vld [tilespmem:s1+$0x1000];
	_ =	sdelay $0x1  }
0x46: {  	v2 =	vadd.f32 v3, v2;
	v3 =	vshrl.u32 v1, $0x10  }
0x47: {  	v6 =	vmul.f32 v1, v1;
	v3 =	vand.u32 $0x1, v3;
	v7 =	vshrl.u32 v5, $0x10  }
0x48: {  	v1 =	vadd.s32 v3, v1;
	v3 =	vmul.f32 v5, v5;
	v7 =	vand.u32 $0x1, v7  }
0x49: {  	v60 =	vshrl.u32 v4, $0x10;
	v5 =	vadd.s32 v7, v5;
	v1 =	vadd.s32 $0x7FFF, v1  }
0x4a: {  	v7 =	vand.u32 $0x1, v60;
	v1 =	vand.u32 $0xFFFF0000, v1;
	v5 =	vadd.s32 $0x7FFF, v5  }
0x4b: {  	[tilespmem:s0+$0xAC00] =	vst v2;
	v2 =	vadd.s32 v7, v4;
	v3 =	vadd.f32 v3, v6;
	v4 =	vmul.f32 v4, v4  }
0x4c: {  	[tilespmem:s1+$0x0] =	vst v1;
	v1 =	vand.u32 $0xFFFF0000, v5;
	v2 =	vadd.s32 $0x7FFF, v2  }
0x4d: {  	[tilespmem:s1+$0x800] =	vst v1;
	v1 =	vand.u32 $0xFFFF0000, v2;
	v2 =	vadd.f32 v4, v3  }
0x4e: {  	[tilespmem:s1+$0x1000] =	vst v1  }
0x4f: {  	s0 =	simm.s32 $0x0;
	[tilespmem:s1+$0xAC00] =	vst v2  }
0x50: {  	v1 =	vld [tilespmem:s0+$0x1800]  }
0x51: {  	v2 =	vld [tilespmem:s0+$0x1A00]  }
0x52: {  	v3 =	vld [tilespmem:s0+$0x1C00];
	_ =	sdelay $0x2  }
0x53: {  	v4 =	vshrl.u32 v1, $0x10  }
0x54: {  	v4 =	vand.u32 $0x1, v4  }
0x55: {  	v5 =	vshrl.u32 v2, $0x10;
	v61 =	vshrl.u32 v3, $0x10;
	v4 =	vadd.s32 v4, v1  }
0x56: {  	v62 =	vmul.f32 v2, v2;
	v5 =	vand.u32 $0x1, v5;
	v4 =	vadd.s32 $0x7FFF, v4  }
0x57: {  	v6 =	vand.u32 $0x1, v61;
	v5 =	vadd.s32 v5, v2;
	v4 =	vand.u32 $0xFFFF0000, v4  }
0x58: {  	v6 =	vadd.s32 v6, v3;
	v5 =	vadd.s32 $0x7FFF, v5;
	v4 =	vmul.f32 $-2.000000000e+00, v4  }
0x59: {  	v1 =	vmul.f32 v1, v1;
	v2 =	vadd.s32 $0x7FFF, v6;
	v5 =	vand.u32 $0xFFFF0000, v5  }
0x5a: {  	v5 =	vmul.f32 $-2.000000000e+00, v5;
	[tilespmem:s0+$0x1800] =	vst v4;
	v4 =	vand.u32 $0xFFFF0000, v2  }
0x5b: {  	s18 =	simm.s32 $0x10;
	v3 =	vmul.f32 v3, v3;
	v63 =	vadd.f32 v62, v1;
	v4 =	vmul.f32 $-2.000000000e+00, v4  }
0x5c: {  	v2 =	vld [tilespmem:s18+$0x1800];
	[tilespmem:s0+$0x1A00] =	vst v5  }
0x5d: {  	s19 =	simm.s32 $0x80;
	s1 =	simm.s32 $0x40;
	v3 =	vadd.f32 v3, v63;
	v1 =	vld [tilespmem:s18+$0x1A00];
	[tilespmem:s0+$0x1C00] =	vst v4  }
.LBB2_4:
0x5e: {  	p0 =	sne.s32 s19, $0x7C0;
	v4 =	vld [tilespmem:s18+$0x1C00]  }
0x5f: {  	[tilespmem:s0+$0xB400] =	vst v3;
	s0 =	smov.u32 s18;
	_ =	sdelay $0x1  }
0x60: {  	v3 =	vmul.f32 v2, v2;
	v5 =	vshrl.u32 v2, $0x10  }
0x61: {  	v6 =	vmul.f32 v1, v1;
	v5 =	vand.u32 $0x1, v5;
	v7 =	vshrl.u32 v1, $0x10  }
0x62: {  	v2 =	vadd.s32 v5, v2;
	v5 =	vand.u32 $0x1, v7;
	v7 =	vshrl.u32 v4, $0x10  }
0x63: {  	v2 =	vadd.s32 $0x7FFF, v2;
	v1 =	vadd.s32 v5, v1;
	v5 =	vand.u32 $0x1, v7  }
0x64: {  	v2 =	vand.u32 $0xFFFF0000, v2;
	v1 =	vadd.s32 $0x7FFF, v1;
	v5 =	vadd.s32 v5, v4  }
.Ltmp1:
0x65: {  	v2 =	vmul.f32 $-2.000000000e+00, v2;
	v1 =	vand.u32 $0xFFFF0000, v1;
	v5 =	vadd.s32 $0x7FFF, v5;
	(pc) =	sbr.rel @p0 .LBB2_4-.Ltmp1, $4  }
0x66: {  	v3 =	vadd.f32 v6, v3;
	v1 =	vmul.f32 $-2.000000000e+00, v1;
	v5 =	vand.u32 $0xFFFF0000, v5  }
0x67: {  	s18 =	sshra.s32 s19, $0x2;
	v4 =	vmul.f32 v4, v4;
	[tilespmem:s0+$0x1800] =	vst v2;
	v5 =	vmul.f32 $-2.000000000e+00, v5  }
0x68: {  	v2 =	vld [tilespmem:s18+$0x1800];
	[tilespmem:s0+$0x1A00] =	vst v1  }
0x69: {  	s19 =	sadd.s32 $0x40, s19;
	v3 =	vadd.f32 v4, v3;
	v1 =	vld [tilespmem:s18+$0x1A00];
	[tilespmem:s0+$0x1C00] =	vst v5  }
0x6a: {  	_ = 	snop  }
0x6b: {  	v4 =	vld [tilespmem:s18+$0x1C00];
	_ =	sdelay $0x1  }
0x6c: {  	v5 =	vshrl.u32 v2, $0x10  }
0x6d: {  	v5 =	vand.u32 $0x1, v5;
	v6 =	vshrl.u32 v1, $0x10  }
0x6e: {  	v7 =	vmul.f32 v2, v2;
	v2 =	vadd.s32 v5, v2;
	v61 =	vand.u32 $0x1, v6  }
0x6f: {  	v62 =	vshrl.u32 v4, $0x10;
	v2 =	vadd.s32 $0x7FFF, v2;
	v5 =	vadd.s32 v61, v1  }
0x70: {  	v1 =	vmul.f32 v1, v1;
	v6 =	vand.u32 $0x1, v62;
	v2 =	vand.u32 $0xFFFF0000, v2  }
0x71: {  	v5 =	vadd.s32 $0x7FFF, v5;
	v6 =	vadd.s32 v6, v4;
	v4 =	vmul.f32 v4, v4  }
0x72: {  	v2 =	vmul.f32 $-2.000000000e+00, v2;
	v5 =	vand.u32 $0xFFFF0000, v5;
	v6 =	vadd.s32 $0x7FFF, v6  }
0x73: {  	[tilespmem:s0+$0xB400] =	vst v3;
	v1 =	vadd.f32 v1, v7;
	v3 =	vmul.f32 $-2.000000000e+00, v5;
	v63 =	vand.u32 $0xFFFF0000, v6  }
0x74: {  	[tilespmem:s18+$0x1800] =	vst v2;
	v2 =	vmul.f32 $-2.000000000e+00, v63  }
0x75: {  	v1 =	vadd.f32 v4, v1;
	[tilespmem:s18+$0x1A00] =	vst v3  }
0x76: {  	[tilespmem:s18+$0x1C00] =	vst v2  }
0x77: {  	s0 =	simm.s32 $0x0;
	[tilespmem:s18+$0xB400] =	vst v1  }
.LBB2_6:
0x78: {  	p0 =	sne.s32 s1, $0x1FFC0;
	[tilespmem:s0+$0x1E00] =	vst v0;
	s0 =	smov.u32 s1;
	s1 =	sadd.s32 $0x40, s1  }
.Ltmp2:
0x79: {  	(pc) =	sbr.rel @p0 .LBB2_6-.Ltmp2, $2  }
0x7a: {  	_ =	sdelay $0x2  }
0x7b: {  	s0 =	sshra.s32 s0, $0x2  }
0x7c: {  	[tilespmem:s0+$0x1E00] =	vst v0;
	s31 =	simm.s32 $0x0  }
.LBB2_8:
0x7d: {  	s0 =	sshll.u32 s31, $0x6  }
0x7e: {  	v1 =	vld [tilespmem:s0+$0x1800]  }
0x7f: {  	v2 =	vld [tilespmem:s0+$0x1A00]  }
0x80: {  	v3 =	vld [tilespmem:s0+$0x1C00]  }
0x81: {  	v4 =	vld [tilespmem:s0+$0xB400]  }
0x82: {  	v5 =	vld [tilespmem:s0+$0x1810]  }
0x83: {  	v6 =	vld [tilespmem:s0+$0x1A10]  }
0x84: {  	v7 =	vld [tilespmem:s0+$0x1C10]  }
0x85: {  	v8 =	vld [tilespmem:s0+$0xB410]  }
0x86: {  	v9 =	vld [tilespmem:s0+$0x1820]  }
0x87: {  	v10 =	vld [tilespmem:s0+$0x1A20]  }
0x88: {  	v11 =	vld [tilespmem:s0+$0x1C20]  }
0x89: {  	v12 =	vld [tilespmem:s0+$0xB420]  }
0x8a: {  	v13 =	vld [tilespmem:s0+$0x1830]  }
0x8b: {  	v14 =	vld [tilespmem:s0+$0x1A30]  }
0x8c: {  	v21 =	vimm.f32 $3.000000010e+38;
	s20 =	simm.s32 $0x1E80;
	s21 =	simm.s32 $0x0;
	v15 =	vld [tilespmem:s0+$0x1C30]  }
0x8d: {  	v22 =	vimm.f32 $3.000000010e+38;
	v23 =	vimm.f32 $3.000000010e+38;
	v24 =	vimm.f32 $3.000000010e+38;
	s19 =	sor.u32 $0x10, s0;
	s1 =	sor.u32 $0x20, s0;
	s18 =	sor.u32 $0x30, s0;
	v16 =	vld [tilespmem:s0+$0xB430]  }
.LBB2_9:
0x8e: {  	s22 =	sshra.s32 s21, $0x2  }
0x8f: {  	v20 =	vld [tilespmem:s22+$0x0]  }
0x90: {  	v19 =	vld [tilespmem:s22+$0x800]  }
0x91: {  	v18 =	vld [tilespmem:s22+$0x1000]  }
0x92: {  	v17 =	vld [tilespmem:s22+$0xAC00];
	_ =	sdelay $0x2  }
0x93: {  	v25 =	vbroadcast v20, $0x0  }
0x94: {  	v26 =	vbroadcast v19, $0x0;
	v29 =	vbroadcast v18, $0x0  }
0x95: {  	v32 =	vbroadcast v17, $0x0;
	v45 =	vbroadcast v20, $0x1  }
0x96: {  	v46 =	vbroadcast v19, $0x1;
	v48 =	vbroadcast v18, $0x1  }
0x97: {  	v50 =	vbroadcast v17, $0x1;
	v62 =	vbroadcast v20, $0x2  }
0x98: {  	v63 =	vbroadcast v19, $0x2;
	v27 =	vmul.f32 v25, v1  }
0x99: {  	v28 =	vmul.f32 v26, v2;
	v30 =	vmul.f32 v25, v5  }
0x9a: {  	v31 =	vmul.f32 v26, v6;
	v38 =	vmul.f32 v29, v3  }
0x9b: {  	v39 =	vmul.f32 v29, v7;
	v41 =	vmul.f32 v25, v9  }
0x9c: {  	v33 =	vmul.f32 v26, v10;
	v25 =	vmul.f32 v25, v13  }
0x9d: {  	v40 =	vadd.f32 v32, v4;
	v26 =	vmul.f32 v26, v14;
	v43 =	vmul.f32 v29, v11  }
0x9e: {  	v34 =	vadd.f32 v32, v8;
	v47 =	vmul.f32 v46, v2;
	v49 =	vmul.f32 v48, v3  }
0x9f: {  	v44 =	vadd.f32 v32, v12;
	v51 =	vmul.f32 v46, v6;
	v35 =	vmul.f32 v48, v7  }
0xa0: {  	v53 =	vadd.f32 v50, v4;
	v54 =	vmul.f32 v45, v9;
	v36 =	vmul.f32 v46, v10  }
0xa1: {  	v57 =	vmul.f32 v48, v11;
	v58 =	vadd.f32 v50, v8;
	v59 =	vmul.f32 v48, v15  }
0xa2: {  	v60 =	vadd.f32 v50, v12;
	v61 =	vadd.f32 v50, v16;
	v48 =	vmul.f32 v62, v9  }
0xa3: {  	v37 =	vmul.f32 v63, v10;
	v27 =	vadd.f32 v28, v27;
	v30 =	vadd.f32 v31, v30  }
0xa4: {  	v55 =	vmul.f32 v45, v13;
	v42 =	vadd.f32 v33, v41;
	v25 =	vadd.f32 v26, v25  }
0xa5: {  	v26 =	vmul.f32 v29, v15;
	v56 =	vadd.f32 v36, v54;
	v50 =	vadd.f32 v37, v48  }
0xa6: {  	v41 =	vbroadcast v18, $0x2;
	v27 =	vadd.f32 v38, v27;
	v30 =	vadd.f32 v39, v30  }
0xa7: {  	v29 =	vmul.f32 v46, v14;
	v28 =	vadd.f32 v43, v42;
	v25 =	vadd.f32 v26, v25  }
0xa8: {  	v26 =	vadd.f32 v32, v16;
	v39 =	vmul.f32 v62, v1;
	v42 =	vmul.f32 v41, v3  }
0xa9: {  	v31 =	vadd.f32 v57, v56;
	v43 =	vbroadcast v17, $0x2;
	v46 =	vmul.f32 v41, v7  }
0xaa: {  	v57 =	vbroadcast v20, $0x3;
	v27 =	vadd.f32 v27, v40;
	v30 =	vadd.f32 v30, v34  }
0xab: {  	v28 =	vadd.f32 v28, v44;
	v25 =	vadd.f32 v25, v26;
	v26 =	vmul.f32 v45, v1  }
0xac: {  	v31 =	vadd.f32 v31, v60;
	v40 =	vmul.f32 v63, v2;
	v44 =	vmul.f32 v62, v5  }
0xad: {  	v52 =	vld [tilespmem:s20+$0xFFFFFF80];
	v56 =	vadd.f32 v43, v16;
	v24 =	vmin.f32 v24, v27;
	v23 =	vmin.f32 v23, v30  }
0xae: {  	v22 =	vmin.f32 v22, v28;
	v21 =	vmin.f32 v21, v25;
	v27 =	vmin.f32 v27, v30  }
0xaf: {  	v25 =	vmin.f32 v28, v25;
	v26 =	vadd.f32 v47, v26;
	v28 =	vadd.f32 v29, v55  }
0xb0: {  	v55 =	vadd.f32 v43, v12;
	v25 =	vmin.f32 v27, v25;
	v27 =	vmul.f32 v45, v5  }
0xb1: {  	v22 =	vmin.f32 v22, v31;
	v45 =	vmul.f32 v63, v6;
	v26 =	vadd.f32 v49, v26  }
0xb2: {  	v25 =	vmin.f32 v52, v25;
	v28 =	vadd.f32 v59, v28;
	v49 =	vmul.f32 v63, v14  }
0xb3: {  	v52 =	vadd.f32 v43, v8;
	v59 =	vmul.f32 v57, v1;
	v27 =	vadd.f32 v51, v27  }
0xb4: {  	v51 =	vmul.f32 v41, v11;
	v26 =	vadd.f32 v26, v53;
	v53 =	vmul.f32 v41, v15  }
0xb5: {  	v28 =	vadd.f32 v28, v61;
	v61 =	vbroadcast v18, $0x3;
	v41 =	vbroadcast v17, $0x3  }
0xb6: {  	v27 =	vadd.f32 v35, v27;
	v54 =	vadd.f32 v51, v50;
	v24 =	vmin.f32 v24, v26  }
0xb7: {  	v21 =	vmin.f32 v21, v28;
	v28 =	vmin.f32 v31, v28;
	v31 =	vadd.f32 v45, v44  }
0xb8: {  	v44 =	vadd.f32 v41, v4;
	v45 =	vmul.f32 v57, v9;
	v48 =	vmul.f32 v61, v11  }
0xb9: {  	v50 =	vadd.f32 v41, v12;
	v27 =	vadd.f32 v27, v58;
	v58 =	vbroadcast v19, $0x3  }
0xba: {  	v47 =	vld [tilespmem:s20+$0xFFFFFF90];
	v51 =	vadd.f32 v41, v16;
	v29 =	vadd.f32 v46, v31;
	v31 =	vmul.f32 v57, v13  }
0xbb: {  	v23 =	vmin.f32 v23, v27;
	v26 =	vmin.f32 v26, v27;
	v60 =	vmul.f32 v58, v2  }
0xbc: {  	v27 =	vadd.f32 v40, v39;
	v63 =	vmul.f32 v58, v6;
	v40 =	vmul.f32 v61, v3  }
0xbd: {  	v46 =	vmul.f32 v58, v10;
	v30 =	vmul.f32 v58, v14;
	v26 =	vmin.f32 v26, v28  }
0xbe: {  	v29 =	vadd.f32 v29, v52;
	v28 =	vadd.f32 v54, v55;
	v52 =	vbroadcast v20, $0x4  }
0xbf: {  	[tilespmem:s20+$0xFFFFFF80] =	vst v25;
	v25 =	vadd.f32 v42, v27;
	v27 =	vadd.f32 v43, v4;
	v26 =	vmin.f32 v47, v26  }
0xc0: {  	v32 =	vadd.f32 v60, v59;
	v42 =	vmul.f32 v61, v7;
	v47 =	vadd.f32 v41, v8  }
0xc1: {  	v30 =	vadd.f32 v30, v31;
	v59 =	vbroadcast v17, $0x4;
	v23 =	vmin.f32 v23, v29  }
0xc2: {  	v22 =	vmin.f32 v22, v28;
	v25 =	vadd.f32 v25, v27;
	v27 =	vmul.f32 v62, v13  }
0xc3: {  	v54 =	vmul.f32 v52, v1;
	v38 =	vmul.f32 v52, v13;
	v43 =	vadd.f32 v40, v32  }
0xc4: {  	v40 =	vadd.f32 v59, v8;
	v27 =	vadd.f32 v49, v27;
	v24 =	vmin.f32 v24, v25  }
0xc5: {  	v25 =	vmin.f32 v25, v29;
	v29 =	vadd.f32 v43, v44;
	v49 =	vmul.f32 v61, v15  }
0xc6: {  	v62 =	vmul.f32 v57, v5;
	v61 =	vadd.f32 v59, v4;
	v27 =	vadd.f32 v53, v27  }
0xc7: {  	v43 =	vadd.f32 v59, v16;
	v30 =	vadd.f32 v49, v30;
	v53 =	vbroadcast v19, $0x4  }
0xc8: {  	v44 =	vbroadcast v20, $0x5;
	v24 =	vmin.f32 v24, v29;
	v27 =	vadd.f32 v27, v56  }
0xc9: {  	v30 =	vadd.f32 v30, v51;
	v55 =	vmul.f32 v53, v2;
	v56 =	vbroadcast v18, $0x4  }
0xca: {  	[tilespmem:s20+$0xFFFFFF90] =	vst v26;
	v51 =	vbroadcast v17, $0x5;
	v21 =	vmin.f32 v21, v27;
	v26 =	vmin.f32 v28, v27  }
0xcb: {  	v27 =	vadd.f32 v63, v62;
	v28 =	vadd.f32 v46, v45;
	v58 =	vmul.f32 v56, v3  }
0xcc: {  	v62 =	vmul.f32 v56, v7;
	v63 =	vmul.f32 v53, v10;
	v25 =	vmin.f32 v25, v26;
	v26 =	vld [tilespmem:s20+$0xFFFFFFA0]  }
0xcd: {  	v39 =	vmul.f32 v56, v11;
	v41 =	vmul.f32 v56, v15;
	v27 =	vadd.f32 v42, v27  }
0xce: {  	v57 =	vadd.f32 v55, v54;
	v45 =	vbroadcast v19, $0x5;
	v46 =	vmul.f32 v44, v1  }
0xcf: {  	v54 =	vadd.f32 v51, v4;
	v21 =	vmin.f32 v21, v30;
	v27 =	vadd.f32 v27, v47  }
0xd0: {  	v42 =	vadd.f32 v59, v12;
	v59 =	vmul.f32 v44, v13;
	v47 =	vmul.f32 v45, v2  }
0xd1: {  	v25 =	vmin.f32 v26, v25;
	v26 =	vadd.f32 v48, v28;
	v23 =	vmin.f32 v23, v27  }
0xd2: {  	v27 =	vmin.f32 v29, v27;
	v29 =	vadd.f32 v58, v57;
	v28 =	vmul.f32 v53, v14  }
0xd3: {  	v48 =	vbroadcast v18, $0x5;
	v49 =	vadd.f32 v47, v46;
	v57 =	vmul.f32 v44, v9  }
0xd4: {  	v58 =	vmul.f32 v45, v10;
	v26 =	vadd.f32 v26, v50;
	v29 =	vadd.f32 v29, v61  }
0xd5: {  	v60 =	vld [tilespmem:s20+$0xFFFFFFB0];
	v28 =	vadd.f32 v28, v38;
	v50 =	vmul.f32 v48, v3;
	v55 =	vmul.f32 v48, v7  }
0xd6: {  	v61 =	vadd.f32 v58, v57;
	v37 =	vmul.f32 v48, v15;
	v38 =	vadd.f32 v51, v12  }
0xd7: {  	v22 =	vmin.f32 v22, v26;
	v26 =	vmin.f32 v26, v30;
	v28 =	vadd.f32 v41, v28  }
0xd8: {  	[tilespmem:s20+$0xFFFFFFA0] =	vst v25;
	v41 =	vbroadcast v19, $0x6;
	v25 =	vmin.f32 v27, v26;
	v26 =	vmul.f32 v52, v5  }
0xd9: {  	v24 =	vmin.f32 v24, v29;
	v27 =	vmul.f32 v53, v6;
	v53 =	vmul.f32 v45, v6  }
0xda: {  	v25 =	vmin.f32 v60, v25;
	v28 =	vadd.f32 v28, v43;
	v60 =	vmul.f32 v45, v14  }
0xdb: {  	v43 =	vmul.f32 v41, v2;
	v46 =	vmul.f32 v41, v6;
	v26 =	vadd.f32 v27, v26  }
0xdc: {  	v31 =	vmul.f32 v41, v14;
	v27 =	vmul.f32 v52, v9;
	[tilespmem:s20+$0xFFFFFFB0] =	vst v25;
	v25 =	vadd.f32 v50, v49  }
0xdd: {  	v52 =	vmul.f32 v44, v5;
	v44 =	vbroadcast v18, $0x6;
	v26 =	vadd.f32 v62, v26  }
0xde: {  	v21 =	vmin.f32 v21, v28;
	v27 =	vadd.f32 v63, v27;
	v25 =	vadd.f32 v25, v54  }
0xdf: {  	v62 =	vmul.f32 v48, v11;
	v63 =	vadd.f32 v51, v8;
	v48 =	vbroadcast v17, $0x6  }
0xe0: {  	v47 =	vmul.f32 v44, v3;
	v27 =	vadd.f32 v39, v27;
	v26 =	vadd.f32 v26, v40  }
0xe1: {  	v49 =	vmul.f32 v44, v7;
	v39 =	vadd.f32 v51, v16;
	v51 =	vadd.f32 v48, v4  }
0xe2: {  	v40 =	vbroadcast v20, $0x6;
	v54 =	vadd.f32 v48, v8;
	v57 =	vadd.f32 v48, v12  }
0xe3: {  	v24 =	vmin.f32 v24, v25;
	v58 =	vadd.f32 v48, v16;
	v27 =	vadd.f32 v27, v42  }
0xe4: {  	v23 =	vmin.f32 v23, v26;
	v26 =	vmin.f32 v29, v26;
	v42 =	vmul.f32 v40, v1  }
0xe5: {  	v29 =	vadd.f32 v60, v59;
	v45 =	vmul.f32 v40, v5;
	v30 =	vmul.f32 v40, v13  }
0xe6: {  	v56 =	vld [tilespmem:s20+$0xFFFFFFC0];
	v59 =	vbroadcast v20, $0x7;
	v60 =	vbroadcast v19, $0x7;
	v22 =	vmin.f32 v22, v27  }
0xe7: {  	v27 =	vmin.f32 v27, v28;
	v28 =	vadd.f32 v53, v52;
	v29 =	vadd.f32 v37, v29  }
0xe8: {  	v32 =	vadd.f32 v43, v42;
	v52 =	vmul.f32 v40, v9;
	v53 =	vmul.f32 v41, v10  }
0xe9: {  	v30 =	vadd.f32 v31, v30;
	v42 =	vbroadcast v17, $0x7;
	v26 =	vmin.f32 v26, v27  }
0xea: {  	v27 =	vadd.f32 v62, v61;
	v61 =	vmul.f32 v59, v1;
	v62 =	vmul.f32 v60, v2  }
0xeb: {  	v28 =	vadd.f32 v55, v28;
	v26 =	vmin.f32 v56, v26;
	v29 =	vadd.f32 v29, v39  }
0xec: {  	v50 =	vadd.f32 v47, v32;
	v55 =	vmul.f32 v44, v11;
	v56 =	vmul.f32 v44, v15  }
0xed: {  	v44 =	vadd.f32 v42, v4;
	v47 =	vmul.f32 v59, v13;
	v27 =	vadd.f32 v27, v38  }
0xee: {  	v40 =	vadd.f32 v62, v61;
	v28 =	vadd.f32 v28, v63;
	v21 =	vmin.f32 v21, v29  }
0xef: {  	v30 =	vadd.f32 v56, v30;
	v63 =	vbroadcast v18, $0x7;
	v22 =	vmin.f32 v22, v27  }
0xf0: {  	[tilespmem:s20+$0xFFFFFFC0] =	vst v26;
	v26 =	vmin.f32 v27, v29;
	v27 =	vadd.f32 v46, v45;
	v29 =	vadd.f32 v50, v51  }
0xf1: {  	v46 =	vmul.f32 v60, v10;
	v51 =	vadd.f32 v42, v12;
	v23 =	vmin.f32 v23, v28  }
0xf2: {  	v25 =	vmin.f32 v25, v28;
	v28 =	vadd.f32 v53, v52;
	v41 =	vmul.f32 v63, v3  }
0xf3: {  	v30 =	vadd.f32 v30, v58;
	v45 =	vmul.f32 v63, v7;
	v48 =	vmul.f32 v63, v11  }
0xf4: {  	v53 =	vbroadcast v20, $0x8;
	v25 =	vmin.f32 v25, v26;
	v26 =	vld [tilespmem:s20+$0xFFFFFFD0];
	v27 =	vadd.f32 v49, v27  }
0xf5: {  	v50 =	vmul.f32 v63, v15;
	v52 =	vadd.f32 v42, v16;
	v24 =	vmin.f32 v24, v29  }
0xf6: {  	v49 =	vadd.f32 v42, v8;
	v61 =	vmul.f32 v53, v5;
	v27 =	vadd.f32 v27, v54  }
0xf7: {  	v21 =	vmin.f32 v21, v30;
	v42 =	vmul.f32 v53, v9;
	v54 =	vbroadcast v19, $0x8  }
0xf8: {  	v23 =	vmin.f32 v23, v27;
	v27 =	vmin.f32 v29, v27;
	v29 =	vadd.f32 v41, v40  }
0xf9: {  	v56 =	vmul.f32 v54, v2;
	v62 =	vmul.f32 v54, v6;
	v25 =	vmin.f32 v26, v25  }
0xfa: {  	v26 =	vadd.f32 v55, v28;
	v28 =	vmul.f32 v60, v14;
	v55 =	vmul.f32 v53, v1  }
0xfb: {  	v29 =	vadd.f32 v29, v44;
	v44 =	vmul.f32 v53, v13;
	v53 =	vbroadcast v19, $0x9  }
0xfc: {  	v26 =	vadd.f32 v26, v57;
	v28 =	vadd.f32 v28, v47;
	v57 =	vbroadcast v18, $0x8  }
0xfd: {  	v43 =	vld [tilespmem:s20+$0xFFFFFFE0];
	v58 =	vadd.f32 v56, v55;
	v56 =	vbroadcast v18, $0x9;
	v55 =	vmul.f32 v53, v2  }
0xfe: {  	v38 =	vmul.f32 v53, v10;
	v31 =	vmul.f32 v53, v14;
	v22 =	vmin.f32 v22, v26  }
0xff: {  	v26 =	vmin.f32 v26, v30;
	v28 =	vadd.f32 v50, v28;
	v40 =	vmul.f32 v57, v7  }
0x100: {  	[tilespmem:s20+$0xFFFFFFD0] =	vst v25;
	v47 =	vmul.f32 v57, v11;
	v25 =	vmin.f32 v27, v26;
	v26 =	vmul.f32 v59, v5  }
0x101: {  	v24 =	vmin.f32 v24, v29;
	v27 =	vmul.f32 v60, v6;
	v60 =	vbroadcast v17, $0x8  }
0x102: {  	v25 =	vmin.f32 v43, v25;
	v28 =	vadd.f32 v28, v52;
	v43 =	vmul.f32 v54, v10  }
0x103: {  	v52 =	vbroadcast v20, $0x9;
	v26 =	vadd.f32 v27, v26;
	v27 =	vmul.f32 v59, v9  }
0x104: {  	v59 =	vmul.f32 v57, v3;
	v63 =	vadd.f32 v60, v4;
	v50 =	vadd.f32 v60, v12  }
0x105: {  	v21 =	vmin.f32 v21, v28;
	v37 =	vmul.f32 v52, v9;
	v26 =	vadd.f32 v45, v26  }
0x106: {  	[tilespmem:s20+$0xFFFFFFE0] =	vst v25;
	v30 =	vmul.f32 v52, v13;
	v27 =	vadd.f32 v46, v27;
	v25 =	vadd.f32 v59, v58  }
0x107: {  	v45 =	vmul.f32 v54, v14;
	v46 =	vadd.f32 v43, v42;
	v54 =	vmul.f32 v52, v1  }
0x108: {  	v58 =	vmul.f32 v53, v6;
	v30 =	vadd.f32 v31, v30;
	v27 =	vadd.f32 v48, v27  }
0x109: {  	v59 =	vmul.f32 v56, v3;
	v26 =	vadd.f32 v26, v49;
	v25 =	vadd.f32 v25, v63  }
0x10a: {  	v48 =	vadd.f32 v60, v8;
	v49 =	vmul.f32 v57, v15;
	v57 =	vmul.f32 v52, v5  }
0x10b: {  	v32 =	vadd.f32 v55, v54;
	v27 =	vadd.f32 v27, v51;
	v23 =	vmin.f32 v23, v26  }
0x10c: {  	v26 =	vmin.f32 v29, v26;
	v29 =	vadd.f32 v45, v44;
	v51 =	vadd.f32 v60, v16  }
0x10d: {  	v24 =	vmin.f32 v24, v25;
	v60 =	vbroadcast v17, $0x9;
	v44 =	vbroadcast v20, $0xA  }
0x10e: {  	v41 =	vld [tilespmem:s20+$0xFFFFFFF0];
	v22 =	vmin.f32 v22, v27;
	v27 =	vmin.f32 v27, v28;
	v28 =	vadd.f32 v62, v61  }
0x10f: {  	v45 =	vbroadcast v19, $0xA;
	v29 =	vadd.f32 v49, v29;
	v62 =	vadd.f32 v59, v32  }
0x110: {  	v61 =	vmul.f32 v56, v7;
	v63 =	vadd.f32 v60, v4;
	v39 =	vadd.f32 v60, v8  }
0x111: {  	v42 =	vadd.f32 v60, v12;
	v43 =	vadd.f32 v60, v16;
	v55 =	vmul.f32 v45, v10  }
0x112: {  	v26 =	vmin.f32 v26, v27;
	v27 =	vadd.f32 v47, v46;
	v46 =	vmul.f32 v44, v1  }
0x113: {  	v47 =	vmul.f32 v45, v2;
	v28 =	vadd.f32 v40, v28;
	v26 =	vmin.f32 v41, v26  }
0x114: {  	v29 =	vadd.f32 v29, v51;
	v40 =	vmul.f32 v56, v11;
	v41 =	vmul.f32 v56, v15  }
0x115: {  	v51 =	vbroadcast v17, $0xA;
	v56 =	vmul.f32 v44, v13;
	v27 =	vadd.f32 v27, v50  }
0x116: {  	v49 =	vadd.f32 v47, v46;
	v46 =	vbroadcast v19, $0xC;
	v28 =	vadd.f32 v28, v48  }
0x117: {  	v21 =	vmin.f32 v21, v29;
	v30 =	vadd.f32 v41, v30;
	v48 =	vbroadcast v18, $0xA  }
0x118: {  	v53 =	vadd.f32 v51, v4;
	v60 =	vadd.f32 v51, v12;
	v22 =	vmin.f32 v22, v27  }
0x119: {  	[tilespmem:s20+$0xFFFFFFF0] =	vst v26;
	v26 =	vmin.f32 v27, v29;
	v27 =	vadd.f32 v58, v57;
	v29 =	vadd.f32 v62, v63  }
0x11a: {  	v58 =	vadd.f32 v51, v8;
	v62 =	vbroadcast v20, $0xB;
	v47 =	vmul.f32 v46, v2  }
0x11b: {  	v23 =	vmin.f32 v23, v28;
	v25 =	vmin.f32 v25, v28;
	v28 =	vadd.f32 v38, v37  }
0x11c: {  	v50 =	vmul.f32 v48, v3;
	v54 =	vmul.f32 v48, v7;
	v25 =	vmin.f32 v25, v26;
	v26 =	vld [tilespmem:s20+$0x0]  }
0x11d: {  	v57 =	vmul.f32 v48, v11;
	v59 =	vmul.f32 v48, v15;
	v27 =	vadd.f32 v61, v27  }
0x11e: {  	v30 =	vadd.f32 v30, v43;
	v37 =	vbroadcast v18, $0xB;
	v48 =	vbroadcast v18, $0xC  }
0x11f: {  	v24 =	vmin.f32 v24, v29;
	v61 =	vadd.f32 v51, v16;
	v27 =	vadd.f32 v27, v39  }
0x120: {  	v63 =	vmul.f32 v62, v1;
	v21 =	vmin.f32 v21, v30;
	v39 =	vbroadcast v17, $0xB  }
0x121: {  	v23 =	vmin.f32 v23, v27;
	v25 =	vmin.f32 v26, v25;
	v26 =	vadd.f32 v40, v28  }
0x122: {  	v27 =	vmin.f32 v29, v27;
	v29 =	vadd.f32 v50, v49;
	v41 =	vadd.f32 v39, v4  }
0x123: {  	v38 =	vmul.f32 v37, v3;
	v43 =	vadd.f32 v39, v8;
	v26 =	vadd.f32 v26, v42  }
0x124: {  	v32 =	vadd.f32 v39, v16;
	v49 =	vbroadcast v17, $0xC;
	v28 =	vmul.f32 v45, v14  }
0x125: {  	v52 =	vld [tilespmem:s20+$0x10];
	v29 =	vadd.f32 v29, v53;
	v22 =	vmin.f32 v22, v26;
	v26 =	vmin.f32 v26, v30  }
0x126: {  	[tilespmem:s20+$0x0] =	vst v25;
	v25 =	vmin.f32 v27, v26;
	v26 =	vmul.f32 v44, v5;
	v27 =	vmul.f32 v45, v6  }
0x127: {  	v50 =	vmul.f32 v48, v7;
	v28 =	vadd.f32 v28, v56;
	v56 =	vmul.f32 v48, v15  }
0x128: {  	v33 =	vmin.f32 v24, v29;
	v26 =	vadd.f32 v27, v26;
	v27 =	vmul.f32 v44, v9  }
0x129: {  	v28 =	vadd.f32 v59, v28;
	v59 =	vbroadcast v19, $0xD;
	v45 =	vbroadcast v20, $0xC  }
0x12a: {  	v25 =	vmin.f32 v52, v25;
	v26 =	vadd.f32 v54, v26;
	v27 =	vadd.f32 v55, v27  }
0x12b: {  	v52 =	vadd.f32 v49, v4;
	v44 =	vmul.f32 v37, v11;
	v53 =	vmul.f32 v45, v9  }
0x12c: {  	v27 =	vadd.f32 v57, v27;
	v24 =	vadd.f32 v26, v58;
	v26 =	vbroadcast v19, $0xB  }
0x12d: {  	v55 =	vmul.f32 v48, v11;
	v57 =	vbroadcast v20, $0xD;
	v58 =	vadd.f32 v49, v12  }
0x12e: {  	[tilespmem:s20+$0x10] =	vst v25;
	v25 =	vadd.f32 v27, v60;
	v27 =	vadd.f32 v28, v61;
	v36 =	vmul.f32 v26, v2  }
0x12f: {  	v30 =	vmin.f32 v23, v24;
	v40 =	vmul.f32 v26, v6;
	v42 =	vmul.f32 v26, v10  }
0x130: {  	v23 =	vld [tilespmem:s20+$0x20];
	v24 =	vmin.f32 v29, v24;
	v26 =	vmul.f32 v26, v14;
	v29 =	vmul.f32 v46, v14  }
0x131: {  	v61 =	vmul.f32 v57, v1;
	v22 =	vmin.f32 v22, v25;
	v21 =	vmin.f32 v21, v27  }
0x132: {  	v28 =	vadd.f32 v36, v63;
	v25 =	vmin.f32 v25, v27;
	v27 =	vmul.f32 v62, v5  }
0x133: {  	v60 =	vadd.f32 v49, v16;
	v63 =	vbroadcast v18, $0xD;
	v36 =	vbroadcast v18, $0xE  }
0x134: {  	v18 =	vbroadcast v18, $0xF;
	v24 =	vmin.f32 v24, v25;
	v25 =	vadd.f32 v38, v28  }
0x135: {  	v38 =	vmul.f32 v46, v6;
	v24 =	vmin.f32 v23, v24;
	v23 =	vadd.f32 v40, v27  }
0x136: {  	v27 =	vmul.f32 v37, v7;
	v40 =	vmul.f32 v46, v10;
	v28 =	vadd.f32 v25, v41  }
0x137: {  	v25 =	vmul.f32 v62, v9;
	[tilespmem:s20+$0x20] =	vst v24;
	v24 =	vadd.f32 v49, v8;
	v49 =	vmul.f32 v63, v3  }
0x138: {  	v23 =	vadd.f32 v27, v23;
	v27 =	vmul.f32 v62, v13;
	v54 =	vadd.f32 v40, v53  }
0x139: {  	v62 =	vmul.f32 v59, v2;
	v53 =	vmul.f32 v63, v7;
	v25 =	vadd.f32 v42, v25  }
0x13a: {  	v42 =	vmul.f32 v57, v5;
	v26 =	vadd.f32 v26, v27;
	v27 =	vmul.f32 v37, v15  }
0x13b: {  	v31 =	vadd.f32 v23, v43;
	v34 =	vadd.f32 v55, v54;
	v43 =	vmul.f32 v59, v6  }
0x13c: {  	v54 =	vmul.f32 v57, v9;
	v55 =	vmul.f32 v57, v13;
	v23 =	vadd.f32 v44, v25  }
0x13d: {  	v25 =	vadd.f32 v39, v12;
	v26 =	vadd.f32 v27, v26;
	v27 =	vmul.f32 v45, v1  }
0x13e: {  	v51 =	vmin.f32 v28, v31;
	v34 =	vadd.f32 v34, v58;
	v42 =	vadd.f32 v43, v42  }
0x13f: {  	v58 =	vmul.f32 v63, v11;
	v28 =	vmin.f32 v33, v28;
	v30 =	vmin.f32 v30, v31  }
0x140: {  	v37 =	vadd.f32 v23, v25;
	v25 =	vmul.f32 v45, v5;
	v23 =	vadd.f32 v26, v32  }
0x141: {  	v41 =	vld [tilespmem:s20+$0x30];
	v26 =	vadd.f32 v47, v27;
	v27 =	vmul.f32 v48, v3;
	v32 =	vadd.f32 v62, v61  }
0x142: {  	v25 =	vadd.f32 v38, v25;
	v22 =	vmin.f32 v22, v37;
	v39 =	vmin.f32 v37, v23  }
0x143: {  	v26 =	vadd.f32 v27, v26;
	v21 =	vmin.f32 v21, v23;
	v27 =	vmin.f32 v51, v39  }
0x144: {  	v35 =	vadd.f32 v50, v25;
	v50 =	vbroadcast v17, $0xD;
	v39 =	vbroadcast v20, $0xE  }
0x145: {  	v20 =	vbroadcast v20, $0xF;
	v25 =	vadd.f32 v26, v52;
	v26 =	vmul.f32 v45, v13  }
0x146: {  	v27 =	vmin.f32 v41, v27;
	v45 =	vmul.f32 v59, v10;
	v24 =	vadd.f32 v35, v24  }
0x147: {  	v41 =	vbroadcast v19, $0xE;
	[tilespmem:s20+$0x30] =	vst v27;
	v27 =	vadd.f32 v49, v32;
	v52 =	vadd.f32 v50, v4  }
0x148: {  	v19 =	vbroadcast v19, $0xF;
	v35 =	vadd.f32 v53, v42;
	v61 =	vadd.f32 v50, v12  }
0x149: {  	v62 =	vadd.f32 v50, v16;
	v53 =	vmul.f32 v39, v5;
	v26 =	vadd.f32 v29, v26  }
0x14a: {  	v57 =	vadd.f32 v45, v54;
	v54 =	vmul.f32 v41, v6;
	v46 =	vmul.f32 v41, v10  }
0x14b: {  	v23 =	vmin.f32 v28, v25;
	v48 =	vmin.f32 v25, v24;
	v27 =	vadd.f32 v27, v52  }
0x14c: {  	v52 =	vmul.f32 v36, v3;
	v24 =	vmin.f32 v30, v24;
	v26 =	vadd.f32 v56, v26  }
0x14d: {  	v56 =	vmul.f32 v59, v14;
	v59 =	vadd.f32 v50, v8;
	v38 =	vadd.f32 v58, v57  }
0x14e: {  	v33 =	vadd.f32 v54, v53;
	v57 =	vmul.f32 v36, v7;
	v53 =	vmul.f32 v18, v3  }
0x14f: {  	v54 =	vmul.f32 v18, v7;
	v26 =	vadd.f32 v26, v60;
	v32 =	vadd.f32 v56, v55  }
0x150: {  	v60 =	vmul.f32 v63, v15;
	v35 =	vadd.f32 v35, v59;
	v63 =	vmul.f32 v39, v1  }
0x151: {  	v44 =	vld [tilespmem:s20+$0x40];
	v38 =	vadd.f32 v38, v61;
	v56 =	vbroadcast v17, $0xE;
	v59 =	vmul.f32 v39, v9  }
0x152: {  	v33 =	vadd.f32 v57, v33;
	v39 =	vmul.f32 v39, v13;
	v17 =	vbroadcast v17, $0xF  }
0x153: {  	v51 =	vmin.f32 v34, v26;
	v32 =	vadd.f32 v60, v32;
	v58 =	vadd.f32 v56, v4  }
0x154: {  	v49 =	vmin.f32 v27, v35;
	v60 =	vadd.f32 v56, v8;
	v61 =	vadd.f32 v46, v59  }
0x155: {  	v40 =	vadd.f32 v56, v16;
	v59 =	vmul.f32 v19, v10;
	v29 =	vmin.f32 v48, v51  }
0x156: {  	v48 =	vmul.f32 v41, v2;
	v41 =	vmul.f32 v41, v14;
	v29 =	vmin.f32 v44, v29  }
0x157: {  	v32 =	vadd.f32 v32, v62;
	v62 =	vmul.f32 v36, v11;
	v33 =	vadd.f32 v33, v60  }
0x158: {  	v51 =	vld [tilespmem:s20+$0x50];
	v36 =	vmul.f32 v36, v15;
	[tilespmem:s20+$0x40] =	vst v29;
	v29 =	vadd.f32 v48, v63;
	v39 =	vadd.f32 v41, v39  }
0x159: {  	v48 =	vmul.f32 v20, v1;
	v50 =	vmin.f32 v38, v32;
	v63 =	vadd.f32 v62, v61  }
0x15a: {  	v61 =	vmul.f32 v18, v11;
	v62 =	vadd.f32 v17, v4;
	v55 =	vmin.f32 v49, v50  }
0x15b: {  	v29 =	vadd.f32 v52, v29;
	v49 =	vadd.f32 v56, v12;
	v50 =	vmul.f32 v19, v2  }
0x15c: {  	v36 =	vadd.f32 v36, v39;
	v52 =	vmul.f32 v19, v6;
	v19 =	vmul.f32 v19, v14  }
0x15d: {  	v31 =	vmin.f32 v51, v55;
	v51 =	vmul.f32 v20, v5;
	v29 =	vadd.f32 v29, v58  }
0x15e: {  	v57 =	vld [tilespmem:s20+$0x60];
	v41 =	vadd.f32 v50, v48;
	v42 =	vadd.f32 v63, v49;
	v58 =	vmul.f32 v20, v9  }
0x15f: {  	v55 =	vadd.f32 v36, v40;
	v20 =	vmul.f32 v20, v13;
	v39 =	vadd.f32 v52, v51  }
0x160: {  	v18 =	vmul.f32 v18, v15;
	v56 =	vadd.f32 v53, v41;
	v40 =	vadd.f32 v59, v58  }
0x161: {  	v60 =	vmin.f32 v29, v33;
	v19 =	vadd.f32 v19, v20;
	v20 =	vmin.f32 v42, v55  }
0x162: {  	v39 =	vadd.f32 v54, v39;
	v20 =	vmin.f32 v60, v20;
	v40 =	vadd.f32 v61, v40  }
0x163: {  	v20 =	vmin.f32 v57, v20;
	v18 =	vadd.f32 v18, v19;
	v19 =	vadd.f32 v17, v8  }
0x164: {  	v21 =	vmin.f32 v21, v26;
	[tilespmem:s20+$0x60] =	vst v20;
	v20 =	vadd.f32 v17, v12;
	v17 =	vadd.f32 v17, v16  }
0x165: {  	v21 =	vmin.f32 v21, v32;
	v63 =	vld [tilespmem:s20+$0x70];
	v25 =	vadd.f32 v56, v62;
	v19 =	vadd.f32 v39, v19  }
0x166: {  	p0 =	sne.s32 s21, $0x1FC0;
	v21 =	vmin.f32 v21, v55;
	v20 =	vadd.f32 v40, v20;
	v17 =	vadd.f32 v18, v17  }
.Ltmp3:
0x167: {  	v18 =	vmin.f32 v22, v34;
	v22 =	vmin.f32 v23, v27;
	v23 =	vmin.f32 v24, v35;
	(pc) =	sbr.rel @p0 .LBB2_9-.Ltmp3, $4  }
0x168: {  	v24 =	vmin.f32 v25, v19;
	v18 =	vmin.f32 v18, v38;
	v26 =	vmin.f32 v20, v17  }
0x169: {  	v22 =	vmin.f32 v22, v29;
	v23 =	vmin.f32 v23, v33;
	v24 =	vmin.f32 v24, v26  }
0x16a: {  	[tilespmem:s20+$0x50] =	vst v31;
	v18 =	vmin.f32 v18, v42;
	v23 =	vmin.f32 v23, v19;
	v26 =	vmin.f32 v63, v24  }
0x16b: {  	s21 =	sadd.s32 $0x40, s21;
	v21 =	vmin.f32 v21, v17;
	v24 =	vmin.f32 v22, v25;
	v22 =	vmin.f32 v18, v20;
	[tilespmem:s20+$0x70] =	vst v26;
	s20 =	sadd.s32 $0x100, s20  }
0x16c: {  	s31 =	sadd.s32 $0x1, s31  }
0x16d: {  	p0 =	sne.s32 s31, $0x8  }
.Ltmp4:
0x16e: {  	v1 =	vmax.f32 v24, $0.0e+00;
	(pc) =	sbr.rel @p0 .LBB2_8-.Ltmp4, $4  }
0x16f: {  	[tilespmem:s0+$0x9E00] =	vst v1;
	v1 =	vmax.f32 v23, $0.0e+00  }
0x170: {  	[tilespmem:s19+$0x9E00] =	vst v1;
	v1 =	vmax.f32 v22, $0.0e+00  }
0x171: {  	[tilespmem:s1+$0x9E00] =	vst v1;
	v1 =	vmax.f32 v21, $0.0e+00  }
0x172: {  	[tilespmem:s18+$0x9E00] =	vst v1  }
0x173: {  	s1 =	simm.s32 $0x1E80  }
0x174: {  	v2 =	vld [tilespmem:s1+$0xFFFFFF80]  }
0x175: {  	s0 =	simm.s32 $0x0;
	s18 =	simm.s32 $0x40;
	v1 =	vld [tilespmem:s1+$0xFFFFFF90]  }
.LBB2_12:
0x176: {  	p0 =	sne.s32 s18, $0x1FC0;
	v3 =	vld [tilespmem:s1+$0xFFFFFFA0]  }
0x177: {  	v4 =	vld [tilespmem:s1+$0xFFFFFFB0]  }
0x178: {  	v5 =	vld [tilespmem:s1+$0xFFFFFFC0]  }
0x179: {  	v6 =	vld [tilespmem:s1+$0xFFFFFFD0];
	(xrf0) =	vmin.scan.msk.f32 $0xffff, v2  }
0x17a: {  	v2 =	vld [tilespmem:s1+$0xFFFFFFE0];
	(xrf0) =	vmin.scan.msk.f32 $0xffff, v1  }
0x17b: {  	v1 =	vld [tilespmem:s1+$0xFFFFFFF0];
	(xrf0) =	vmin.scan.msk.f32 $0xffff, v3  }
0x17c: {  	v3 =	vld [tilespmem:s1+$0x0];
	(xrf0) =	vmin.scan.msk.f32 $0xffff, v4  }
0x17d: {  	v4 =	vld [tilespmem:s1+$0x10];
	(xrf0) =	vmin.scan.msk.f32 $0xffff, v5  }
0x17e: {  	v5 =	vld [tilespmem:s1+$0x20];
	(xrf0) =	vmin.scan.msk.f32 $0xffff, v6  }
0x17f: {  	v6 =	vld [tilespmem:s1+$0x30];
	v7, _, _ =	vpop (xrf0);
	(xrf0) =	vmin.scan.msk.f32 $0xffff, v2  }
0x180: {  	v2 =	vld [tilespmem:s1+$0x40];
	v8, _, _ =	vpop (xrf0);
	(xrf0) =	vmin.scan.msk.f32 $0xffff, v1  }
0x181: {  	v1 =	vbroadcast v7, $0xF;
	v11 =	vbroadcast v8, $0xF;
	v8 =	vld [tilespmem:s1+$0x50];
	v9, _, _ =	vpop (xrf0);
	(xrf0) =	vmin.scan.msk.f32 $0xffff, v3  }
0x182: {  	v3 =	vbroadcast v9, $0xF;
	v9 =	vld [tilespmem:s1+$0x60];
	v10, _, _ =	vpop (xrf0);
	(xrf0) =	vmin.scan.msk.f32 $0xffff, v4  }
0x183: {  	v1 =	vsel vm0, v1, v11;
	v4 =	vbroadcast v10, $0xF;
	v7, _, _ =	vpop (xrf0);
	(xrf0) =	vmin.scan.msk.f32 $0xffff, v5  }
0x184: {  	v1 =	vsel vm1, v1, v3;
	v7 =	vbroadcast v7, $0xF;
	v5, _, _ =	vpop (xrf0);
	(xrf0) =	vmin.scan.msk.f32 $0xffff, v6  }
0x185: {  	v1 =	vsel vm2, v1, v4;
	v10 =	vbroadcast v5, $0xF;
	v5 =	vld [tilespmem:s1+$0x70];
	v6, _, _ =	vpop (xrf0);
	(xrf0) =	vmin.scan.msk.f32 $0xffff, v2  }
0x186: {  	v1 =	vsel vm3, v1, v7;
	v2 =	vbroadcast v6, $0xF;
	v3, _, _ =	vpop (xrf0);
	(xrf0) =	vmin.scan.msk.f32 $0xffff, v8  }
0x187: {  	v1 =	vsel vm4, v1, v10;
	v3 =	vbroadcast v3, $0xF;
	v4, _, _ =	vpop (xrf0);
	(xrf0) =	vmin.scan.msk.f32 $0xffff, v9  }
0x188: {  	v1 =	vsel vm5, v1, v2;
	v2 =	vbroadcast v4, $0xF;
	v4, _, _ =	vpop (xrf0)  }
0x189: {  	v1 =	vsel vm6, v1, v3;
	v3 =	vbroadcast v4, $0xF;
	v4, _, _ =	vpop (xrf0)  }
0x18a: {  	v1 =	vsel vm7, v1, v2;
	v2 =	vbroadcast v4, $0xF;
	v4, _, _ =	vpop (xrf0);
	(xrf0) =	vmin.scan.msk.f32 $0xffff, v5  }
0x18b: {  	v1 =	vsel vm8, v1, v3;
	v3 =	vbroadcast v4, $0xF;
	v4, _, _ =	vpop (xrf0)  }
0x18c: {  	v1 =	vsel vm9, v1, v2;
	v2 =	vbroadcast v4, $0xF;
	v4, _, _ =	vpop (xrf0)  }
0x18d: {  	v1 =	vsel vm10, v1, v3;
	v3 =	vbroadcast v4, $0xF;
	v4, _, _ =	vpop (xrf0)  }
0x18e: {  	v1 =	vsel vm11, v1, v2;
	v4 =	vbroadcast v4, $0xF  }
0x18f: {  	v1 =	vsel vm12, v1, v3  }
0x190: {  	v1 =	vsel vm13, v1, v4;
	v2, _, _ =	vpop (xrf0)  }
.Ltmp5:
0x191: {  	v1 =	vsel vm14, v1, v2;
	(pc) =	sbr.rel @p0 .LBB2_12-.Ltmp5, $4  }
0x192: {  	s19 =	sshra.s32 s0, $0x2;
	s0 =	smov.u32 s18;
	v1 =	vmax.f32 v1, $0.0e+00  }
0x193: {  	s1 =	sadd.s32 $0x100, s1;
	[tilespmem:s19+$0xA000] =	vst v1  }
0x194: {  	v2 =	vld [tilespmem:s1+$0xFFFFFF80]  }
0x195: {  	s18 =	sadd.s32 $0x40, s18;
	v1 =	vld [tilespmem:s1+$0xFFFFFF90]  }
0x196: {  	v3 =	vld [tilespmem:s1+$0xFFFFFFA0]  }
0x197: {  	v4 =	vld [tilespmem:s1+$0xFFFFFFB0]  }
0x198: {  	v5 =	vld [tilespmem:s1+$0xFFFFFFC0]  }
0x199: {  	(xrf0) =	vmin.scan.msk.f32 $0xffff, v2  }
0x19a: {  	v6 =	vld [tilespmem:s1+$0xFFFFFFD0];
	(xrf0) =	vmin.scan.msk.f32 $0xffff, v1  }
0x19b: {  	v2 =	vld [tilespmem:s1+$0xFFFFFFE0];
	(xrf0) =	vmin.scan.msk.f32 $0xffff, v3  }
0x19c: {  	v1 =	vld [tilespmem:s1+$0xFFFFFFF0];
	(xrf0) =	vmin.scan.msk.f32 $0xffff, v4  }
0x19d: {  	v3 =	vld [tilespmem:s1+$0x0];
	(xrf0) =	vmin.scan.msk.f32 $0xffff, v5;
	_ =	sdelay $0x1  }
0x19e: {  	v45 =	vld [tilespmem:s1+$0x10];
	(xrf0) =	vmin.scan.msk.f32 $0xffff, v6;
	v7, _, _ =	vpop (xrf0)  }
0x19f: {  	v46 =	vld [tilespmem:s1+$0x20];
	(xrf0) =	vmin.scan.msk.f32 $0xffff, v2;
	v8, _, _ =	vpop (xrf0)  }
0x1a0: {  	v47 =	vld [tilespmem:s1+$0x30];
	(xrf0) =	vmin.scan.msk.f32 $0xffff, v1;
	v1 =	vbroadcast v7, $0xF;
	v48 =	vbroadcast v8, $0xF;
	v9, _, _ =	vpop (xrf0)  }
0x1a1: {  	v2 =	vld [tilespmem:s1+$0x40];
	(xrf0) =	vmin.scan.msk.f32 $0xffff, v3;
	v3 =	vbroadcast v9, $0xF;
	v10, _, _ =	vpop (xrf0)  }
0x1a2: {  	v49 =	vld [tilespmem:s1+$0x50];
	v1 =	vsel vm0, v1, v48;
	v52, _, _ =	vpop (xrf0)  }
0x1a3: {  	v50 =	vld [tilespmem:s1+$0x60];
	(xrf0) =	vmin.scan.msk.f32 $0xffff, v45;
	v1 =	vsel vm1, v1, v3;
	v3 =	vbroadcast v52, $0xF  }
0x1a4: {  	v51 =	vbroadcast v10, $0xF;
	(xrf0) =	vmin.scan.msk.f32 $0xffff, v46  }
0x1a5: {  	v53, _, _ =	vpop (xrf0);
	(xrf0) =	vmin.scan.msk.f32 $0xffff, v47  }
0x1a6: {  	v1 =	vsel vm2, v1, v51;
	v54 =	vbroadcast v53, $0xF;
	v56, _, _ =	vpop (xrf0);
	(xrf0) =	vmin.scan.msk.f32 $0xffff, v2  }
0x1a7: {  	v1 =	vsel vm3, v1, v3;
	v2 =	vbroadcast v56, $0xF;
	v3, _, _ =	vpop (xrf0);
	(xrf0) =	vmin.scan.msk.f32 $0xffff, v49  }
0x1a8: {  	v55 =	vld [tilespmem:s1+$0x70];
	v1 =	vsel vm4, v1, v54;
	v3 =	vbroadcast v3, $0xF;
	v57, _, _ =	vpop (xrf0);
	(xrf0) =	vmin.scan.msk.f32 $0xffff, v50  }
0x1a9: {  	v1 =	vsel vm5, v1, v2;
	v2 =	vbroadcast v57, $0xF;
	v58, _, _ =	vpop (xrf0)  }
0x1aa: {  	v1 =	vsel vm6, v1, v3;
	v3 =	vbroadcast v58, $0xF;
	v59, _, _ =	vpop (xrf0)  }
0x1ab: {  	v1 =	vsel vm7, v1, v2;
	v2 =	vbroadcast v59, $0xF;
	v60, _, _ =	vpop (xrf0)  }
0x1ac: {  	v1 =	vsel vm8, v1, v3;
	v3 =	vbroadcast v60, $0xF;
	v61, _, _ =	vpop (xrf0)  }
0x1ad: {  	(xrf0) =	vmin.scan.msk.f32 $0xffff, v55;
	v1 =	vsel vm9, v1, v2;
	v2 =	vbroadcast v61, $0xF;
	v62, _, _ =	vpop (xrf0)  }
0x1ae: {  	v1 =	vsel vm10, v1, v3;
	v63, _, _ =	vpop (xrf0)  }
0x1af: {  	v1 =	vsel vm11, v1, v2;
	v2 =	vbroadcast v63, $0xF  }
0x1b0: {  	v3 =	vbroadcast v62, $0xF;
	_ =	sdelay $0x1  }
0x1b1: {  	v1 =	vsel vm12, v1, v3  }
0x1b2: {  	v1 =	vsel vm13, v1, v2;
	v2, _, _ =	vpop (xrf0)  }
0x1b3: {  	v1 =	vsel vm14, v1, v2  }
0x1b4: {  	s0 =	sshra.s32 s0, $0x2;
	v1 =	vmax.f32 v1, $0.0e+00  }
0x1b5: {  	s31 =	simm.s32 $0x0;
	[tilespmem:s0+$0xA000] =	vst v1  }
0x1b6: {  	[hbm4b:s9+s31] =	stream.linear.scatter [tilespmem:s23], [sflag:$0x1], $0x200, $0x38;
	[tilespmem:$0xBE00] =	vst v63  }
0x1b7: {  	_ =	swait.ge [sflag:s17], $0x200  }
0x1b8: {  	[sflag:s17] =	ssyncset.done $0x0  }
0x1b9: {  	[sflag:s17] =	ssyncadd.s32 $0xFFFFFE00  }
0x1ba: {  	[spmem:s10] =	stream.strided.scatter [tilespmem:s26], [sflag:$0x1], $0x800, s25, s24, $0x38;
	[tilespmem:$0xBE00] =	vst v63  }
0x1bb: {  	_ =	swait.ge [sflag:s17], $0x800  }
0x1bc: {  	[sflag:s17] =	ssyncset.done $0x0  }
0x1bd: {  	[sflag:s17] =	ssyncadd.s32 $0xFFFFF800  }
0x1be: {  	[bflag:$0x0] =	sbarrier.arrive $0xFFFF  }
0x1bf: {  	[tilespmem:s28], [sflag:$0x1] =	stream.strided.gather [spmem:s11], $0x200, s25, s24, $0x38;
	[tilespmem:$0xBE00] =	vst v63  }
0x1c0: {  	_ =	swait.ge [sflag:s17], $0x200  }
0x1c1: {  	[sflag:s17] =	ssyncset.done $0x0  }
0x1c2: {  	[sflag:s17] =	ssyncadd.s32 $0xFFFFFE00  }
0x1c3: {  	[tilespmem:s29], [sflag:$0x1] =	stream.strided.gather [spmem:s12], $0x200, s25, s24, $0x38;
	[tilespmem:$0xBE00] =	vst v63  }
0x1c4: {  	_ =	swait.ge [sflag:s17], $0x200  }
0x1c5: {  	[sflag:s17] =	ssyncset.done $0x0  }
0x1c6: {  	s0 =	simm.s32 $0x0;
	[sflag:s17] =	ssyncadd.s32 $0xFFFFFE00  }
0x1c7: {  	s1 =	simm.s32 $0x40;
	v1 =	vld [tilespmem:s0+$0xA800]  }
.LBB2_14:
0x1c8: {  	p0 =	sne.s32 s1, $0x7C0;
	v2 =	vld [tilespmem:s0+$0xAA00];
	_ =	sdelay $0x1  }
.Ltmp6:
0x1c9: {  	(pc) =	sbr.rel @p0 .LBB2_14-.Ltmp6, $3  }
0x1ca: {  	_ =	sdelay $0x1  }
0x1cb: {  	s18 =	sshra.s32 s1, $0x2;
	v2 =	vmin.f32 v2, v1  }
0x1cc: {  	s1 =	sadd.s32 $0x40, s1;
	v1 =	vld [tilespmem:s18+$0xA800];
	[tilespmem:s0+$0xAA00] =	vst v2;
	s0 =	smov.u32 s18  }
0x1cd: {  	v2 =	vld [tilespmem:s0+$0xAA00];
	_ =	sdelay $0x4  }
0x1ce: {  	v1 =	vmin.f32 v2, v1  }
0x1cf: {  	[tilespmem:s0+$0xAA00] =	vst v1  }
0x1d0: {  	[tilespmem:s29], [sflag:$0x1] =	stream.strided.gather [spmem:s13], $0x200, s25, s24, $0x38;
	[tilespmem:$0xBE00] =	vst v63  }
0x1d1: {  	_ =	swait.ge [sflag:s17], $0x200  }
0x1d2: {  	[sflag:s17] =	ssyncset.done $0x0  }
0x1d3: {  	s0 =	simm.s32 $0x0;
	[sflag:s17] =	ssyncadd.s32 $0xFFFFFE00  }
0x1d4: {  	s1 =	simm.s32 $0x40;
	v1 =	vld [tilespmem:s0+$0xA800]  }
.LBB2_16:
0x1d5: {  	p0 =	sne.s32 s1, $0x7C0;
	v2 =	vld [tilespmem:s0+$0xAA00];
	_ =	sdelay $0x1  }
.Ltmp7:
0x1d6: {  	(pc) =	sbr.rel @p0 .LBB2_16-.Ltmp7, $3  }
0x1d7: {  	_ =	sdelay $0x1  }
0x1d8: {  	s18 =	sshra.s32 s1, $0x2;
	v2 =	vmin.f32 v2, v1  }
0x1d9: {  	s1 =	sadd.s32 $0x40, s1;
	v1 =	vld [tilespmem:s18+$0xA800];
	[tilespmem:s0+$0xAA00] =	vst v2;
	s0 =	smov.u32 s18  }
0x1da: {  	v2 =	vld [tilespmem:s0+$0xAA00];
	_ =	sdelay $0x4  }
0x1db: {  	v1 =	vmin.f32 v2, v1  }
0x1dc: {  	[tilespmem:s0+$0xAA00] =	vst v1  }
0x1dd: {  	[tilespmem:s29], [sflag:$0x1] =	stream.strided.gather [spmem:s14], $0x200, s25, s24, $0x38;
	[tilespmem:$0xBE00] =	vst v63  }
0x1de: {  	_ =	swait.ge [sflag:s17], $0x200  }
0x1df: {  	[sflag:s17] =	ssyncset.done $0x0  }
0x1e0: {  	s0 =	simm.s32 $0x0;
	[sflag:s17] =	ssyncadd.s32 $0xFFFFFE00  }
0x1e1: {  	s1 =	simm.s32 $0x40;
	v1 =	vld [tilespmem:s0+$0xA800]  }
.LBB2_18:
0x1e2: {  	p0 =	sne.s32 s1, $0x7C0;
	v2 =	vld [tilespmem:s0+$0xAA00];
	_ =	sdelay $0x1  }
.Ltmp8:
0x1e3: {  	(pc) =	sbr.rel @p0 .LBB2_18-.Ltmp8, $3  }
0x1e4: {  	_ =	sdelay $0x1  }
0x1e5: {  	s18 =	sshra.s32 s1, $0x2;
	v2 =	vmin.f32 v2, v1  }
0x1e6: {  	s1 =	sadd.s32 $0x40, s1;
	v1 =	vld [tilespmem:s18+$0xA800];
	[tilespmem:s0+$0xAA00] =	vst v2;
	s0 =	smov.u32 s18  }
0x1e7: {  	v2 =	vld [tilespmem:s0+$0xAA00];
	_ =	sdelay $0x3  }
0x1e8: {  	s30 =	sadd.s32 $0x1, s30  }
0x1e9: {  	p0 =	sne.s32 s30, s16;
	v1 =	vmin.f32 v2, v1  }
.Ltmp9:
0x1ea: {  	[tilespmem:s0+$0xAA00] =	vst v1;
	(pc) =	sbr.rel @p0 .LBB2_1-.Ltmp9, $4  }
0x1eb: {  	[hbm4b:s15+s2] =	stream.linear.scatter [tilespmem:s28], [sflag:$0x1], $0x200, $0x38;
	[tilespmem:$0xBE00] =	vst v63  }
0x1ec: {  	_ =	swait.ge [sflag:s17], $0x200  }
0x1ed: {  	[sflag:s17] =	ssyncset.done $0x0  }
0x1ee: {  	[sflag:s17] =	ssyncadd.s32 $0xFFFFFE00  }
0x1ef: {  	_ =	sfence.sel $0x180000  }
0x1f0: {  	[bflag:$0x0] =	sbarrier.arrive $0xFFFF  }
0x1f1: {  	_ =	strace $0x90000047  }
0x1f2: {  	s0 =	stileid.u32;
	[bflag:$0x2] =	sbarrier.arrive $0xFFFF  }
0x1f3: {  	p0 =	sne.s32 s0, $0x0;
	s0 =	rddreg [dreg:$0x4]  }
0x1f4: {  	s0 =	sadd.s32 @!p0 $0x100000, s0  }
0x1f5: {  	[sflag:s0] =	ssyncadd.tile.s32 @!p0 $0x1;
	_ =	shalt  }
.Lfunc_end2:
_tile_overlayer_lowered:
.L_overlay_start_2:
0x1f6: {  	(tag) =	ssettag $0x2  }
0x1f7: {  	s0 =	rddreg [dreg:$0x0];
	s2 =	stileid.u32  }
0x1f8: {  	s1 =	rddreg [dreg:$0x1];
	p0 =	sne.s32 s2, $0x0  }
0x1f9: {  	s3 =	rddreg [dreg:$0x2];
	[bflag:$0x3] =	sbarrier.arrive $0xFFFF;
	s2 =	simm.s32 @!p0 $0x1C01  }
0x1fa: {  	[timem:s3], [sflag:s2] =	dma.local @!p0 [hbm:s0], s1  }
0x1fb: {  	s0 =	simm.s32 @!p0 $0x1  }
0x1fc: {  	_ =	swait.ge @!p0 [sflag:s0], s1  }
0x1fd: {  	s1 =	ssub.s32 @!p0 $0x0, s1;
	[sflag:s0] =	ssyncset.done @!p0 $0x0  }
0x1fe: {  	[sflag:s0] =	ssyncadd.s32 @!p0 s1  }
0x1ff: {  	[bflag:$0x3] =	sbarrier.arrive $0xFFFF  }
0x200: {  	_ =	shalt  }

</sc_bundles>
